<compile_context>
chip_gen: v7x
topology: tpu7x:2x2x1
jax: 0.10.2.dev20260603
libtpu: 0.0.44.dev20260713+nightly
codegen_flags: <defaults>
</compile_context>

<pallas_src>
import functools

import jax
import jax.numpy as jnp
from jax import lax
from jax.experimental import pallas as pl
from jax.experimental.pallas import tpu as pltpu
from jax.experimental.pallas import tpu_sc as plsc

GX, GY, GZ, D = 64, 64, 64, 32
V = GX * GY * GZ
N = 262144

NC, NS, L = 2, 16, 16
NW = NC * NS
BPW = N // NW
C = 1024
NCH = BPW // C

_mesh = plsc.VectorSubcoreMesh(core_axis_name="c", subcore_axis_name="s")


@functools.partial(
    pl.kernel,
    mesh=_mesh,
    out_type=jax.ShapeDtypeStruct((N, D), jnp.float32),
    compiler_params=pltpu.CompilerParams(
        needs_layout_passes=False, use_tc_tiling_on_sc=False
    ),
    scratch_types=[
        pltpu.VMEM((2, C * 3), jnp.int32),
        pltpu.VMEM((2, C), jnp.int32),
        pltpu.VMEM((2, C, D), jnp.float32),
        pltpu.SemaphoreType.DMA,
        pltpu.SemaphoreType.DMA,
        pltpu.SemaphoreType.DMA,
        pltpu.SemaphoreType.DMA,
    ],
)
def _sc_gather(
    table_hbm, idx_hbm, out_hbm, idx_v, lin_v, rows_v,
    sem_g0, sem_g1, sem_o0, sem_o1,
):
    wid = lax.axis_index("s") * NC + lax.axis_index("c")
    base = wid * BPW
    sems_g = (sem_g0, sem_g1)
    sems_o = (sem_o0, sem_o1)

    def load_and_linearize(g, b):
        off = base + g * C
        pltpu.sync_copy(idx_hbm.at[pl.ds(off, C)], idx_v.at[b, pl.ds(0, C)])
        pltpu.sync_copy(idx_hbm.at[pl.ds(N + off, C)], idx_v.at[b, pl.ds(C, C)])
        pltpu.sync_copy(
            idx_hbm.at[pl.ds(2 * N + off, C)], idx_v.at[b, pl.ds(2 * C, C)]
        )

        def linearize(i, carry):
            sl = pl.ds(i * L, L)
            x = idx_v[b, pl.ds(i * L, L)]
            y = idx_v[b, pl.ds(C + i * L, L)]
            z = idx_v[b, pl.ds(2 * C + i * L, L)]
            s = (x << 6) + y
            lin_v[b, sl] = ((s >> 2) << 8) + (z << 2) + (s & 3)
            return carry

        lax.fori_loop(0, C // L, linearize, 0, unroll=4)

    def start_gather(b):
        return pltpu.async_copy(
            table_hbm.at[lin_v.at[b]], rows_v.at[b], sems_g[b]
        )

    def start_out(g, b):
        off = base + g * C
        return pltpu.async_copy(
            rows_v.at[b], out_hbm.at[pl.ds(off, C)], sems_o[b]
        )

    load_and_linearize(0, 0)
    gh = {0: start_gather(0)}
    oh = {}
    for g in range(NCH):
        b = g & 1
        nb = b ^ 1
        if g + 1 < NCH:
            load_and_linearize(g + 1, nb)
            if g - 1 in oh:
                oh.pop(g - 1).wait()
            gh.pop(g).wait()
            gh[g + 1] = start_gather(nb)
        else:
            gh.pop(g).wait()
        oh[g] = start_out(g, b)
    for h in oh.values():
        h.wait()


def _tc_detile_body(t2_ref, out_ref):
    x = t2_ref[...]
    xr = x.reshape(16, 128, 64)
    out_ref[...] = jnp.transpose(xr, (0, 2, 1))


_tc_detile = pl.pallas_call(
    _tc_detile_body,
    grid=(64,),
    in_specs=[pl.BlockSpec((64, 32, 64), lambda i: (i, 0, 0))],
    out_specs=pl.BlockSpec((16, 64, 128), lambda i: (i, 0, 0)),
    out_shape=jax.ShapeDtypeStruct((1024, 64, 128), jnp.float32),
)


def kernel(in_tensor, in_index):
    t2 = jnp.transpose(in_tensor, (0, 1, 3, 2)).reshape(4096, 32, 64)
    table = _tc_detile(t2).reshape(V, D)
    idx = in_index.astype(jnp.int32).T.reshape(3 * N)
    return _sc_gather(table, idx)

# --- scband reference (transcript-rebuilt; emitter-appended) ---
"""Pipeline reference for scband-grid-indexer-77120432767728 (READ-ONLY COPY).

The authoritative reference and input builder live on the scoring server;
editing this copy changes nothing except your own understanding.
"""

import jax, jax.numpy as jnp
import numpy as np


def setup_inputs(seed: int = 0) -> dict:
    key = jax.random.key(seed)
    k1, k2 = jax.random.split(key)
    in_tensor = jax.random.normal(k1, (64, 64, 64, 32), dtype=jnp.float32)
    in_index = jax.random.randint(k2, (262144, 3), 0, 64, dtype=jnp.int64)
    return {"in_tensor": in_tensor, "in_index": in_index}


def reference(in_tensor, in_index):
    # Grid_Indexer forward: for each point n, gather the feature vector at
    # grid cell (in_index[n,0], in_index[n,1], in_index[n,2]).
    # out[n, f] = in_tensor[ix, iy, iz, f]
    out_tensor = in_tensor[in_index[:, 0], in_index[:, 1], in_index[:, 2], :]
    return out_tensor

if __name__ == "__main__":
    import jax
    _d = setup_inputs()
    print(jax.jit(kernel)(*tuple(_d.values())))

</pallas_src>

<mosaic_0001>
#map = affine_map<(d0, d1) -> (0, 0)>
#map1 = affine_map<(d0, d1) -> (0)>
module attributes {stable_mosaic.version = 14 : i64} {
  func.func @_sc_gather(%arg0: i32, %arg1: i32, %arg2: memref<262144x32xf32, #tpu.memory_space<hbm>>, %arg3: memref<786432xi32, #tpu.memory_space<hbm>>, %arg4: memref<262144x32xf32, #tpu.memory_space<hbm>>, %arg5: memref<2x3072xi32, #tpu.memory_space<vmem>>, %arg6: memref<2x1024xi32, #tpu.memory_space<vmem>>, %arg7: memref<2x1024x32xf32, #tpu.memory_space<vmem>>, %arg8: memref<!tpu.dma_semaphore, #tpu.memory_space<semaphore_mem>>, %arg9: memref<!tpu.dma_semaphore, #tpu.memory_space<semaphore_mem>>, %arg10: memref<!tpu.dma_semaphore, #tpu.memory_space<semaphore_mem>>, %arg11: memref<!tpu.dma_semaphore, #tpu.memory_space<semaphore_mem>>) attributes {dimension_semantics = [#tpu.dimension_semantics<core_parallel>, #tpu.dimension_semantics<subcore_parallel>], iteration_bounds = array<i64: 2, 16>, scalar_prefetch = 0 : i64, scratch_operands = 7 : i64, tpu.core_type = #tpu.core_type<sc_vector_subcore>, window_params = [{transform_indices = #map}, {transform_indices = #map1}, {transform_indices = #map}]} {
    %mul3A = arith.constant 2 : i32
    %mul3A_0 = arith.muli %arg1, %mul3A : i32
    %add3A = arith.addi %mul3A_0, %arg0 : i32
    %mul3A_1 = arith.constant 8192 : i32
    %mul3A_2 = arith.muli %add3A, %mul3A_1 : i32
    %add3A_3 = arith.constant 0 : i32
    %add3A_4 = arith.addi %mul3A_2, %add3A_3 : i32
    %run_scoped3A = arith.constant 0 : i32
    "tpu.region"() ({
      %run_scoped3A_535 = tpu.sem_alloc : memref<!tpu.dma_semaphore, #tpu.memory_space<semaphore_mem>>
      %dma_start3A_536 = arith.constant 0 : i32
      %dma_start3A_537 = tpu.memref_slice %arg5[%run_scoped3A, %dma_start3A_536] : memref<2x3072xi32, #tpu.memory_space<vmem>> -> memref<1x1024xi32, #tpu.memory_space<vmem>>
      %dma_start3A_538 = tpu.memref_squeeze %dma_start3A_537 : memref<1x1024xi32, #tpu.memory_space<vmem>> -> memref<1024xi32, #tpu.memory_space<vmem>>
      %dma_start3A_539 = tpu.memref_slice %arg3[%add3A_4] : memref<786432xi32, #tpu.memory_space<hbm>> -> memref<1024xi32, #tpu.memory_space<hbm>>
      %dma_start3A_540 = arith.constant 0 : i32
      %dma_start3A_541 = tpu.memref_slice %arg5[%run_scoped3A, %dma_start3A_540] : memref<2x3072xi32, #tpu.memory_space<vmem>> -> memref<1x1024xi32, #tpu.memory_space<vmem>>
      %dma_start3A_542 = tpu.memref_squeeze %dma_start3A_541 : memref<1x1024xi32, #tpu.memory_space<vmem>> -> memref<1024xi32, #tpu.memory_space<vmem>>
      %dma_start3A_543 = tpu.memref_slice %arg3[%add3A_4] : memref<786432xi32, #tpu.memory_space<hbm>> -> memref<1024xi32, #tpu.memory_space<hbm>>
      tpu.enqueue_dma source(%dma_start3A_543 : memref<1024xi32, #tpu.memory_space<hbm>>) target(%dma_start3A_542 : memref<1024xi32, #tpu.memory_space<vmem>>) target_semaphore(%run_scoped3A_535 : memref<!tpu.dma_semaphore, #tpu.memory_space<semaphore_mem>>)
      %dma_wait3A_544 = arith.constant 0 : i32
      %dma_wait3A_545 = tpu.memref_slice %arg5[%run_scoped3A, %dma_wait3A_544] : memref<2x3072xi32, #tpu.memory_space<vmem>> -> memref<1x1024xi32, #tpu.memory_space<vmem>>
      %dma_wait3A_546 = tpu.memref_squeeze %dma_wait3A_545 : memref<1x1024xi32, #tpu.memory_space<vmem>> -> memref<1024xi32, #tpu.memory_space<vmem>>
      %dma_wait3A_547 = tpu.memref_slice %arg3[%add3A_4] : memref<786432xi32, #tpu.memory_space<hbm>> -> memref<1024xi32, #tpu.memory_space<hbm>>
      %dma_wait3A_548 = arith.constant 0 : i32
      %dma_wait3A_549 = tpu.memref_slice %arg5[%run_scoped3A, %dma_wait3A_548] : memref<2x3072xi32, #tpu.memory_space<vmem>> -> memref<1x1024xi32, #tpu.memory_space<vmem>>
      %dma_wait3A_550 = tpu.memref_squeeze %dma_wait3A_549 : memref<1x1024xi32, #tpu.memory_space<vmem>> -> memref<1024xi32, #tpu.memory_space<vmem>>
      %dma_wait3A_551 = tpu.memref_slice %arg3[%add3A_4] : memref<786432xi32, #tpu.memory_space<hbm>> -> memref<1024xi32, #tpu.memory_space<hbm>>
      tpu.wait_dma2 semaphore(%run_scoped3A_535 : memref<!tpu.dma_semaphore, #tpu.memory_space<semaphore_mem>>) src(%dma_wait3A_551 : memref<1024xi32, #tpu.memory_space<hbm>>) dst(%dma_wait3A_550 : memref<1024xi32, #tpu.memory_space<vmem>>)
      tpu.yield
    }) : () -> ()
    %add3A_5 = arith.constant 262144 : i32
    %add3A_6 = arith.addi %add3A_5, %add3A_4 : i32
    %run_scoped3A_7 = arith.constant 0 : i32
    "tpu.region"() ({
      %run_scoped3A_535 = tpu.sem_alloc : memref<!tpu.dma_semaphore, #tpu.memory_space<semaphore_mem>>
      %dma_start3A_536 = arith.constant 1024 : i32
      %dma_start3A_537 = tpu.memref_slice %arg5[%run_scoped3A_7, %dma_start3A_536] : memref<2x3072xi32, #tpu.memory_space<vmem>> -> memref<1x1024xi32, #tpu.memory_space<vmem>>
      %dma_start3A_538 = tpu.memref_squeeze %dma_start3A_537 : memref<1x1024xi32, #tpu.memory_space<vmem>> -> memref<1024xi32, #tpu.memory_space<vmem>>
      %dma_start3A_539 = tpu.memref_slice %arg3[%add3A_6] : memref<786432xi32, #tpu.memory_space<hbm>> -> memref<1024xi32, #tpu.memory_space<hbm>>
      %dma_start3A_540 = arith.constant 1024 : i32
      %dma_start3A_541 = tpu.memref_slice %arg5[%run_scoped3A_7, %dma_start3A_540] : memref<2x3072xi32, #tpu.memory_space<vmem>> -> memref<1x1024xi32, #tpu.memory_space<vmem>>
      %dma_start3A_542 = tpu.memref_squeeze %dma_start3A_541 : memref<1x1024xi32, #tpu.memory_space<vmem>> -> memref<1024xi32, #tpu.memory_space<vmem>>
      %dma_start3A_543 = tpu.memref_slice %arg3[%add3A_6] : memref<786432xi32, #tpu.memory_space<hbm>> -> memref<1024xi32, #tpu.memory_space<hbm>>
      tpu.enqueue_dma source(%dma_start3A_543 : memref<1024xi32, #tpu.memory_space<hbm>>) target(%dma_start3A_542 : memref<1024xi32, #tpu.memory_space<vmem>>) target_semaphore(%run_scoped3A_535 : memref<!tpu.dma_semaphore, #tpu.memory_space<semaphore_mem>>)
      %dma_wait3A_544 = arith.constant 1024 : i32
      %dma_wait3A_545 = tpu.memref_slice %arg5[%run_scoped3A_7, %dma_wait3A_544] : memref<2x3072xi32, #tpu.memory_space<vmem>> -> memref<1x1024xi32, #tpu.memory_space<vmem>>
      %dma_wait3A_546 = tpu.memref_squeeze %dma_wait3A_545 : memref<1x1024xi32, #tpu.memory_space<vmem>> -> memref<1024xi32, #tpu.memory_space<vmem>>
      %dma_wait3A_547 = tpu.memref_slice %arg3[%add3A_6] : memref<786432xi32, #tpu.memory_space<hbm>> -> memref<1024xi32, #tpu.memory_space<hbm>>
      %dma_wait3A_548 = arith.constant 1024 : i32
      %dma_wait3A_549 = tpu.memref_slice %arg5[%run_scoped3A_7, %dma_wait3A_548] : memref<2x3072xi32, #tpu.memory_space<vmem>> -> memref<1x1024xi32, #tpu.memory_space<vmem>>
      %dma_wait3A_550 = tpu.memref_squeeze %dma_wait3A_549 : memref<1x1024xi32, #tpu.memory_space<vmem>> -> memref<1024xi32, #tpu.memory_space<vmem>>
      %dma_wait3A_551 = tpu.memref_slice %arg3[%add3A_6] : memref<786432xi32, #tpu.memory_space<hbm>> -> memref<1024xi32, #tpu.memory_space<hbm>>
      tpu.wait_dma2 semaphore(%run_scoped3A_535 : memref<!tpu.dma_semaphore, #tpu.memory_space<semaphore_mem>>) src(%dma_wait3A_551 : memref<1024xi32, #tpu.memory_space<hbm>>) dst(%dma_wait3A_550 : memref<1024xi32, #tpu.memory_space<vmem>>)
      tpu.yield
    }) : () -> ()
    %add3A_8 = arith.constant 524288 : i32
    %add3A_9 = arith.addi %add3A_8, %add3A_4 : i32
    %run_scoped3A_10 = arith.constant 0 : i32
    "tpu.region"() ({
      %run_scoped3A_535 = tpu.sem_alloc : memref<!tpu.dma_semaphore, #tpu.memory_space<semaphore_mem>>
      %dma_start3A_536 = arith.constant 2048 : i32
      %dma_start3A_537 = tpu.memref_slice %arg5[%run_scoped3A_10, %dma_start3A_536] : memref<2x3072xi32, #tpu.memory_space<vmem>> -> memref<1x1024xi32, #tpu.memory_space<vmem>>
      %dma_start3A_538 = tpu.memref_squeeze %dma_start3A_537 : memref<1x1024xi32, #tpu.memory_space<vmem>> -> memref<1024xi32, #tpu.memory_space<vmem>>
      %dma_start3A_539 = tpu.memref_slice %arg3[%add3A_9] : memref<786432xi32, #tpu.memory_space<hbm>> -> memref<1024xi32, #tpu.memory_space<hbm>>
      %dma_start3A_540 = arith.constant 2048 : i32
      %dma_start3A_541 = tpu.memref_slice %arg5[%run_scoped3A_10, %dma_start3A_540] : memref<2x3072xi32, #tpu.memory_space<vmem>> -> memref<1x1024xi32, #tpu.memory_space<vmem>>
      %dma_start3A_542 = tpu.memref_squeeze %dma_start3A_541 : memref<1x1024xi32, #tpu.memory_space<vmem>> -> memref<1024xi32, #tpu.memory_space<vmem>>
      %dma_start3A_543 = tpu.memref_slice %arg3[%add3A_9] : memref<786432xi32, #tpu.memory_space<hbm>> -> memref<1024xi32, #tpu.memory_space<hbm>>
      tpu.enqueue_dma source(%dma_start3A_543 : memref<1024xi32, #tpu.memory_space<hbm>>) target(%dma_start3A_542 : memref<1024xi32, #tpu.memory_space<vmem>>) target_semaphore(%run_scoped3A_535 : memref<!tpu.dma_semaphore, #tpu.memory_space<semaphore_mem>>)
      %dma_wait3A_544 = arith.constant 2048 : i32
      %dma_wait3A_545 = tpu.memref_slice %arg5[%run_scoped3A_10, %dma_wait3A_544] : memref<2x3072xi32, #tpu.memory_space<vmem>> -> memref<1x1024xi32, #tpu.memory_space<vmem>>
      %dma_wait3A_546 = tpu.memref_squeeze %dma_wait3A_545 : memref<1x1024xi32, #tpu.memory_space<vmem>> -> memref<1024xi32, #tpu.memory_space<vmem>>
      %dma_wait3A_547 = tpu.memref_slice %arg3[%add3A_9] : memref<786432xi32, #tpu.memory_space<hbm>> -> memref<1024xi32, #tpu.memory_space<hbm>>
      %dma_wait3A_548 = arith.constant 2048 : i32
      %dma_wait3A_549 = tpu.memref_slice %arg5[%run_scoped3A_10, %dma_wait3A_548] : memref<2x3072xi32, #tpu.memory_space<vmem>> -> memref<1x1024xi32, #tpu.memory_space<vmem>>
      %dma_wait3A_550 = tpu.memref_squeeze %dma_wait3A_549 : memref<1x1024xi32, #tpu.memory_space<vmem>> -> memref<1024xi32, #tpu.memory_space<vmem>>
      %dma_wait3A_551 = tpu.memref_slice %arg3[%add3A_9] : memref<786432xi32, #tpu.memory_space<hbm>> -> memref<1024xi32, #tpu.memory_space<hbm>>
      tpu.wait_dma2 semaphore(%run_scoped3A_535 : memref<!tpu.dma_semaphore, #tpu.memory_space<semaphore_mem>>) src(%dma_wait3A_551 : memref<1024xi32, #tpu.memory_space<hbm>>) dst(%dma_wait3A_550 : memref<1024xi32, #tpu.memory_space<vmem>>)
      tpu.yield
    }) : () -> ()
    %scan3A = arith.constant 0 : i32
    %scan3A_11 = arith.constant 0 : i32
    %scan3A_12 = arith.constant 64 : i32
    %scan3A_13 = arith.addi %scan3A_11, %scan3A_12 : i32
    %scan3A_14 = arith.constant 4 : i32
    scf.for %scan3A_535 = %scan3A_11 to %scan3A_13 step %scan3A_14  : i32 {
      %mul3A_536 = arith.constant 16 : i32
      %mul3A_537 = arith.muli %scan3A_535, %mul3A_536 : i32
      %mul3A_538 = arith.constant 16 : i32
      %mul3A_539 = arith.muli %scan3A_535, %mul3A_538 : i32
      %get3A = arith.constant 0 : i32
      %get3A_540 = arith.index_cast %get3A : i32 to index
      %get3A_541 = arith.index_cast %mul3A_539 : i32 to index
      %get3A_542 = tpu.vector_load %arg5[%get3A_540, %get3A_541] {strides = array<i32>} : memref<2x3072xi32, #tpu.memory_space<vmem>>, vector<16xi32>,
      %mul3A_543 = arith.constant 16 : i32
      %mul3A_544 = arith.muli %scan3A_535, %mul3A_543 : i32
      %add3A_545 = arith.constant 1024 : i32
      %add3A_546 = arith.addi %add3A_545, %mul3A_544 : i32
      %get3A_547 = arith.constant 0 : i32
      %get3A_548 = arith.index_cast %get3A_547 : i32 to index
      %get3A_549 = arith.index_cast %add3A_546 : i32 to index
      %get3A_550 = tpu.vector_load %arg5[%get3A_548, %get3A_549] {strides = array<i32>} : memref<2x3072xi32, #tpu.memory_space<vmem>>, vector<16xi32>,
      %mul3A_551 = arith.constant 16 : i32
      %mul3A_552 = arith.muli %scan3A_535, %mul3A_551 : i32
      %add3A_553 = arith.constant 2048 : i32
      %add3A_554 = arith.addi %add3A_553, %mul3A_552 : i32
      %get3A_555 = arith.constant 0 : i32
      %get3A_556 = arith.index_cast %get3A_555 : i32 to index
      %get3A_557 = arith.index_cast %add3A_554 : i32 to index
      %get3A_558 = tpu.vector_load %arg5[%get3A_556, %get3A_557] {strides = array<i32>} : memref<2x3072xi32, #tpu.memory_space<vmem>>, vector<16xi32>,
      %shift_left3A = arith.constant 6 : i32
      %shift_left3A_559 = vector.broadcast %shift_left3A : i32 to vector<16xi32>
      %shift_left3A_560 = arith.shli %get3A_542, %shift_left3A_559 : vector<16xi32>
      %add3A_561 = arith.addi %shift_left3A_560, %get3A_550 : vector<16xi32>
      %shift_right_arithmetic3A = arith.constant 2 : i32
      %shift_right_arithmetic3A_562 = vector.broadcast %shift_right_arithmetic3A : i32 to vector<16xi32>
      %shift_right_arithmetic3A_563 = arith.shrsi %add3A_561, %shift_right_arithmetic3A_562 : vector<16xi32>
      %shift_left3A_564 = arith.constant 8 : i32
      %shift_left3A_565 = vector.broadcast %shift_left3A_564 : i32 to vector<16xi32>
      %shift_left3A_566 = arith.shli %shift_right_arithmetic3A_563, %shift_left3A_565 : vector<16xi32>
      %shift_left3A_567 = arith.constant 2 : i32
      %shift_left3A_568 = vector.broadcast %shift_left3A_567 : i32 to vector<16xi32>
      %shift_left3A_569 = arith.shli %get3A_558, %shift_left3A_568 : vector<16xi32>
      %add3A_570 = arith.addi %shift_left3A_566, %shift_left3A_569 : vector<16xi32>
      %and3A = arith.constant 3 : i32
      %and3A_571 = vector.broadcast %and3A : i32 to vector<16xi32>
      %and3A_572 = arith.andi %add3A_561, %and3A_571 : vector<16xi32>
      %add3A_573 = arith.addi %add3A_570, %and3A_572 : vector<16xi32>
      %swap3A = arith.constant 0 : i32
      %swap3A_574 = arith.index_cast %swap3A : i32 to index
      %swap3A_575 = arith.index_cast %mul3A_537 : i32 to index
      %swap3A_576 = tpu.vector_load %arg6[%swap3A_574, %swap3A_575] {strides = array<i32>} : memref<2x1024xi32, #tpu.memory_space<vmem>>, vector<16xi32>,
      tpu.vector_store %arg6[%swap3A_574, %swap3A_575], %add3A_573 {strides = array<i32>} : memref<2x1024xi32, #tpu.memory_space<vmem>>, vector<16xi32>,
      %scan3A_577 = arith.constant 1 : i32
      %scan3A_578 = arith.addi %scan3A_535, %scan3A_577 : i32
      %mul3A_579 = arith.constant 16 : i32
      %mul3A_580 = arith.muli %scan3A_578, %mul3A_579 : i32
      %mul3A_581 = arith.constant 16 : i32
      %mul3A_582 = arith.muli %scan3A_578, %mul3A_581 : i32
      %get3A_583 = arith.constant 0 : i32
      %get3A_584 = arith.index_cast %get3A_583 : i32 to index
      %get3A_585 = arith.index_cast %mul3A_582 : i32 to index
      %get3A_586 = tpu.vector_load %arg5[%get3A_584, %get3A_585] {strides = array<i32>} : memref<2x3072xi32, #tpu.memory_space<vmem>>, vector<16xi32>,
      %mul3A_587 = arith.constant 16 : i32
      %mul3A_588 = arith.muli %scan3A_578, %mul3A_587 : i32
      %add3A_589 = arith.constant 1024 : i32
      %add3A_590 = arith.addi %add3A_589, %mul3A_588 : i32
      %get3A_591 = arith.constant 0 : i32
      %get3A_592 = arith.index_cast %get3A_591 : i32 to index
      %get3A_593 = arith.index_cast %add3A_590 : i32 to index
      %get3A_594 = tpu.vector_load %arg5[%get3A_592, %get3A_593] {strides = array<i32>} : memref<2x3072xi32, #tpu.memory_space<vmem>>, vector<16xi32>,
      %mul3A_595 = arith.constant 16 : i32
      %mul3A_596 = arith.muli %scan3A_578, %mul3A_595 : i32
      %add3A_597 = arith.constant 2048 : i32
      %add3A_598 = arith.addi %add3A_597, %mul3A_596 : i32
      %get3A_599 = arith.constant 0 : i32
      %get3A_600 = arith.index_cast %get3A_599 : i32 to index
      %get3A_601 = arith.index_cast %add3A_598 : i32 to index
      %get3A_602 = tpu.vector_load %arg5[%get3A_600, %get3A_601] {strides = array<i32>} : memref<2x3072xi32, #tpu.memory_space<vmem>>, vector<16xi32>,
      %shift_left3A_603 = arith.constant 6 : i32
      %shift_left3A_604 = vector.broadcast %shift_left3A_603 : i32 to vector<16xi32>
      %shift_left3A_605 = arith.shli %get3A_586, %shift_left3A_604 : vector<16xi32>
      %add3A_606 = arith.addi %shift_left3A_605, %get3A_594 : vector<16xi32>
      %shift_right_arithmetic3A_607 = arith.constant 2 : i32
      %shift_right_arithmetic3A_608 = vector.broadcast %shift_right_arithmetic3A_607 : i32 to vector<16xi32>
      %shift_right_arithmetic3A_609 = arith.shrsi %add3A_606, %shift_right_arithmetic3A_608 : vector<16xi32>
      %shift_left3A_610 = arith.constant 8 : i32
      %shift_left3A_611 = vector.broadcast %shift_left3A_610 : i32 to vector<16xi32>
      %shift_left3A_612 = arith.shli %shift_right_arithmetic3A_609, %shift_left3A_611 : vector<16xi32>
      %shift_left3A_613 = arith.constant 2 : i32
      %shift_left3A_614 = vector.broadcast %shift_left3A_613 : i32 to vector<16xi32>
      %shift_left3A_615 = arith.shli %get3A_602, %shift_left3A_614 : vector<16xi32>
      %add3A_616 = arith.addi %shift_left3A_612, %shift_left3A_615 : vector<16xi32>
      %and3A_617 = arith.constant 3 : i32
      %and3A_618 = vector.broadcast %and3A_617 : i32 to vector<16xi32>
      %and3A_619 = arith.andi %add3A_606, %and3A_618 : vector<16xi32>
      %add3A_620 = arith.addi %add3A_616, %and3A_619 : vector<16xi32>
      %swap3A_621 = arith.constant 0 : i32
      %swap3A_622 = arith.index_cast %swap3A_621 : i32 to index
      %swap3A_623 = arith.index_cast %mul3A_580 : i32 to index
      %swap3A_624 = tpu.vector_load %arg6[%swap3A_622, %swap3A_623] {strides = array<i32>} : memref<2x1024xi32, #tpu.memory_space<vmem>>, vector<16xi32>,
      tpu.vector_store %arg6[%swap3A_622, %swap3A_623], %add3A_620 {strides = array<i32>} : memref<2x1024xi32, #tpu.memory_space<vmem>>, vector<16xi32>,
      %scan3A_625 = arith.constant 2 : i32
      %scan3A_626 = arith.addi %scan3A_535, %scan3A_625 : i32
      %mul3A_627 = arith.constant 16 : i32
      %mul3A_628 = arith.muli %scan3A_626, %mul3A_627 : i32
      %mul3A_629 = arith.constant 16 : i32
      %mul3A_630 = arith.muli %scan3A_626, %mul3A_629 : i32
      %get3A_631 = arith.constant 0 : i32
      %get3A_632 = arith.index_cast %get3A_631 : i32 to index
      %get3A_633 = arith.index_cast %mul3A_630 : i32 to index
      %get3A_634 = tpu.vector_load %arg5[%get3A_632, %get3A_633] {strides = array<i32>} : memref<2x3072xi32, #tpu.memory_space<vmem>>, vector<16xi32>,
      %mul3A_635 = arith.constant 16 : i32
      %mul3A_636 = arith.muli %scan3A_626, %mul3A_635 : i32
      %add3A_637 = arith.constant 1024 : i32
      %add3A_638 = arith.addi %add3A_637, %mul3A_636 : i32
      %get3A_639 = arith.constant 0 : i32
      %get3A_640 = arith.index_cast %get3A_639 : i32 to index
      %get3A_641 = arith.index_cast %add3A_638 : i32 to index
      %get3A_642 = tpu.vector_load %arg5[%get3A_640, %get3A_641] {strides = array<i32>} : memref<2x3072xi32, #tpu.memory_space<vmem>>, vector<16xi32>,
      %mul3A_643 = arith.constant 16 : i32
      %mul3A_644 = arith.muli %scan3A_626, %mul3A_643 : i32
      %add3A_645 = arith.constant 2048 : i32
      %add3A_646 = arith.addi %add3A_645, %mul3A_644 : i32
      %get3A_647 = arith.constant 0 : i32
      %get3A_648 = arith.index_cast %get3A_647 : i32 to index
      %get3A_649 = arith.index_cast %add3A_646 : i32 to index
      %get3A_650 = tpu.vector_load %arg5[%get3A_648, %get3A_649] {strides = array<i32>} : memref<2x3072xi32, #tpu.memory_space<vmem>>, vector<16xi32>,
      %shift_left3A_651 = arith.constant 6 : i32
      %shift_left3A_652 = vector.broadcast %shift_left3A_651 : i32 to vector<16xi32>
      %shift_left3A_653 = arith.shli %get3A_634, %shift_left3A_652 : vector<16xi32>
      %add3A_654 = arith.addi %shift_left3A_653, %get3A_642 : vector<16xi32>
      %shift_right_arithmetic3A_655 = arith.constant 2 : i32
      %shift_right_arithmetic3A_656 = vector.broadcast %shift_right_arithmetic3A_655 : i32 to vector<16xi32>
      %shift_right_arithmetic3A_657 = arith.shrsi %add3A_654, %shift_right_arithmetic3A_656 : vector<16xi32>
      %shift_left3A_658 = arith.constant 8 : i32
      %shift_left3A_659 = vector.broadcast %shift_left3A_658 : i32 to vector<16xi32>
      %shift_left3A_660 = arith.shli %shift_right_arithmetic3A_657, %shift_left3A_659 : vector<16xi32>
      %shift_left3A_661 = arith.constant 2 : i32
      %shift_left3A_662 = vector.broadcast %shift_left3A_661 : i32 to vector<16xi32>
      %shift_left3A_663 = arith.shli %get3A_650, %shift_left3A_662 : vector<16xi32>
      %add3A_664 = arith.addi %shift_left3A_660, %shift_left3A_663 : vector<16xi32>
      %and3A_665 = arith.constant 3 : i32
      %and3A_666 = vector.broadcast %and3A_665 : i32 to vector<16xi32>
      %and3A_667 = arith.andi %add3A_654, %and3A_666 : vector<16xi32>
      %add3A_668 = arith.addi %add3A_664, %and3A_667 : vector<16xi32>
      %swap3A_669 = arith.constant 0 : i32
      %swap3A_670 = arith.index_cast %swap3A_669 : i32 to index
      %swap3A_671 = arith.index_cast %mul3A_628 : i32 to index
      %swap3A_672 = tpu.vector_load %arg6[%swap3A_670, %swap3A_671] {strides = array<i32>} : memref<2x1024xi32, #tpu.memory_space<vmem>>, vector<16xi32>,
      tpu.vector_store %arg6[%swap3A_670, %swap3A_671], %add3A_668 {strides = array<i32>} : memref<2x1024xi32, #tpu.memory_space<vmem>>, vector<16xi32>,
      %scan3A_673 = arith.constant 3 : i32
      %scan3A_674 = arith.addi %scan3A_535, %scan3A_673 : i32
      %mul3A_675 = arith.constant 16 : i32
      %mul3A_676 = arith.muli %scan3A_674, %mul3A_675 : i32
      %mul3A_677 = arith.constant 16 : i32
      %mul3A_678 = arith.muli %scan3A_674, %mul3A_677 : i32
      %get3A_679 = arith.constant 0 : i32
      %get3A_680 = arith.index_cast %get3A_679 : i32 to index
      %get3A_681 = arith.index_cast %mul3A_678 : i32 to index
      %get3A_682 = tpu.vector_load %arg5[%get3A_680, %get3A_681] {strides = array<i32>} : memref<2x3072xi32, #tpu.memory_space<vmem>>, vector<16xi32>,
      %mul3A_683 = arith.constant 16 : i32
      %mul3A_684 = arith.muli %scan3A_674, %mul3A_683 : i32
      %add3A_685 = arith.constant 1024 : i32
      %add3A_686 = arith.addi %add3A_685, %mul3A_684 : i32
      %get3A_687 = arith.constant 0 : i32
      %get3A_688 = arith.index_cast %get3A_687 : i32 to index
      %get3A_689 = arith.index_cast %add3A_686 : i32 to index
      %get3A_690 = tpu.vector_load %arg5[%get3A_688, %get3A_689] {strides = array<i32>} : memref<2x3072xi32, #tpu.memory_space<vmem>>, vector<16xi32>,
      %mul3A_691 = arith.constant 16 : i32
      %mul3A_692 = arith.muli %scan3A_674, %mul3A_691 : i32
      %add3A_693 = arith.constant 2048 : i32
      %add3A_694 = arith.addi %add3A_693, %mul3A_692 : i32
      %get3A_695 = arith.constant 0 : i32
      %get3A_696 = arith.index_cast %get3A_695 : i32 to index
      %get3A_697 = arith.index_cast %add3A_694 : i32 to index
      %get3A_698 = tpu.vector_load %arg5[%get3A_696, %get3A_697] {strides = array<i32>} : memref<2x3072xi32, #tpu.memory_space<vmem>>, vector<16xi32>,
      %shift_left3A_699 = arith.constant 6 : i32
      %shift_left3A_700 = vector.broadcast %shift_left3A_699 : i32 to vector<16xi32>
      %shift_left3A_701 = arith.shli %get3A_682, %shift_left3A_700 : vector<16xi32>
      %add3A_702 = arith.addi %shift_left3A_701, %get3A_690 : vector<16xi32>
      %shift_right_arithmetic3A_703 = arith.constant 2 : i32
      %shift_right_arithmetic3A_704 = vector.broadcast %shift_right_arithmetic3A_703 : i32 to vector<16xi32>
      %shift_right_arithmetic3A_705 = arith.shrsi %add3A_702, %shift_right_arithmetic3A_704 : vector<16xi32>
      %shift_left3A_706 = arith.constant 8 : i32
      %shift_left3A_707 = vector.broadcast %shift_left3A_706 : i32 to vector<16xi32>
      %shift_left3A_708 = arith.shli %shift_right_arithmetic3A_705, %shift_left3A_707 : vector<16xi32>
      %shift_left3A_709 = arith.constant 2 : i32
      %shift_left3A_710 = vector.broadcast %shift_left3A_709 : i32 to vector<16xi32>
      %shift_left3A_711 = arith.shli %get3A_698, %shift_left3A_710 : vector<16xi32>
      %add3A_712 = arith.addi %shift_left3A_708, %shift_left3A_711 : vector<16xi32>
      %and3A_713 = arith.constant 3 : i32
      %and3A_714 = vector.broadcast %and3A_713 : i32 to vector<16xi32>
      %and3A_715 = arith.andi %add3A_702, %and3A_714 : vector<16xi32>
      %add3A_716 = arith.addi %add3A_712, %and3A_715 : vector<16xi32>
      %swap3A_717 = arith.constant 0 : i32
      %swap3A_718 = arith.index_cast %swap3A_717 : i32 to index
      %swap3A_719 = arith.index_cast %mul3A_676 : i32 to index
      %swap3A_720 = tpu.vector_load %arg6[%swap3A_718, %swap3A_719] {strides = array<i32>} : memref<2x1024xi32, #tpu.memory_space<vmem>>, vector<16xi32>,
      tpu.vector_store %arg6[%swap3A_718, %swap3A_719], %add3A_716 {strides = array<i32>} : memref<2x1024xi32, #tpu.memory_space<vmem>>, vector<16xi32>,
    }
    %scan3A_15 = arith.constant 64 : i32
    %dma_start3A = arith.constant 0 : i32
    %dma_start3A_16 = arith.constant 0 : i32
    %dma_start3A_17 = arith.constant 0 : i32
    %dma_start3A_18 = arith.constant 0 : i32
    %dma_start3A_19 = tpu.memref_slice %arg7[%dma_start3A_16, %dma_start3A_17, %dma_start3A_18] : memref<2x1024x32xf32, #tpu.memory_space<vmem>> -> memref<1x1024x32xf32, #tpu.memory_space<vmem>>
    %dma_start3A_20 = tpu.memref_squeeze %dma_start3A_19 : memref<1x1024x32xf32, #tpu.memory_space<vmem>> -> memref<1024x32xf32, #tpu.memory_space<vmem>>
    %dma_start3A_21 = arith.constant 0 : i32
    %dma_start3A_22 = tpu.memref_slice %arg6[%dma_start3A, %dma_start3A_21] : memref<2x1024xi32, #tpu.memory_space<vmem>> -> memref<1x1024xi32, #tpu.memory_space<vmem>>
    %dma_start3A_23 = tpu.memref_squeeze %dma_start3A_22 : memref<1x1024xi32, #tpu.memory_space<vmem>> -> memref<1024xi32, #tpu.memory_space<vmem>>
    %dma_start3A_24 = arith.constant 0 : i32
    %dma_start3A_25 = arith.constant 0 : i32
    %dma_start3A_26 = tpu.memref_slice %arg2[%dma_start3A_24, %dma_start3A_25] : memref<262144x32xf32, #tpu.memory_space<hbm>> -> memref<262144x32xf32, #tpu.memory_space<hbm>>
    tpu.enqueue_indirect_dma source(%dma_start3A_26 : memref<262144x32xf32, #tpu.memory_space<hbm>>) target(%dma_start3A_20 : memref<1024x32xf32, #tpu.memory_space<vmem>>) offsets(%dma_start3A_23 : memref<1024xi32, #tpu.memory_space<vmem>>) semaphore(%arg8 : memref<!tpu.dma_semaphore, #tpu.memory_space<semaphore_mem>>)
    %add3A_27 = arith.constant 1024 : i32
    %add3A_28 = arith.addi %mul3A_2, %add3A_27 : i32
    %run_scoped3A_29 = arith.constant 1 : i32
    "tpu.region"() ({
      %run_scoped3A_535 = tpu.sem_alloc : memref<!tpu.dma_semaphore, #tpu.memory_space<semaphore_mem>>
      %dma_start3A_536 = arith.constant 0 : i32
      %dma_start3A_537 = tpu.memref_slice %arg5[%run_scoped3A_29, %dma_start3A_536] : memref<2x3072xi32, #tpu.memory_space<vmem>> -> memref<1x1024xi32, #tpu.memory_space<vmem>>
      %dma_start3A_538 = tpu.memref_squeeze %dma_start3A_537 : memref<1x1024xi32, #tpu.memory_space<vmem>> -> memref<1024xi32, #tpu.memory_space<vmem>>
      %dma_start3A_539 = tpu.memref_slice %arg3[%add3A_28] : memref<786432xi32, #tpu.memory_space<hbm>> -> memref<1024xi32, #tpu.memory_space<hbm>>
      %dma_start3A_540 = arith.constant 0 : i32
      %dma_start3A_541 = tpu.memref_slice %arg5[%run_scoped3A_29, %dma_start3A_540] : memref<2x3072xi32, #tpu.memory_space<vmem>> -> memref<1x1024xi32, #tpu.memory_space<vmem>>
      %dma_start3A_542 = tpu.memref_squeeze %dma_start3A_541 : memref<1x1024xi32, #tpu.memory_space<vmem>> -> memref<1024xi32, #tpu.memory_space<vmem>>
      %dma_start3A_543 = tpu.memref_slice %arg3[%add3A_28] : memref<786432xi32, #tpu.memory_space<hbm>> -> memref<1024xi32, #tpu.memory_space<hbm>>
      tpu.enqueue_dma source(%dma_start3A_543 : memref<1024xi32, #tpu.memory_space<hbm>>) target(%dma_start3A_542 : memref<1024xi32, #tpu.memory_space<vmem>>) target_semaphore(%run_scoped3A_535 : memref<!tpu.dma_semaphore, #tpu.memory_space<semaphore_mem>>)
      %dma_wait3A_544 = arith.constant 0 : i32
      %dma_wait3A_545 = tpu.memref_slice %arg5[%run_scoped3A_29, %dma_wait3A_544] : memref<2x3072xi32, #tpu.memory_space<vmem>> -> memref<1x1024xi32, #tpu.memory_space<vmem>>
      %dma_wait3A_546 = tpu.memref_squeeze %dma_wait3A_545 : memref<1x1024xi32, #tpu.memory_space<vmem>> -> memref<1024xi32, #tpu.memory_space<vmem>>
      %dma_wait3A_547 = tpu.memref_slice %arg3[%add3A_28] : memref<786432xi32, #tpu.memory_space<hbm>> -> memref<1024xi32, #tpu.memory_space<hbm>>
      %dma_wait3A_548 = arith.constant 0 : i32
      %dma_wait3A_549 = tpu.memref_slice %arg5[%run_scoped3A_29, %dma_wait3A_548] : memref<2x3072xi32, #tpu.memory_space<vmem>> -> memref<1x1024xi32, #tpu.memory_space<vmem>>
      %dma_wait3A_550 = tpu.memref_squeeze %dma_wait3A_549 : memref<1x1024xi32, #tpu.memory_space<vmem>> -> memref<1024xi32, #tpu.memory_space<vmem>>
      %dma_wait3A_551 = tpu.memref_slice %arg3[%add3A_28] : memref<786432xi32, #tpu.memory_space<hbm>> -> memref<1024xi32, #tpu.memory_space<hbm>>
      tpu.wait_dma2 semaphore(%run_scoped3A_535 : memref<!tpu.dma_semaphore, #tpu.memory_space<semaphore_mem>>) src(%dma_wait3A_551 : memref<1024xi32, #tpu.memory_space<hbm>>) dst(%dma_wait3A_550 : memref<1024xi32, #tpu.memory_space<vmem>>)
      tpu.yield
    }) : () -> ()
    %add3A_30 = arith.constant 262144 : i32
    %add3A_31 = arith.addi %add3A_30, %add3A_28 : i32
    %run_scoped3A_32 = arith.constant 1 : i32
    "tpu.region"() ({
      %run_scoped3A_535 = tpu.sem_alloc : memref<!tpu.dma_semaphore, #tpu.memory_space<semaphore_mem>>
      %dma_start3A_536 = arith.constant 1024 : i32
      %dma_start3A_537 = tpu.memref_slice %arg5[%run_scoped3A_32, %dma_start3A_536] : memref<2x3072xi32, #tpu.memory_space<vmem>> -> memref<1x1024xi32, #tpu.memory_space<vmem>>
      %dma_start3A_538 = tpu.memref_squeeze %dma_start3A_537 : memref<1x1024xi32, #tpu.memory_space<vmem>> -> memref<1024xi32, #tpu.memory_space<vmem>>
      %dma_start3A_539 = tpu.memref_slice %arg3[%add3A_31] : memref<786432xi32, #tpu.memory_space<hbm>> -> memref<1024xi32, #tpu.memory_space<hbm>>
      %dma_start3A_540 = arith.constant 1024 : i32
      %dma_start3A_541 = tpu.memref_slice %arg5[%run_scoped3A_32, %dma_start3A_540] : memref<2x3072xi32, #tpu.memory_space<vmem>> -> memref<1x1024xi32, #tpu.memory_space<vmem>>
      %dma_start3A_542 = tpu.memref_squeeze %dma_start3A_541 : memref<1x1024xi32, #tpu.memory_space<vmem>> -> memref<1024xi32, #tpu.memory_space<vmem>>
      %dma_start3A_543 = tpu.memref_slice %arg3[%add3A_31] : memref<786432xi32, #tpu.memory_space<hbm>> -> memref<1024xi32, #tpu.memory_space<hbm>>
      tpu.enqueue_dma source(%dma_start3A_543 : memref<1024xi32, #tpu.memory_space<hbm>>) target(%dma_start3A_542 : memref<1024xi32, #tpu.memory_space<vmem>>) target_semaphore(%run_scoped3A_535 : memref<!tpu.dma_semaphore, #tpu.memory_space<semaphore_mem>>)
      %dma_wait3A_544 = arith.constant 1024 : i32
      %dma_wait3A_545 = tpu.memref_slice %arg5[%run_scoped3A_32, %dma_wait3A_544] : memref<2x3072xi32, #tpu.memory_space<vmem>> -> memref<1x1024xi32, #tpu.memory_space<vmem>>
      %dma_wait3A_546 = tpu.memref_squeeze %dma_wait3A_545 : memref<1x1024xi32, #tpu.memory_space<vmem>> -> memref<1024xi32, #tpu.memory_space<vmem>>
      %dma_wait3A_547 = tpu.memref_slice %arg3[%add3A_31] : memref<786432xi32, #tpu.memory_space<hbm>> -> memref<1024xi32, #tpu.memory_space<hbm>>
      %dma_wait3A_548 = arith.constant 1024 : i32
      %dma_wait3A_549 = tpu.memref_slice %arg5[%run_scoped3A_32, %dma_wait3A_548] : memref<2x3072xi32, #tpu.memory_space<vmem>> -> memref<1x1024xi32, #tpu.memory_space<vmem>>
      %dma_wait3A_550 = tpu.memref_squeeze %dma_wait3A_549 : memref<1x1024xi32, #tpu.memory_space<vmem>> -> memref<1024xi32, #tpu.memory_space<vmem>>
      %dma_wait3A_551 = tpu.memref_slice %arg3[%add3A_31] : memref<786432xi32, #tpu.memory_space<hbm>> -> memref<1024xi32, #tpu.memory_space<hbm>>
      tpu.wait_dma2 semaphore(%run_scoped3A_535 : memref<!tpu.dma_semaphore, #tpu.memory_space<semaphore_mem>>) src(%dma_wait3A_551 : memref<1024xi32, #tpu.memory_space<hbm>>) dst(%dma_wait3A_550 : memref<1024xi32, #tpu.memory_space<vmem>>)
      tpu.yield
    }) : () -> ()
    %add3A_33 = arith.constant 524288 : i32
    %add3A_34 = arith.addi %add3A_33, %add3A_28 : i32
    %run_scoped3A_35 = arith.constant 1 : i32
    "tpu.region"() ({
      %run_scoped3A_535 = tpu.sem_alloc : memref<!tpu.dma_semaphore, #tpu.memory_space<semaphore_mem>>
      %dma_start3A_536 = arith.constant 2048 : i32
      %dma_start3A_537 = tpu.memref_slice %arg5[%run_scoped3A_35, %dma_start3A_536] : memref<2x3072xi32, #tpu.memory_space<vmem>> -> memref<1x1024xi32, #tpu.memory_space<vmem>>
      %dma_start3A_538 = tpu.memref_squeeze %dma_start3A_537 : memref<1x1024xi32, #tpu.memory_space<vmem>> -> memref<1024xi32, #tpu.memory_space<vmem>>
      %dma_start3A_539 = tpu.memref_slice %arg3[%add3A_34] : memref<786432xi32, #tpu.memory_space<hbm>> -> memref<1024xi32, #tpu.memory_space<hbm>>
      %dma_start3A_540 = arith.constant 2048 : i32
      %dma_start3A_541 = tpu.memref_slice %arg5[%run_scoped3A_35, %dma_start3A_540] : memref<2x3072xi32, #tpu.memory_space<vmem>> -> memref<1x1024xi32, #tpu.memory_space<vmem>>
      %dma_start3A_542 = tpu.memref_squeeze %dma_start3A_541 : memref<1x1024xi32, #tpu.memory_space<vmem>> -> memref<1024xi32, #tpu.memory_space<vmem>>
      %dma_start3A_543 = tpu.memref_slice %arg3[%add3A_34] : memref<786432xi32, #tpu.memory_space<hbm>> -> memref<1024xi32, #tpu.memory_space<hbm>>
      tpu.enqueue_dma source(%dma_start3A_543 : memref<1024xi32, #tpu.memory_space<hbm>>) target(%dma_start3A_542 : memref<1024xi32, #tpu.memory_space<vmem>>) target_semaphore(%run_scoped3A_535 : memref<!tpu.dma_semaphore, #tpu.memory_space<semaphore_mem>>)
      %dma_wait3A_544 = arith.constant 2048 : i32
      %dma_wait3A_545 = tpu.memref_slice %arg5[%run_scoped3A_35, %dma_wait3A_544] : memref<2x3072xi32, #tpu.memory_space<vmem>> -> memref<1x1024xi32, #tpu.memory_space<vmem>>
      %dma_wait3A_546 = tpu.memref_squeeze %dma_wait3A_545 : memref<1x1024xi32, #tpu.memory_space<vmem>> -> memref<1024xi32, #tpu.memory_space<vmem>>
      %dma_wait3A_547 = tpu.memref_slice %arg3[%add3A_34] : memref<786432xi32, #tpu.memory_space<hbm>> -> memref<1024xi32, #tpu.memory_space<hbm>>
      %dma_wait3A_548 = arith.constant 2048 : i32
      %dma_wait3A_549 = tpu.memref_slice %arg5[%run_scoped3A_35, %dma_wait3A_548] : memref<2x3072xi32, #tpu.memory_space<vmem>> -> memref<1x1024xi32, #tpu.memory_space<vmem>>
      %dma_wait3A_550 = tpu.memref_squeeze %dma_wait3A_549 : memref<1x1024xi32, #tpu.memory_space<vmem>> -> memref<1024xi32, #tpu.memory_space<vmem>>
      %dma_wait3A_551 = tpu.memref_slice %arg3[%add3A_34] : memref<786432xi32, #tpu.memory_space<hbm>> -> memref<1024xi32, #tpu.memory_space<hbm>>
      tpu.wait_dma2 semaphore(%run_scoped3A_535 : memref<!tpu.dma_semaphore, #tpu.memory_space<semaphore_mem>>) src(%dma_wait3A_551 : memref<1024xi32, #tpu.memory_space<hbm>>) dst(%dma_wait3A_550 : memref<1024xi32, #tpu.memory_space<vmem>>)
      tpu.yield
    }) : () -> ()
    %scan3A_36 = arith.constant 0 : i32
    %scan3A_37 = arith.constant 0 : i32
    %scan3A_38 = arith.constant 64 : i32
    %scan3A_39 = arith.addi %scan3A_37, %scan3A_38 : i32
    %scan3A_40 = arith.constant 4 : i32
    scf.for %scan3A_535 = %scan3A_37 to %scan3A_39 step %scan3A_40  : i32 {
      %mul3A_536 = arith.constant 16 : i32
      %mul3A_537 = arith.muli %scan3A_535, %mul3A_536 : i32
      %mul3A_538 = arith.constant 16 : i32
      %mul3A_539 = arith.muli %scan3A_535, %mul3A_538 : i32
      %get3A = arith.constant 1 : i32
      %get3A_540 = arith.index_cast %get3A : i32 to index
      %get3A_541 = arith.index_cast %mul3A_539 : i32 to index
      %get3A_542 = tpu.vector_load %arg5[%get3A_540, %get3A_541] {strides = array<i32>} : memref<2x3072xi32, #tpu.memory_space<vmem>>, vector<16xi32>,
      %mul3A_543 = arith.constant 16 : i32
      %mul3A_544 = arith.muli %scan3A_535, %mul3A_543 : i32
      %add3A_545 = arith.constant 1024 : i32
      %add3A_546 = arith.addi %add3A_545, %mul3A_544 : i32
      %get3A_547 = arith.constant 1 : i32
      %get3A_548 = arith.index_cast %get3A_547 : i32 to index
      %get3A_549 = arith.index_cast %add3A_546 : i32 to index
      %get3A_550 = tpu.vector_load %arg5[%get3A_548, %get3A_549] {strides = array<i32>} : memref<2x3072xi32, #tpu.memory_space<vmem>>, vector<16xi32>,
      %mul3A_551 = arith.constant 16 : i32
      %mul3A_552 = arith.muli %scan3A_535, %mul3A_551 : i32
      %add3A_553 = arith.constant 2048 : i32
      %add3A_554 = arith.addi %add3A_553, %mul3A_552 : i32
      %get3A_555 = arith.constant 1 : i32
      %get3A_556 = arith.index_cast %get3A_555 : i32 to index
      %get3A_557 = arith.index_cast %add3A_554 : i32 to index
      %get3A_558 = tpu.vector_load %arg5[%get3A_556, %get3A_557] {strides = array<i32>} : memref<2x3072xi32, #tpu.memory_space<vmem>>, vector<16xi32>,
      %shift_left3A = arith.constant 6 : i32
      %shift_left3A_559 = vector.broadcast %shift_left3A : i32 to vector<16xi32>
      %shift_left3A_560 = arith.shli %get3A_542, %shift_left3A_559 : vector<16xi32>
      %add3A_561 = arith.addi %shift_left3A_560, %get3A_550 : vector<16xi32>
      %shift_right_arithmetic3A = arith.constant 2 : i32
      %shift_right_arithmetic3A_562 = vector.broadcast %shift_right_arithmetic3A : i32 to vector<16xi32>
      %shift_right_arithmetic3A_563 = arith.shrsi %add3A_561, %shift_right_arithmetic3A_562 : vector<16xi32>
      %shift_left3A_564 = arith.constant 8 : i32
      %shift_left3A_565 = vector.broadcast %shift_left3A_564 : i32 to vector<16xi32>
      %shift_left3A_566 = arith.shli %shift_right_arithmetic3A_563, %shift_left3A_565 : vector<16xi32>
      %shift_left3A_567 = arith.constant 2 : i32
      %shift_left3A_568 = vector.broadcast %shift_left3A_567 : i32 to vector<16xi32>
      %shift_left3A_569 = arith.shli %get3A_558, %shift_left3A_568 : vector<16xi32>
      %add3A_570 = arith.addi %shift_left3A_566, %shift_left3A_569 : vector<16xi32>
      %and3A = arith.constant 3 : i32
      %and3A_571 = vector.broadcast %and3A : i32 to vector<16xi32>
      %and3A_572 = arith.andi %add3A_561, %and3A_571 : vector<16xi32>
      %add3A_573 = arith.addi %add3A_570, %and3A_572 : vector<16xi32>
      %swap3A = arith.constant 1 : i32
      %swap3A_574 = arith.index_cast %swap3A : i32 to index
      %swap3A_575 = arith.index_cast %mul3A_537 : i32 to index
      %swap3A_576 = tpu.vector_load %arg6[%swap3A_574, %swap3A_575] {strides = array<i32>} : memref<2x1024xi32, #tpu.memory_space<vmem>>, vector<16xi32>,
      tpu.vector_store %arg6[%swap3A_574, %swap3A_575], %add3A_573 {strides = array<i32>} : memref<2x1024xi32, #tpu.memory_space<vmem>>, vector<16xi32>,
      %scan3A_577 = arith.constant 1 : i32
      %scan3A_578 = arith.addi %scan3A_535, %scan3A_577 : i32
      %mul3A_579 = arith.constant 16 : i32
      %mul3A_580 = arith.muli %scan3A_578, %mul3A_579 : i32
      %mul3A_581 = arith.constant 16 : i32
      %mul3A_582 = arith.muli %scan3A_578, %mul3A_581 : i32
      %get3A_583 = arith.constant 1 : i32
      %get3A_584 = arith.index_cast %get3A_583 : i32 to index
      %get3A_585 = arith.index_cast %mul3A_582 : i32 to index
      %get3A_586 = tpu.vector_load %arg5[%get3A_584, %get3A_585] {strides = array<i32>} : memref<2x3072xi32, #tpu.memory_space<vmem>>, vector<16xi32>,
      %mul3A_587 = arith.constant 16 : i32
      %mul3A_588 = arith.muli %scan3A_578, %mul3A_587 : i32
      %add3A_589 = arith.constant 1024 : i32
      %add3A_590 = arith.addi %add3A_589, %mul3A_588 : i32
      %get3A_591 = arith.constant 1 : i32
      %get3A_592 = arith.index_cast %get3A_591 : i32 to index
      %get3A_593 = arith.index_cast %add3A_590 : i32 to index
      %get3A_594 = tpu.vector_load %arg5[%get3A_592, %get3A_593] {strides = array<i32>} : memref<2x3072xi32, #tpu.memory_space<vmem>>, vector<16xi32>,
      %mul3A_595 = arith.constant 16 : i32
      %mul3A_596 = arith.muli %scan3A_578, %mul3A_595 : i32
      %add3A_597 = arith.constant 2048 : i32
      %add3A_598 = arith.addi %add3A_597, %mul3A_596 : i32
      %get3A_599 = arith.constant 1 : i32
      %get3A_600 = arith.index_cast %get3A_599 : i32 to index
      %get3A_601 = arith.index_cast %add3A_598 : i32 to index
      %get3A_602 = tpu.vector_load %arg5[%get3A_600, %get3A_601] {strides = array<i32>} : memref<2x3072xi32, #tpu.memory_space<vmem>>, vector<16xi32>,
      %shift_left3A_603 = arith.constant 6 : i32
      %shift_left3A_604 = vector.broadcast %shift_left3A_603 : i32 to vector<16xi32>
      %shift_left3A_605 = arith.shli %get3A_586, %shift_left3A_604 : vector<16xi32>
      %add3A_606 = arith.addi %shift_left3A_605, %get3A_594 : vector<16xi32>
      %shift_right_arithmetic3A_607 = arith.constant 2 : i32
      %shift_right_arithmetic3A_608 = vector.broadcast %shift_right_arithmetic3A_607 : i32 to vector<16xi32>
      %shift_right_arithmetic3A_609 = arith.shrsi %add3A_606, %shift_right_arithmetic3A_608 : vector<16xi32>
      %shift_left3A_610 = arith.constant 8 : i32
      %shift_left3A_611 = vector.broadcast %shift_left3A_610 : i32 to vector<16xi32>
      %shift_left3A_612 = arith.shli %shift_right_arithmetic3A_609, %shift_left3A_611 : vector<16xi32>
      %shift_left3A_613 = arith.constant 2 : i32
      %shift_left3A_614 = vector.broadcast %shift_left3A_613 : i32 to vector<16xi32>
      %shift_left3A_615 = arith.shli %get3A_602, %shift_left3A_614 : vector<16xi32>
      %add3A_616 = arith.addi %shift_left3A_612, %shift_left3A_615 : vector<16xi32>
      %and3A_617 = arith.constant 3 : i32
      %and3A_618 = vector.broadcast %and3A_617 : i32 to vector<16xi32>
      %and3A_619 = arith.andi %add3A_606, %and3A_618 : vector<16xi32>
      %add3A_620 = arith.addi %add3A_616, %and3A_619 : vector<16xi32>
      %swap3A_621 = arith.constant 1 : i32
      %swap3A_622 = arith.index_cast %swap3A_621 : i32 to index
      %swap3A_623 = arith.index_cast %mul3A_580 : i32 to index
      %swap3A_624 = tpu.vector_load %arg6[%swap3A_622, %swap3A_623] {strides = array<i32>} : memref<2x1024xi32, #tpu.memory_space<vmem>>, vector<16xi32>,
      tpu.vector_store %arg6[%swap3A_622, %swap3A_623], %add3A_620 {strides = array<i32>} : memref<2x1024xi32, #tpu.memory_space<vmem>>, vector<16xi32>,
      %scan3A_625 = arith.constant 2 : i32
      %scan3A_626 = arith.addi %scan3A_535, %scan3A_625 : i32
      %mul3A_627 = arith.constant 16 : i32
      %mul3A_628 = arith.muli %scan3A_626, %mul3A_627 : i32
      %mul3A_629 = arith.constant 16 : i32
      %mul3A_630 = arith.muli %scan3A_626, %mul3A_629 : i32
      %get3A_631 = arith.constant 1 : i32
      %get3A_632 = arith.index_cast %get3A_631 : i32 to index
      %get3A_633 = arith.index_cast %mul3A_630 : i32 to index
      %get3A_634 = tpu.vector_load %arg5[%get3A_632, %get3A_633] {strides = array<i32>} : memref<2x3072xi32, #tpu.memory_space<vmem>>, vector<16xi32>,
      %mul3A_635 = arith.constant 16 : i32
      %mul3A_636 = arith.muli %scan3A_626, %mul3A_635 : i32
      %add3A_637 = arith.constant 1024 : i32
      %add3A_638 = arith.addi %add3A_637, %mul3A_636 : i32
      %get3A_639 = arith.constant 1 : i32
      %get3A_640 = arith.index_cast %get3A_639 : i32 to index
      %get3A_641 = arith.index_cast %add3A_638 : i32 to index
      %get3A_642 = tpu.vector_load %arg5[%get3A_640, %get3A_641] {strides = array<i32>} : memref<2x3072xi32, #tpu.memory_space<vmem>>, vector<16xi32>,
      %mul3A_643 = arith.constant 16 : i32
      %mul3A_644 = arith.muli %scan3A_626, %mul3A_643 : i32
      %add3A_645 = arith.constant 2048 : i32
      %add3A_646 = arith.addi %add3A_645, %mul3A_644 : i32
      %get3A_647 = arith.constant 1 : i32
      %get3A_648 = arith.index_cast %get3A_647 : i32 to index
      %get3A_649 = arith.index_cast %add3A_646 : i32 to index
      %get3A_650 = tpu.vector_load %arg5[%get3A_648, %get3A_649] {strides = array<i32>} : memref<2x3072xi32, #tpu.memory_space<vmem>>, vector<16xi32>,
      %shift_left3A_651 = arith.constant 6 : i32
      %shift_left3A_652 = vector.broadcast %shift_left3A_651 : i32 to vector<16xi32>
      %shift_left3A_653 = arith.shli %get3A_634, %shift_left3A_652 : vector<16xi32>
      %add3A_654 = arith.addi %shift_left3A_653, %get3A_642 : vector<16xi32>
      %shift_right_arithmetic3A_655 = arith.constant 2 : i32
      %shift_right_arithmetic3A_656 = vector.broadcast %shift_right_arithmetic3A_655 : i32 to vector<16xi32>
      %shift_right_arithmetic3A_657 = arith.shrsi %add3A_654, %shift_right_arithmetic3A_656 : vector<16xi32>
      %shift_left3A_658 = arith.constant 8 : i32
      %shift_left3A_659 = vector.broadcast %shift_left3A_658 : i32 to vector<16xi32>
      %shift_left3A_660 = arith.shli %shift_right_arithmetic3A_657, %shift_left3A_659 : vector<16xi32>
      %shift_left3A_661 = arith.constant 2 : i32
      %shift_left3A_662 = vector.broadcast %shift_left3A_661 : i32 to vector<16xi32>
      %shift_left3A_663 = arith.shli %get3A_650, %shift_left3A_662 : vector<16xi32>
      %add3A_664 = arith.addi %shift_left3A_660, %shift_left3A_663 : vector<16xi32>
      %and3A_665 = arith.constant 3 : i32
      %and3A_666 = vector.broadcast %and3A_665 : i32 to vector<16xi32>
      %and3A_667 = arith.andi %add3A_654, %and3A_666 : vector<16xi32>
      %add3A_668 = arith.addi %add3A_664, %and3A_667 : vector<16xi32>
      %swap3A_669 = arith.constant 1 : i32
      %swap3A_670 = arith.index_cast %swap3A_669 : i32 to index
      %swap3A_671 = arith.index_cast %mul3A_628 : i32 to index
      %swap3A_672 = tpu.vector_load %arg6[%swap3A_670, %swap3A_671] {strides = array<i32>} : memref<2x1024xi32, #tpu.memory_space<vmem>>, vector<16xi32>,
      tpu.vector_store %arg6[%swap3A_670, %swap3A_671], %add3A_668 {strides = array<i32>} : memref<2x1024xi32, #tpu.memory_space<vmem>>, vector<16xi32>,
      %scan3A_673 = arith.constant 3 : i32
      %scan3A_674 = arith.addi %scan3A_535, %scan3A_673 : i32
      %mul3A_675 = arith.constant 16 : i32
      %mul3A_676 = arith.muli %scan3A_674, %mul3A_675 : i32
      %mul3A_677 = arith.constant 16 : i32
      %mul3A_678 = arith.muli %scan3A_674, %mul3A_677 : i32
      %get3A_679 = arith.constant 1 : i32
      %get3A_680 = arith.index_cast %get3A_679 : i32 to index
      %get3A_681 = arith.index_cast %mul3A_678 : i32 to index
      %get3A_682 = tpu.vector_load %arg5[%get3A_680, %get3A_681] {strides = array<i32>} : memref<2x3072xi32, #tpu.memory_space<vmem>>, vector<16xi32>,
      %mul3A_683 = arith.constant 16 : i32
      %mul3A_684 = arith.muli %scan3A_674, %mul3A_683 : i32
      %add3A_685 = arith.constant 1024 : i32
      %add3A_686 = arith.addi %add3A_685, %mul3A_684 : i32
      %get3A_687 = arith.constant 1 : i32
      %get3A_688 = arith.index_cast %get3A_687 : i32 to index
      %get3A_689 = arith.index_cast %add3A_686 : i32 to index
      %get3A_690 = tpu.vector_load %arg5[%get3A_688, %get3A_689] {strides = array<i32>} : memref<2x3072xi32, #tpu.memory_space<vmem>>, vector<16xi32>,
      %mul3A_691 = arith.constant 16 : i32
      %mul3A_692 = arith.muli %scan3A_674, %mul3A_691 : i32
      %add3A_693 = arith.constant 2048 : i32
      %add3A_694 = arith.addi %add3A_693, %mul3A_692 : i32
      %get3A_695 = arith.constant 1 : i32
      %get3A_696 = arith.index_cast %get3A_695 : i32 to index
      %get3A_697 = arith.index_cast %add3A_694 : i32 to index
      %get3A_698 = tpu.vector_load %arg5[%get3A_696, %get3A_697] {strides = array<i32>} : memref<2x3072xi32, #tpu.memory_space<vmem>>, vector<16xi32>,
      %shift_left3A_699 = arith.constant 6 : i32
      %shift_left3A_700 = vector.broadcast %shift_left3A_699 : i32 to vector<16xi32>
      %shift_left3A_701 = arith.shli %get3A_682, %shift_left3A_700 : vector<16xi32>
      %add3A_702 = arith.addi %shift_left3A_701, %get3A_690 : vector<16xi32>
      %shift_right_arithmetic3A_703 = arith.constant 2 : i32
      %shift_right_arithmetic3A_704 = vector.broadcast %shift_right_arithmetic3A_703 : i32 to vector<16xi32>
      %shift_right_arithmetic3A_705 = arith.shrsi %add3A_702, %shift_right_arithmetic3A_704 : vector<16xi32>
      %shift_left3A_706 = arith.constant 8 : i32
      %shift_left3A_707 = vector.broadcast %shift_left3A_706 : i32 to vector<16xi32>
      %shift_left3A_708 = arith.shli %shift_right_arithmetic3A_705, %shift_left3A_707 : vector<16xi32>
      %shift_left3A_709 = arith.constant 2 : i32
      %shift_left3A_710 = vector.broadcast %shift_left3A_709 : i32 to vector<16xi32>
      %shift_left3A_711 = arith.shli %get3A_698, %shift_left3A_710 : vector<16xi32>
      %add3A_712 = arith.addi %shift_left3A_708, %shift_left3A_711 : vector<16xi32>
      %and3A_713 = arith.constant 3 : i32
      %and3A_714 = vector.broadcast %and3A_713 : i32 to vector<16xi32>
      %and3A_715 = arith.andi %add3A_702, %and3A_714 : vector<16xi32>
      %add3A_716 = arith.addi %add3A_712, %and3A_715 : vector<16xi32>
      %swap3A_717 = arith.constant 1 : i32
      %swap3A_718 = arith.index_cast %swap3A_717 : i32 to index
      %swap3A_719 = arith.index_cast %mul3A_676 : i32 to index
      %swap3A_720 = tpu.vector_load %arg6[%swap3A_718, %swap3A_719] {strides = array<i32>} : memref<2x1024xi32, #tpu.memory_space<vmem>>, vector<16xi32>,
      tpu.vector_store %arg6[%swap3A_718, %swap3A_719], %add3A_716 {strides = array<i32>} : memref<2x1024xi32, #tpu.memory_space<vmem>>, vector<16xi32>,
    }
    %scan3A_41 = arith.constant 64 : i32
    %dma_wait3A = arith.constant 0 : i32
    %dma_wait3A_42 = arith.constant 0 : i32
    %dma_wait3A_43 = arith.constant 0 : i32
    %dma_wait3A_44 = arith.constant 0 : i32
    %dma_wait3A_45 = tpu.memref_slice %arg7[%dma_wait3A_42, %dma_wait3A_43, %dma_wait3A_44] : memref<2x1024x32xf32, #tpu.memory_space<vmem>> -> memref<1x1024x32xf32, #tpu.memory_space<vmem>>
    %dma_wait3A_46 = tpu.memref_squeeze %dma_wait3A_45 : memref<1x1024x32xf32, #tpu.memory_space<vmem>> -> memref<1024x32xf32, #tpu.memory_space<vmem>>
    %dma_wait3A_47 = arith.constant 0 : i32
    %dma_wait3A_48 = tpu.memref_slice %arg6[%dma_wait3A, %dma_wait3A_47] : memref<2x1024xi32, #tpu.memory_space<vmem>> -> memref<1x1024xi32, #tpu.memory_space<vmem>>
    %dma_wait3A_49 = tpu.memref_squeeze %dma_wait3A_48 : memref<1x1024xi32, #tpu.memory_space<vmem>> -> memref<1024xi32, #tpu.memory_space<vmem>>
    %dma_wait3A_50 = arith.constant 0 : i32
    %dma_wait3A_51 = arith.constant 0 : i32
    %dma_wait3A_52 = tpu.memref_slice %arg2[%dma_wait3A_50, %dma_wait3A_51] : memref<262144x32xf32, #tpu.memory_space<hbm>> -> memref<262144x32xf32, #tpu.memory_space<hbm>>
    tpu.wait_indirect_dma semaphore(%arg8 : memref<!tpu.dma_semaphore, #tpu.memory_space<semaphore_mem>>) src(%dma_wait3A_52 : memref<262144x32xf32, #tpu.memory_space<hbm>>) dst(%dma_wait3A_46 : memref<1024x32xf32, #tpu.memory_space<vmem>>)
    %dma_start3A_53 = arith.constant 1 : i32
    %dma_start3A_54 = arith.constant 1 : i32
    %dma_start3A_55 = arith.constant 0 : i32
    %dma_start3A_56 = arith.constant 0 : i32
    %dma_start3A_57 = tpu.memref_slice %arg7[%dma_start3A_54, %dma_start3A_55, %dma_start3A_56] : memref<2x1024x32xf32, #tpu.memory_space<vmem>> -> memref<1x1024x32xf32, #tpu.memory_space<vmem>>
    %dma_start3A_58 = tpu.memref_squeeze %dma_start3A_57 : memref<1x1024x32xf32, #tpu.memory_space<vmem>> -> memref<1024x32xf32, #tpu.memory_space<vmem>>
    %dma_start3A_59 = arith.constant 0 : i32
    %dma_start3A_60 = tpu.memref_slice %arg6[%dma_start3A_53, %dma_start3A_59] : memref<2x1024xi32, #tpu.memory_space<vmem>> -> memref<1x1024xi32, #tpu.memory_space<vmem>>
    %dma_start3A_61 = tpu.memref_squeeze %dma_start3A_60 : memref<1x1024xi32, #tpu.memory_space<vmem>> -> memref<1024xi32, #tpu.memory_space<vmem>>
    %dma_start3A_62 = arith.constant 0 : i32
    %dma_start3A_63 = arith.constant 0 : i32
    %dma_start3A_64 = tpu.memref_slice %arg2[%dma_start3A_62, %dma_start3A_63] : memref<262144x32xf32, #tpu.memory_space<hbm>> -> memref<262144x32xf32, #tpu.memory_space<hbm>>
    tpu.enqueue_indirect_dma source(%dma_start3A_64 : memref<262144x32xf32, #tpu.memory_space<hbm>>) target(%dma_start3A_58 : memref<1024x32xf32, #tpu.memory_space<vmem>>) offsets(%dma_start3A_61 : memref<1024xi32, #tpu.memory_space<vmem>>) semaphore(%arg9 : memref<!tpu.dma_semaphore, #tpu.memory_space<semaphore_mem>>)
    %add3A_65 = arith.constant 0 : i32
    %add3A_66 = arith.addi %mul3A_2, %add3A_65 : i32
    %dma_start3A_67 = arith.constant 0 : i32
    %dma_start3A_68 = arith.constant 0 : i32
    %dma_start3A_69 = arith.constant 0 : i32
    %dma_start3A_70 = tpu.memref_slice %arg7[%dma_start3A_67, %dma_start3A_68, %dma_start3A_69] : memref<2x1024x32xf32, #tpu.memory_space<vmem>> -> memref<1x1024x32xf32, #tpu.memory_space<vmem>>
    %dma_start3A_71 = tpu.memref_squeeze %dma_start3A_70 : memref<1x1024x32xf32, #tpu.memory_space<vmem>> -> memref<1024x32xf32, #tpu.memory_space<vmem>>
    %dma_start3A_72 = arith.constant 0 : i32
    %dma_start3A_73 = tpu.memref_slice %arg4[%add3A_66, %dma_start3A_72] : memref<262144x32xf32, #tpu.memory_space<hbm>> -> memref<1024x32xf32, #tpu.memory_space<hbm>>
    %dma_start3A_74 = arith.constant 0 : i32
    %dma_start3A_75 = tpu.memref_slice %arg4[%add3A_66, %dma_start3A_74] : memref<262144x32xf32, #tpu.memory_space<hbm>> -> memref<1024x32xf32, #tpu.memory_space<hbm>>
    %dma_start3A_76 = arith.constant 0 : i32
    %dma_start3A_77 = arith.constant 0 : i32
    %dma_start3A_78 = tpu.memref_slice %arg7[%dma_start3A_67, %dma_start3A_76, %dma_start3A_77] : memref<2x1024x32xf32, #tpu.memory_space<vmem>> -> memref<1x1024x32xf32, #tpu.memory_space<vmem>>
    %dma_start3A_79 = tpu.memref_squeeze %dma_start3A_78 : memref<1x1024x32xf32, #tpu.memory_space<vmem>> -> memref<1024x32xf32, #tpu.memory_space<vmem>>
    tpu.enqueue_dma source(%dma_start3A_79 : memref<1024x32xf32, #tpu.memory_space<vmem>>) target(%dma_start3A_75 : memref<1024x32xf32, #tpu.memory_space<hbm>>) target_semaphore(%arg10 : memref<!tpu.dma_semaphore, #tpu.memory_space<semaphore_mem>>)
    %add3A_80 = arith.constant 2048 : i32
    %add3A_81 = arith.addi %mul3A_2, %add3A_80 : i32
    %run_scoped3A_82 = arith.constant 0 : i32
    "tpu.region"() ({
      %run_scoped3A_535 = tpu.sem_alloc : memref<!tpu.dma_semaphore, #tpu.memory_space<semaphore_mem>>
      %dma_start3A_536 = arith.constant 0 : i32
      %dma_start3A_537 = tpu.memref_slice %arg5[%run_scoped3A_82, %dma_start3A_536] : memref<2x3072xi32, #tpu.memory_space<vmem>> -> memref<1x1024xi32, #tpu.memory_space<vmem>>
      %dma_start3A_538 = tpu.memref_squeeze %dma_start3A_537 : memref<1x1024xi32, #tpu.memory_space<vmem>> -> memref<1024xi32, #tpu.memory_space<vmem>>
      %dma_start3A_539 = tpu.memref_slice %arg3[%add3A_81] : memref<786432xi32, #tpu.memory_space<hbm>> -> memref<1024xi32, #tpu.memory_space<hbm>>
      %dma_start3A_540 = arith.constant 0 : i32
      %dma_start3A_541 = tpu.memref_slice %arg5[%run_scoped3A_82, %dma_start3A_540] : memref<2x3072xi32, #tpu.memory_space<vmem>> -> memref<1x1024xi32, #tpu.memory_space<vmem>>
      %dma_start3A_542 = tpu.memref_squeeze %dma_start3A_541 : memref<1x1024xi32, #tpu.memory_space<vmem>> -> memref<1024xi32, #tpu.memory_space<vmem>>
      %dma_start3A_543 = tpu.memref_slice %arg3[%add3A_81] : memref<786432xi32, #tpu.memory_space<hbm>> -> memref<1024xi32, #tpu.memory_space<hbm>>
      tpu.enqueue_dma source(%dma_start3A_543 : memref<1024xi32, #tpu.memory_space<hbm>>) target(%dma_start3A_542 : memref<1024xi32, #tpu.memory_space<vmem>>) target_semaphore(%run_scoped3A_535 : memref<!tpu.dma_semaphore, #tpu.memory_space<semaphore_mem>>)
      %dma_wait3A_544 = arith.constant 0 : i32
      %dma_wait3A_545 = tpu.memref_slice %arg5[%run_scoped3A_82, %dma_wait3A_544] : memref<2x3072xi32, #tpu.memory_space<vmem>> -> memref<1x1024xi32, #tpu.memory_space<vmem>>
      %dma_wait3A_546 = tpu.memref_squeeze %dma_wait3A_545 : memref<1x1024xi32, #tpu.memory_space<vmem>> -> memref<1024xi32, #tpu.memory_space<vmem>>
      %dma_wait3A_547 = tpu.memref_slice %arg3[%add3A_81] : memref<786432xi32, #tpu.memory_space<hbm>> -> memref<1024xi32, #tpu.memory_space<hbm>>
      %dma_wait3A_548 = arith.constant 0 : i32
      %dma_wait3A_549 = tpu.memref_slice %arg5[%run_scoped3A_82, %dma_wait3A_548] : memref<2x3072xi32, #tpu.memory_space<vmem>> -> memref<1x1024xi32, #tpu.memory_space<vmem>>
      %dma_wait3A_550 = tpu.memref_squeeze %dma_wait3A_549 : memref<1x1024xi32, #tpu.memory_space<vmem>> -> memref<1024xi32, #tpu.memory_space<vmem>>
      %dma_wait3A_551 = tpu.memref_slice %arg3[%add3A_81] : memref<786432xi32, #tpu.memory_space<hbm>> -> memref<1024xi32, #tpu.memory_space<hbm>>
      tpu.wait_dma2 semaphore(%run_scoped3A_535 : memref<!tpu.dma_semaphore, #tpu.memory_space<semaphore_mem>>) src(%dma_wait3A_551 : memref<1024xi32, #tpu.memory_space<hbm>>) dst(%dma_wait3A_550 : memref<1024xi32, #tpu.memory_space<vmem>>)
      tpu.yield
    }) : () -> ()
    %add3A_83 = arith.constant 262144 : i32
    %add3A_84 = arith.addi %add3A_83, %add3A_81 : i32
    %run_scoped3A_85 = arith.constant 0 : i32
    "tpu.region"() ({
      %run_scoped3A_535 = tpu.sem_alloc : memref<!tpu.dma_semaphore, #tpu.memory_space<semaphore_mem>>
      %dma_start3A_536 = arith.constant 1024 : i32
      %dma_start3A_537 = tpu.memref_slice %arg5[%run_scoped3A_85, %dma_start3A_536] : memref<2x3072xi32, #tpu.memory_space<vmem>> -> memref<1x1024xi32, #tpu.memory_space<vmem>>
      %dma_start3A_538 = tpu.memref_squeeze %dma_start3A_537 : memref<1x1024xi32, #tpu.memory_space<vmem>> -> memref<1024xi32, #tpu.memory_space<vmem>>
      %dma_start3A_539 = tpu.memref_slice %arg3[%add3A_84] : memref<786432xi32, #tpu.memory_space<hbm>> -> memref<1024xi32, #tpu.memory_space<hbm>>
      %dma_start3A_540 = arith.constant 1024 : i32
      %dma_start3A_541 = tpu.memref_slice %arg5[%run_scoped3A_85, %dma_start3A_540] : memref<2x3072xi32, #tpu.memory_space<vmem>> -> memref<1x1024xi32, #tpu.memory_space<vmem>>
      %dma_start3A_542 = tpu.memref_squeeze %dma_start3A_541 : memref<1x1024xi32, #tpu.memory_space<vmem>> -> memref<1024xi32, #tpu.memory_space<vmem>>
      %dma_start3A_543 = tpu.memref_slice %arg3[%add3A_84] : memref<786432xi32, #tpu.memory_space<hbm>> -> memref<1024xi32, #tpu.memory_space<hbm>>
      tpu.enqueue_dma source(%dma_start3A_543 : memref<1024xi32, #tpu.memory_space<hbm>>) target(%dma_start3A_542 : memref<1024xi32, #tpu.memory_space<vmem>>) target_semaphore(%run_scoped3A_535 : memref<!tpu.dma_semaphore, #tpu.memory_space<semaphore_mem>>)
      %dma_wait3A_544 = arith.constant 1024 : i32
      %dma_wait3A_545 = tpu.memref_slice %arg5[%run_scoped3A_85, %dma_wait3A_544] : memref<2x3072xi32, #tpu.memory_space<vmem>> -> memref<1x1024xi32, #tpu.memory_space<vmem>>
      %dma_wait3A_546 = tpu.memref_squeeze %dma_wait3A_545 : memref<1x1024xi32, #tpu.memory_space<vmem>> -> memref<1024xi32, #tpu.memory_space<vmem>>
      %dma_wait3A_547 = tpu.memref_slice %arg3[%add3A_84] : memref<786432xi32, #tpu.memory_space<hbm>> -> memref<1024xi32, #tpu.memory_space<hbm>>
      %dma_wait3A_548 = arith.constant 1024 : i32
      %dma_wait3A_549 = tpu.memref_slice %arg5[%run_scoped3A_85, %dma_wait3A_548] : memref<2x3072xi32, #tpu.memory_space<vmem>> -> memref<1x1024xi32, #tpu.memory_space<vmem>>
      %dma_wait3A_550 = tpu.memref_squeeze %dma_wait3A_549 : memref<1x1024xi32, #tpu.memory_space<vmem>> -> memref<1024xi32, #tpu.memory_space<vmem>>
      %dma_wait3A_551 = tpu.memref_slice %arg3[%add3A_84] : memref<786432xi32, #tpu.memory_space<hbm>> -> memref<1024xi32, #tpu.memory_space<hbm>>
      tpu.wait_dma2 semaphore(%run_scoped3A_535 : memref<!tpu.dma_semaphore, #tpu.memory_space<semaphore_mem>>) src(%dma_wait3A_551 : memref<1024xi32, #tpu.memory_space<hbm>>) dst(%dma_wait3A_550 : memref<1024xi32, #tpu.memory_space<vmem>>)
      tpu.yield
    }) : () -> ()
    %add3A_86 = arith.constant 524288 : i32
    %add3A_87 = arith.addi %add3A_86, %add3A_81 : i32
    %run_scoped3A_88 = arith.constant 0 : i32
    "tpu.region"() ({
      %run_scoped3A_535 = tpu.sem_alloc : memref<!tpu.dma_semaphore, #tpu.memory_space<semaphore_mem>>
      %dma_start3A_536 = arith.constant 2048 : i32
      %dma_start3A_537 = tpu.memref_slice %arg5[%run_scoped3A_88, %dma_start3A_536] : memref<2x3072xi32, #tpu.memory_space<vmem>> -> memref<1x1024xi32, #tpu.memory_space<vmem>>
      %dma_start3A_538 = tpu.memref_squeeze %dma_start3A_537 : memref<1x1024xi32, #tpu.memory_space<vmem>> -> memref<1024xi32, #tpu.memory_space<vmem>>
      %dma_start3A_539 = tpu.memref_slice %arg3[%add3A_87] : memref<786432xi32, #tpu.memory_space<hbm>> -> memref<1024xi32, #tpu.memory_space<hbm>>
      %dma_start3A_540 = arith.constant 2048 : i32
      %dma_start3A_541 = tpu.memref_slice %arg5[%run_scoped3A_88, %dma_start3A_540] : memref<2x3072xi32, #tpu.memory_space<vmem>> -> memref<1x1024xi32, #tpu.memory_space<vmem>>
      %dma_start3A_542 = tpu.memref_squeeze %dma_start3A_541 : memref<1x1024xi32, #tpu.memory_space<vmem>> -> memref<1024xi32, #tpu.memory_space<vmem>>
      %dma_start3A_543 = tpu.memref_slice %arg3[%add3A_87] : memref<786432xi32, #tpu.memory_space<hbm>> -> memref<1024xi32, #tpu.memory_space<hbm>>
      tpu.enqueue_dma source(%dma_start3A_543 : memref<1024xi32, #tpu.memory_space<hbm>>) target(%dma_start3A_542 : memref<1024xi32, #tpu.memory_space<vmem>>) target_semaphore(%run_scoped3A_535 : memref<!tpu.dma_semaphore, #tpu.memory_space<semaphore_mem>>)
      %dma_wait3A_544 = arith.constant 2048 : i32
      %dma_wait3A_545 = tpu.memref_slice %arg5[%run_scoped3A_88, %dma_wait3A_544] : memref<2x3072xi32, #tpu.memory_space<vmem>> -> memref<1x1024xi32, #tpu.memory_space<vmem>>
      %dma_wait3A_546 = tpu.memref_squeeze %dma_wait3A_545 : memref<1x1024xi32, #tpu.memory_space<vmem>> -> memref<1024xi32, #tpu.memory_space<vmem>>
      %dma_wait3A_547 = tpu.memref_slice %arg3[%add3A_87] : memref<786432xi32, #tpu.memory_space<hbm>> -> memref<1024xi32, #tpu.memory_space<hbm>>
      %dma_wait3A_548 = arith.constant 2048 : i32
      %dma_wait3A_549 = tpu.memref_slice %arg5[%run_scoped3A_88, %dma_wait3A_548] : memref<2x3072xi32, #tpu.memory_space<vmem>> -> memref<1x1024xi32, #tpu.memory_space<vmem>>
      %dma_wait3A_550 = tpu.memref_squeeze %dma_wait3A_549 : memref<1x1024xi32, #tpu.memory_space<vmem>> -> memref<1024xi32, #tpu.memory_space<vmem>>
      %dma_wait3A_551 = tpu.memref_slice %arg3[%add3A_87] : memref<786432xi32, #tpu.memory_space<hbm>> -> memref<1024xi32, #tpu.memory_space<hbm>>
      tpu.wait_dma2 semaphore(%run_scoped3A_535 : memref<!tpu.dma_semaphore, #tpu.memory_space<semaphore_mem>>) src(%dma_wait3A_551 : memref<1024xi32, #tpu.memory_space<hbm>>) dst(%dma_wait3A_550 : memref<1024xi32, #tpu.memory_space<vmem>>)
      tpu.yield
    }) : () -> ()
    %scan3A_89 = arith.constant 0 : i32
    %scan3A_90 = arith.constant 0 : i32
    %scan3A_91 = arith.constant 64 : i32
    %scan3A_92 = arith.addi %scan3A_90, %scan3A_91 : i32
    %scan3A_93 = arith.constant 4 : i32
    scf.for %scan3A_535 = %scan3A_90 to %scan3A_92 step %scan3A_93  : i32 {
      %mul3A_536 = arith.constant 16 : i32
      %mul3A_537 = arith.muli %scan3A_535, %mul3A_536 : i32
      %mul3A_538 = arith.constant 16 : i32
      %mul3A_539 = arith.muli %scan3A_535, %mul3A_538 : i32
      %get3A = arith.constant 0 : i32
      %get3A_540 = arith.index_cast %get3A : i32 to index
      %get3A_541 = arith.index_cast %mul3A_539 : i32 to index
      %get3A_542 = tpu.vector_load %arg5[%get3A_540, %get3A_541] {strides = array<i32>} : memref<2x3072xi32, #tpu.memory_space<vmem>>, vector<16xi32>,
      %mul3A_543 = arith.constant 16 : i32
      %mul3A_544 = arith.muli %scan3A_535, %mul3A_543 : i32
      %add3A_545 = arith.constant 1024 : i32
      %add3A_546 = arith.addi %add3A_545, %mul3A_544 : i32
      %get3A_547 = arith.constant 0 : i32
      %get3A_548 = arith.index_cast %get3A_547 : i32 to index
      %get3A_549 = arith.index_cast %add3A_546 : i32 to index
      %get3A_550 = tpu.vector_load %arg5[%get3A_548, %get3A_549] {strides = array<i32>} : memref<2x3072xi32, #tpu.memory_space<vmem>>, vector<16xi32>,
      %mul3A_551 = arith.constant 16 : i32
      %mul3A_552 = arith.muli %scan3A_535, %mul3A_551 : i32
      %add3A_553 = arith.constant 2048 : i32
      %add3A_554 = arith.addi %add3A_553, %mul3A_552 : i32
      %get3A_555 = arith.constant 0 : i32
      %get3A_556 = arith.index_cast %get3A_555 : i32 to index
      %get3A_557 = arith.index_cast %add3A_554 : i32 to index
      %get3A_558 = tpu.vector_load %arg5[%get3A_556, %get3A_557] {strides = array<i32>} : memref<2x3072xi32, #tpu.memory_space<vmem>>, vector<16xi32>,
      %shift_left3A = arith.constant 6 : i32
      %shift_left3A_559 = vector.broadcast %shift_left3A : i32 to vector<16xi32>
      %shift_left3A_560 = arith.shli %get3A_542, %shift_left3A_559 : vector<16xi32>
      %add3A_561 = arith.addi %shift_left3A_560, %get3A_550 : vector<16xi32>
      %shift_right_arithmetic3A = arith.constant 2 : i32
      %shift_right_arithmetic3A_562 = vector.broadcast %shift_right_arithmetic3A : i32 to vector<16xi32>
      %shift_right_arithmetic3A_563 = arith.shrsi %add3A_561, %shift_right_arithmetic3A_562 : vector<16xi32>
      %shift_left3A_564 = arith.constant 8 : i32
      %shift_left3A_565 = vector.broadcast %shift_left3A_564 : i32 to vector<16xi32>
      %shift_left3A_566 = arith.shli %shift_right_arithmetic3A_563, %shift_left3A_565 : vector<16xi32>
      %shift_left3A_567 = arith.constant 2 : i32
      %shift_left3A_568 = vector.broadcast %shift_left3A_567 : i32 to vector<16xi32>
      %shift_left3A_569 = arith.shli %get3A_558, %shift_left3A_568 : vector<16xi32>
      %add3A_570 = arith.addi %shift_left3A_566, %shift_left3A_569 : vector<16xi32>
      %and3A = arith.constant 3 : i32
      %and3A_571 = vector.broadcast %and3A : i32 to vector<16xi32>
      %and3A_572 = arith.andi %add3A_561, %and3A_571 : vector<16xi32>
      %add3A_573 = arith.addi %add3A_570, %and3A_572 : vector<16xi32>
      %swap3A = arith.constant 0 : i32
      %swap3A_574 = arith.index_cast %swap3A : i32 to index
      %swap3A_575 = arith.index_cast %mul3A_537 : i32 to index
      %swap3A_576 = tpu.vector_load %arg6[%swap3A_574, %swap3A_575] {strides = array<i32>} : memref<2x1024xi32, #tpu.memory_space<vmem>>, vector<16xi32>,
      tpu.vector_store %arg6[%swap3A_574, %swap3A_575], %add3A_573 {strides = array<i32>} : memref<2x1024xi32, #tpu.memory_space<vmem>>, vector<16xi32>,
      %scan3A_577 = arith.constant 1 : i32
      %scan3A_578 = arith.addi %scan3A_535, %scan3A_577 : i32
      %mul3A_579 = arith.constant 16 : i32
      %mul3A_580 = arith.muli %scan3A_578, %mul3A_579 : i32
      %mul3A_581 = arith.constant 16 : i32
      %mul3A_582 = arith.muli %scan3A_578, %mul3A_581 : i32
      %get3A_583 = arith.constant 0 : i32
      %get3A_584 = arith.index_cast %get3A_583 : i32 to index
      %get3A_585 = arith.index_cast %mul3A_582 : i32 to index
      %get3A_586 = tpu.vector_load %arg5[%get3A_584, %get3A_585] {strides = array<i32>} : memref<2x3072xi32, #tpu.memory_space<vmem>>, vector<16xi32>,
      %mul3A_587 = arith.constant 16 : i32
      %mul3A_588 = arith.muli %scan3A_578, %mul3A_587 : i32
      %add3A_589 = arith.constant 1024 : i32
      %add3A_590 = arith.addi %add3A_589, %mul3A_588 : i32
      %get3A_591 = arith.constant 0 : i32
      %get3A_592 = arith.index_cast %get3A_591 : i32 to index
      %get3A_593 = arith.index_cast %add3A_590 : i32 to index
      %get3A_594 = tpu.vector_load %arg5[%get3A_592, %get3A_593] {strides = array<i32>} : memref<2x3072xi32, #tpu.memory_space<vmem>>, vector<16xi32>,
      %mul3A_595 = arith.constant 16 : i32
      %mul3A_596 = arith.muli %scan3A_578, %mul3A_595 : i32
      %add3A_597 = arith.constant 2048 : i32
      %add3A_598 = arith.addi %add3A_597, %mul3A_596 : i32
      %get3A_599 = arith.constant 0 : i32
      %get3A_600 = arith.index_cast %get3A_599 : i32 to index
      %get3A_601 = arith.index_cast %add3A_598 : i32 to index
      %get3A_602 = tpu.vector_load %arg5[%get3A_600, %get3A_601] {strides = array<i32>} : memref<2x3072xi32, #tpu.memory_space<vmem>>, vector<16xi32>,
      %shift_left3A_603 = arith.constant 6 : i32
      %shift_left3A_604 = vector.broadcast %shift_left3A_603 : i32 to vector<16xi32>
      %shift_left3A_605 = arith.shli %get3A_586, %shift_left3A_604 : vector<16xi32>
      %add3A_606 = arith.addi %shift_left3A_605, %get3A_594 : vector<16xi32>
      %shift_right_arithmetic3A_607 = arith.constant 2 : i32
      %shift_right_arithmetic3A_608 = vector.broadcast %shift_right_arithmetic3A_607 : i32 to vector<16xi32>
      %shift_right_arithmetic3A_609 = arith.shrsi %add3A_606, %shift_right_arithmetic3A_608 : vector<16xi32>
      %shift_left3A_610 = arith.constant 8 : i32
      %shift_left3A_611 = vector.broadcast %shift_left3A_610 : i32 to vector<16xi32>
      %shift_left3A_612 = arith.shli %shift_right_arithmetic3A_609, %shift_left3A_611 : vector<16xi32>
      %shift_left3A_613 = arith.constant 2 : i32
      %shift_left3A_614 = vector.broadcast %shift_left3A_613 : i32 to vector<16xi32>
      %shift_left3A_615 = arith.shli %get3A_602, %shift_left3A_614 : vector<16xi32>
      %add3A_616 = arith.addi %shift_left3A_612, %shift_left3A_615 : vector<16xi32>
      %and3A_617 = arith.constant 3 : i32
      %and3A_618 = vector.broadcast %and3A_617 : i32 to vector<16xi32>
      %and3A_619 = arith.andi %add3A_606, %and3A_618 : vector<16xi32>
      %add3A_620 = arith.addi %add3A_616, %and3A_619 : vector<16xi32>
      %swap3A_621 = arith.constant 0 : i32
      %swap3A_622 = arith.index_cast %swap3A_621 : i32 to index
      %swap3A_623 = arith.index_cast %mul3A_580 : i32 to index
      %swap3A_624 = tpu.vector_load %arg6[%swap3A_622, %swap3A_623] {strides = array<i32>} : memref<2x1024xi32, #tpu.memory_space<vmem>>, vector<16xi32>,
      tpu.vector_store %arg6[%swap3A_622, %swap3A_623], %add3A_620 {strides = array<i32>} : memref<2x1024xi32, #tpu.memory_space<vmem>>, vector<16xi32>,
      %scan3A_625 = arith.constant 2 : i32
      %scan3A_626 = arith.addi %scan3A_535, %scan3A_625 : i32
      %mul3A_627 = arith.constant 16 : i32
      %mul3A_628 = arith.muli %scan3A_626, %mul3A_627 : i32
      %mul3A_629 = arith.constant 16 : i32
      %mul3A_630 = arith.muli %scan3A_626, %mul3A_629 : i32
      %get3A_631 = arith.constant 0 : i32
      %get3A_632 = arith.index_cast %get3A_631 : i32 to index
      %get3A_633 = arith.index_cast %mul3A_630 : i32 to index
      %get3A_634 = tpu.vector_load %arg5[%get3A_632, %get3A_633] {strides = array<i32>} : memref<2x3072xi32, #tpu.memory_space<vmem>>, vector<16xi32>,
      %mul3A_635 = arith.constant 16 : i32
      %mul3A_636 = arith.muli %scan3A_626, %mul3A_635 : i32
      %add3A_637 = arith.constant 1024 : i32
      %add3A_638 = arith.addi %add3A_637, %mul3A_636 : i32
      %get3A_639 = arith.constant 0 : i32
      %get3A_640 = arith.index_cast %get3A_639 : i32 to index
      %get3A_641 = arith.index_cast %add3A_638 : i32 to index
      %get3A_642 = tpu.vector_load %arg5[%get3A_640, %get3A_641] {strides = array<i32>} : memref<2x3072xi32, #tpu.memory_space<vmem>>, vector<16xi32>,
      %mul3A_643 = arith.constant 16 : i32
      %mul3A_644 = arith.muli %scan3A_626, %mul3A_643 : i32
      %add3A_645 = arith.constant 2048 : i32
      %add3A_646 = arith.addi %add3A_645, %mul3A_644 : i32
      %get3A_647 = arith.constant 0 : i32
      %get3A_648 = arith.index_cast %get3A_647 : i32 to index
      %get3A_649 = arith.index_cast %add3A_646 : i32 to index
      %get3A_650 = tpu.vector_load %arg5[%get3A_648, %get3A_649] {strides = array<i32>} : memref<2x3072xi32, #tpu.memory_space<vmem>>, vector<16xi32>,
      %shift_left3A_651 = arith.constant 6 : i32
      %shift_left3A_652 = vector.broadcast %shift_left3A_651 : i32 to vector<16xi32>
      %shift_left3A_653 = arith.shli %get3A_634, %shift_left3A_652 : vector<16xi32>
      %add3A_654 = arith.addi %shift_left3A_653, %get3A_642 : vector<16xi32>
      %shift_right_arithmetic3A_655 = arith.constant 2 : i32
      %shift_right_arithmetic3A_656 = vector.broadcast %shift_right_arithmetic3A_655 : i32 to vector<16xi32>
      %shift_right_arithmetic3A_657 = arith.shrsi %add3A_654, %shift_right_arithmetic3A_656 : vector<16xi32>
      %shift_left3A_658 = arith.constant 8 : i32
      %shift_left3A_659 = vector.broadcast %shift_left3A_658 : i32 to vector<16xi32>
      %shift_left3A_660 = arith.shli %shift_right_arithmetic3A_657, %shift_left3A_659 : vector<16xi32>
      %shift_left3A_661 = arith.constant 2 : i32
      %shift_left3A_662 = vector.broadcast %shift_left3A_661 : i32 to vector<16xi32>
      %shift_left3A_663 = arith.shli %get3A_650, %shift_left3A_662 : vector<16xi32>
      %add3A_664 = arith.addi %shift_left3A_660, %shift_left3A_663 : vector<16xi32>
      %and3A_665 = arith.constant 3 : i32
      %and3A_666 = vector.broadcast %and3A_665 : i32 to vector<16xi32>
      %and3A_667 = arith.andi %add3A_654, %and3A_666 : vector<16xi32>
      %add3A_668 = arith.addi %add3A_664, %and3A_667 : vector<16xi32>
      %swap3A_669 = arith.constant 0 : i32
      %swap3A_670 = arith.index_cast %swap3A_669 : i32 to index
      %swap3A_671 = arith.index_cast %mul3A_628 : i32 to index
      %swap3A_672 = tpu.vector_load %arg6[%swap3A_670, %swap3A_671] {strides = array<i32>} : memref<2x1024xi32, #tpu.memory_space<vmem>>, vector<16xi32>,
      tpu.vector_store %arg6[%swap3A_670, %swap3A_671], %add3A_668 {strides = array<i32>} : memref<2x1024xi32, #tpu.memory_space<vmem>>, vector<16xi32>,
      %scan3A_673 = arith.constant 3 : i32
      %scan3A_674 = arith.addi %scan3A_535, %scan3A_673 : i32
      %mul3A_675 = arith.constant 16 : i32
      %mul3A_676 = arith.muli %scan3A_674, %mul3A_675 : i32
      %mul3A_677 = arith.constant 16 : i32
      %mul3A_678 = arith.muli %scan3A_674, %mul3A_677 : i32
      %get3A_679 = arith.constant 0 : i32
      %get3A_680 = arith.index_cast %get3A_679 : i32 to index
      %get3A_681 = arith.index_cast %mul3A_678 : i32 to index
      %get3A_682 = tpu.vector_load %arg5[%get3A_680, %get3A_681] {strides = array<i32>} : memref<2x3072xi32, #tpu.memory_space<vmem>>, vector<16xi32>,
      %mul3A_683 = arith.constant 16 : i32
      %mul3A_684 = arith.muli %scan3A_674, %mul3A_683 : i32
      %add3A_685 = arith.constant 1024 : i32
      %add3A_686 = arith.addi %add3A_685, %mul3A_684 : i32
      %get3A_687 = arith.constant 0 : i32
      %get3A_688 = arith.index_cast %get3A_687 : i32 to index
      %get3A_689 = arith.index_cast %add3A_686 : i32 to index
      %get3A_690 = tpu.vector_load %arg5[%get3A_688, %get3A_689] {strides = array<i32>} : memref<2x3072xi32, #tpu.memory_space<vmem>>, vector<16xi32>,
      %mul3A_691 = arith.constant 16 : i32
      %mul3A_692 = arith.muli %scan3A_674, %mul3A_691 : i32
      %add3A_693 = arith.constant 2048 : i32
      %add3A_694 = arith.addi %add3A_693, %mul3A_692 : i32
      %get3A_695 = arith.constant 0 : i32
      %get3A_696 = arith.index_cast %get3A_695 : i32 to index
      %get3A_697 = arith.index_cast %add3A_694 : i32 to index
      %get3A_698 = tpu.vector_load %arg5[%get3A_696, %get3A_697] {strides = array<i32>} : memref<2x3072xi32, #tpu.memory_space<vmem>>, vector<16xi32>,
      %shift_left3A_699 = arith.constant 6 : i32
      %shift_left3A_700 = vector.broadcast %shift_left3A_699 : i32 to vector<16xi32>
      %shift_left3A_701 = arith.shli %get3A_682, %shift_left3A_700 : vector<16xi32>
      %add3A_702 = arith.addi %shift_left3A_701, %get3A_690 : vector<16xi32>
      %shift_right_arithmetic3A_703 = arith.constant 2 : i32
      %shift_right_arithmetic3A_704 = vector.broadcast %shift_right_arithmetic3A_703 : i32 to vector<16xi32>
      %shift_right_arithmetic3A_705 = arith.shrsi %add3A_702, %shift_right_arithmetic3A_704 : vector<16xi32>
      %shift_left3A_706 = arith.constant 8 : i32
      %shift_left3A_707 = vector.broadcast %shift_left3A_706 : i32 to vector<16xi32>
      %shift_left3A_708 = arith.shli %shift_right_arithmetic3A_705, %shift_left3A_707 : vector<16xi32>
      %shift_left3A_709 = arith.constant 2 : i32
      %shift_left3A_710 = vector.broadcast %shift_left3A_709 : i32 to vector<16xi32>
      %shift_left3A_711 = arith.shli %get3A_698, %shift_left3A_710 : vector<16xi32>
      %add3A_712 = arith.addi %shift_left3A_708, %shift_left3A_711 : vector<16xi32>
      %and3A_713 = arith.constant 3 : i32
      %and3A_714 = vector.broadcast %and3A_713 : i32 to vector<16xi32>
      %and3A_715 = arith.andi %add3A_702, %and3A_714 : vector<16xi32>
      %add3A_716 = arith.addi %add3A_712, %and3A_715 : vector<16xi32>
      %swap3A_717 = arith.constant 0 : i32
      %swap3A_718 = arith.index_cast %swap3A_717 : i32 to index
      %swap3A_719 = arith.index_cast %mul3A_676 : i32 to index
      %swap3A_720 = tpu.vector_load %arg6[%swap3A_718, %swap3A_719] {strides = array<i32>} : memref<2x1024xi32, #tpu.memory_space<vmem>>, vector<16xi32>,
      tpu.vector_store %arg6[%swap3A_718, %swap3A_719], %add3A_716 {strides = array<i32>} : memref<2x1024xi32, #tpu.memory_space<vmem>>, vector<16xi32>,
    }
    %scan3A_94 = arith.constant 64 : i32
    %dma_wait3A_95 = arith.constant 0 : i32
    %dma_wait3A_96 = arith.constant 0 : i32
    %dma_wait3A_97 = arith.constant 0 : i32
    %dma_wait3A_98 = tpu.memref_slice %arg7[%dma_wait3A_95, %dma_wait3A_96, %dma_wait3A_97] : memref<2x1024x32xf32, #tpu.memory_space<vmem>> -> memref<1x1024x32xf32, #tpu.memory_space<vmem>>
    %dma_wait3A_99 = tpu.memref_squeeze %dma_wait3A_98 : memref<1x1024x32xf32, #tpu.memory_space<vmem>> -> memref<1024x32xf32, #tpu.memory_space<vmem>>
    %dma_wait3A_100 = arith.constant 0 : i32
    %dma_wait3A_101 = tpu.memref_slice %arg4[%add3A_66, %dma_wait3A_100] : memref<262144x32xf32, #tpu.memory_space<hbm>> -> memref<1024x32xf32, #tpu.memory_space<hbm>>
    %dma_wait3A_102 = arith.constant 0 : i32
    %dma_wait3A_103 = tpu.memref_slice %arg4[%add3A_66, %dma_wait3A_102] : memref<262144x32xf32, #tpu.memory_space<hbm>> -> memref<1024x32xf32, #tpu.memory_space<hbm>>
    %dma_wait3A_104 = arith.constant 0 : i32
    %dma_wait3A_105 = arith.constant 0 : i32
    %dma_wait3A_106 = tpu.memref_slice %arg7[%dma_wait3A_95, %dma_wait3A_104, %dma_wait3A_105] : memref<2x1024x32xf32, #tpu.memory_space<vmem>> -> memref<1x1024x32xf32, #tpu.memory_space<vmem>>
    %dma_wait3A_107 = tpu.memref_squeeze %dma_wait3A_106 : memref<1x1024x32xf32, #tpu.memory_space<vmem>> -> memref<1024x32xf32, #tpu.memory_space<vmem>>
    tpu.wait_dma2 semaphore(%arg10 : memref<!tpu.dma_semaphore, #tpu.memory_space<semaphore_mem>>) src(%dma_wait3A_107 : memref<1024x32xf32, #tpu.memory_space<vmem>>) dst(%dma_wait3A_103 : memref<1024x32xf32, #tpu.memory_space<hbm>>)
    %dma_wait3A_108 = arith.constant 1 : i32
    %dma_wait3A_109 = arith.constant 1 : i32
    %dma_wait3A_110 = arith.constant 0 : i32
    %dma_wait3A_111 = arith.constant 0 : i32
    %dma_wait3A_112 = tpu.memref_slice %arg7[%dma_wait3A_109, %dma_wait3A_110, %dma_wait3A_111] : memref<2x1024x32xf32, #tpu.memory_space<vmem>> -> memref<1x1024x32xf32, #tpu.memory_space<vmem>>
    %dma_wait3A_113 = tpu.memref_squeeze %dma_wait3A_112 : memref<1x1024x32xf32, #tpu.memory_space<vmem>> -> memref<1024x32xf32, #tpu.memory_space<vmem>>
    %dma_wait3A_114 = arith.constant 0 : i32
    %dma_wait3A_115 = tpu.memref_slice %arg6[%dma_wait3A_108, %dma_wait3A_114] : memref<2x1024xi32, #tpu.memory_space<vmem>> -> memref<1x1024xi32, #tpu.memory_space<vmem>>
    %dma_wait3A_116 = tpu.memref_squeeze %dma_wait3A_115 : memref<1x1024xi32, #tpu.memory_space<vmem>> -> memref<1024xi32, #tpu.memory_space<vmem>>
    %dma_wait3A_117 = arith.constant 0 : i32
    %dma_wait3A_118 = arith.constant 0 : i32
    %dma_wait3A_119 = tpu.memref_slice %arg2[%dma_wait3A_117, %dma_wait3A_118] : memref<262144x32xf32, #tpu.memory_space<hbm>> -> memref<262144x32xf32, #tpu.memory_space<hbm>>
    tpu.wait_indirect_dma semaphore(%arg9 : memref<!tpu.dma_semaphore, #tpu.memory_space<semaphore_mem>>) src(%dma_wait3A_119 : memref<262144x32xf32, #tpu.memory_space<hbm>>) dst(%dma_wait3A_113 : memref<1024x32xf32, #tpu.memory_space<vmem>>)
    %dma_start3A_120 = arith.constant 0 : i32
    %dma_start3A_121 = arith.constant 0 : i32
    %dma_start3A_122 = arith.constant 0 : i32
    %dma_start3A_123 = arith.constant 0 : i32
    %dma_start3A_124 = tpu.memref_slice %arg7[%dma_start3A_121, %dma_start3A_122, %dma_start3A_123] : memref<2x1024x32xf32, #tpu.memory_space<vmem>> -> memref<1x1024x32xf32, #tpu.memory_space<vmem>>
    %dma_start3A_125 = tpu.memref_squeeze %dma_start3A_124 : memref<1x1024x32xf32, #tpu.memory_space<vmem>> -> memref<1024x32xf32, #tpu.memory_space<vmem>>
    %dma_start3A_126 = arith.constant 0 : i32
    %dma_start3A_127 = tpu.memref_slice %arg6[%dma_start3A_120, %dma_start3A_126] : memref<2x1024xi32, #tpu.memory_space<vmem>> -> memref<1x1024xi32, #tpu.memory_space<vmem>>
    %dma_start3A_128 = tpu.memref_squeeze %dma_start3A_127 : memref<1x1024xi32, #tpu.memory_space<vmem>> -> memref<1024xi32, #tpu.memory_space<vmem>>
    %dma_start3A_129 = arith.constant 0 : i32
    %dma_start3A_130 = arith.constant 0 : i32
    %dma_start3A_131 = tpu.memref_slice %arg2[%dma_start3A_129, %dma_start3A_130] : memref<262144x32xf32, #tpu.memory_space<hbm>> -> memref<262144x32xf32, #tpu.memory_space<hbm>>
    tpu.enqueue_indirect_dma source(%dma_start3A_131 : memref<262144x32xf32, #tpu.memory_space<hbm>>) target(%dma_start3A_125 : memref<1024x32xf32, #tpu.memory_space<vmem>>) offsets(%dma_start3A_128 : memref<1024xi32, #tpu.memory_space<vmem>>) semaphore(%arg8 : memref<!tpu.dma_semaphore, #tpu.memory_space<semaphore_mem>>)
    %add3A_132 = arith.constant 1024 : i32
    %add3A_133 = arith.addi %mul3A_2, %add3A_132 : i32
    %dma_start3A_134 = arith.constant 1 : i32
    %dma_start3A_135 = arith.constant 0 : i32
    %dma_start3A_136 = arith.constant 0 : i32
    %dma_start3A_137 = tpu.memref_slice %arg7[%dma_start3A_134, %dma_start3A_135, %dma_start3A_136] : memref<2x1024x32xf32, #tpu.memory_space<vmem>> -> memref<1x1024x32xf32, #tpu.memory_space<vmem>>
    %dma_start3A_138 = tpu.memref_squeeze %dma_start3A_137 : memref<1x1024x32xf32, #tpu.memory_space<vmem>> -> memref<1024x32xf32, #tpu.memory_space<vmem>>
    %dma_start3A_139 = arith.constant 0 : i32
    %dma_start3A_140 = tpu.memref_slice %arg4[%add3A_133, %dma_start3A_139] : memref<262144x32xf32, #tpu.memory_space<hbm>> -> memref<1024x32xf32, #tpu.memory_space<hbm>>
    %dma_start3A_141 = arith.constant 0 : i32
    %dma_start3A_142 = tpu.memref_slice %arg4[%add3A_133, %dma_start3A_141] : memref<262144x32xf32, #tpu.memory_space<hbm>> -> memref<1024x32xf32, #tpu.memory_space<hbm>>
    %dma_start3A_143 = arith.constant 0 : i32
    %dma_start3A_144 = arith.constant 0 : i32
    %dma_start3A_145 = tpu.memref_slice %arg7[%dma_start3A_134, %dma_start3A_143, %dma_start3A_144] : memref<2x1024x32xf32, #tpu.memory_space<vmem>> -> memref<1x1024x32xf32, #tpu.memory_space<vmem>>
    %dma_start3A_146 = tpu.memref_squeeze %dma_start3A_145 : memref<1x1024x32xf32, #tpu.memory_space<vmem>> -> memref<1024x32xf32, #tpu.memory_space<vmem>>
    tpu.enqueue_dma source(%dma_start3A_146 : memref<1024x32xf32, #tpu.memory_space<vmem>>) target(%dma_start3A_142 : memref<1024x32xf32, #tpu.memory_space<hbm>>) target_semaphore(%arg11 : memref<!tpu.dma_semaphore, #tpu.memory_space<semaphore_mem>>)
    %add3A_147 = arith.constant 3072 : i32
    %add3A_148 = arith.addi %mul3A_2, %add3A_147 : i32
    %run_scoped3A_149 = arith.constant 1 : i32
    "tpu.region"() ({
      %run_scoped3A_535 = tpu.sem_alloc : memref<!tpu.dma_semaphore, #tpu.memory_space<semaphore_mem>>
      %dma_start3A_536 = arith.constant 0 : i32
      %dma_start3A_537 = tpu.memref_slice %arg5[%run_scoped3A_149, %dma_start3A_536] : memref<2x3072xi32, #tpu.memory_space<vmem>> -> memref<1x1024xi32, #tpu.memory_space<vmem>>
      %dma_start3A_538 = tpu.memref_squeeze %dma_start3A_537 : memref<1x1024xi32, #tpu.memory_space<vmem>> -> memref<1024xi32, #tpu.memory_space<vmem>>
      %dma_start3A_539 = tpu.memref_slice %arg3[%add3A_148] : memref<786432xi32, #tpu.memory_space<hbm>> -> memref<1024xi32, #tpu.memory_space<hbm>>
      %dma_start3A_540 = arith.constant 0 : i32
      %dma_start3A_541 = tpu.memref_slice %arg5[%run_scoped3A_149, %dma_start3A_540] : memref<2x3072xi32, #tpu.memory_space<vmem>> -> memref<1x1024xi32, #tpu.memory_space<vmem>>
      %dma_start3A_542 = tpu.memref_squeeze %dma_start3A_541 : memref<1x1024xi32, #tpu.memory_space<vmem>> -> memref<1024xi32, #tpu.memory_space<vmem>>
      %dma_start3A_543 = tpu.memref_slice %arg3[%add3A_148] : memref<786432xi32, #tpu.memory_space<hbm>> -> memref<1024xi32, #tpu.memory_space<hbm>>
      tpu.enqueue_dma source(%dma_start3A_543 : memref<1024xi32, #tpu.memory_space<hbm>>) target(%dma_start3A_542 : memref<1024xi32, #tpu.memory_space<vmem>>) target_semaphore(%run_scoped3A_535 : memref<!tpu.dma_semaphore, #tpu.memory_space<semaphore_mem>>)
      %dma_wait3A_544 = arith.constant 0 : i32
      %dma_wait3A_545 = tpu.memref_slice %arg5[%run_scoped3A_149, %dma_wait3A_544] : memref<2x3072xi32, #tpu.memory_space<vmem>> -> memref<1x1024xi32, #tpu.memory_space<vmem>>
      %dma_wait3A_546 = tpu.memref_squeeze %dma_wait3A_545 : memref<1x1024xi32, #tpu.memory_space<vmem>> -> memref<1024xi32, #tpu.memory_space<vmem>>
      %dma_wait3A_547 = tpu.memref_slice %arg3[%add3A_148] : memref<786432xi32, #tpu.memory_space<hbm>> -> memref<1024xi32, #tpu.memory_space<hbm>>
      %dma_wait3A_548 = arith.constant 0 : i32
      %dma_wait3A_549 = tpu.memref_slice %arg5[%run_scoped3A_149, %dma_wait3A_548] : memref<2x3072xi32, #tpu.memory_space<vmem>> -> memref<1x1024xi32, #tpu.memory_space<vmem>>
      %dma_wait3A_550 = tpu.memref_squeeze %dma_wait3A_549 : memref<1x1024xi32, #tpu.memory_space<vmem>> -> memref<1024xi32, #tpu.memory_space<vmem>>
      %dma_wait3A_551 = tpu.memref_slice %arg3[%add3A_148] : memref<786432xi32, #tpu.memory_space<hbm>> -> memref<1024xi32, #tpu.memory_space<hbm>>
      tpu.wait_dma2 semaphore(%run_scoped3A_535 : memref<!tpu.dma_semaphore, #tpu.memory_space<semaphore_mem>>) src(%dma_wait3A_551 : memref<1024xi32, #tpu.memory_space<hbm>>) dst(%dma_wait3A_550 : memref<1024xi32, #tpu.memory_space<vmem>>)
      tpu.yield
    }) : () -> ()
    %add3A_150 = arith.constant 262144 : i32
    %add3A_151 = arith.addi %add3A_150, %add3A_148 : i32
    %run_scoped3A_152 = arith.constant 1 : i32
    "tpu.region"() ({
      %run_scoped3A_535 = tpu.sem_alloc : memref<!tpu.dma_semaphore, #tpu.memory_space<semaphore_mem>>
      %dma_start3A_536 = arith.constant 1024 : i32
      %dma_start3A_537 = tpu.memref_slice %arg5[%run_scoped3A_152, %dma_start3A_536] : memref<2x3072xi32, #tpu.memory_space<vmem>> -> memref<1x1024xi32, #tpu.memory_space<vmem>>
      %dma_start3A_538 = tpu.memref_squeeze %dma_start3A_537 : memref<1x1024xi32, #tpu.memory_space<vmem>> -> memref<1024xi32, #tpu.memory_space<vmem>>
      %dma_start3A_539 = tpu.memref_slice %arg3[%add3A_151] : memref<786432xi32, #tpu.memory_space<hbm>> -> memref<1024xi32, #tpu.memory_space<hbm>>
      %dma_start3A_540 = arith.constant 1024 : i32
      %dma_start3A_541 = tpu.memref_slice %arg5[%run_scoped3A_152, %dma_start3A_540] : memref<2x3072xi32, #tpu.memory_space<vmem>> -> memref<1x1024xi32, #tpu.memory_space<vmem>>
      %dma_start3A_542 = tpu.memref_squeeze %dma_start3A_541 : memref<1x1024xi32, #tpu.memory_space<vmem>> -> memref<1024xi32, #tpu.memory_space<vmem>>
      %dma_start3A_543 = tpu.memref_slice %arg3[%add3A_151] : memref<786432xi32, #tpu.memory_space<hbm>> -> memref<1024xi32, #tpu.memory_space<hbm>>
      tpu.enqueue_dma source(%dma_start3A_543 : memref<1024xi32, #tpu.memory_space<hbm>>) target(%dma_start3A_542 : memref<1024xi32, #tpu.memory_space<vmem>>) target_semaphore(%run_scoped3A_535 : memref<!tpu.dma_semaphore, #tpu.memory_space<semaphore_mem>>)
      %dma_wait3A_544 = arith.constant 1024 : i32
      %dma_wait3A_545 = tpu.memref_slice %arg5[%run_scoped3A_152, %dma_wait3A_544] : memref<2x3072xi32, #tpu.memory_space<vmem>> -> memref<1x1024xi32, #tpu.memory_space<vmem>>
      %dma_wait3A_546 = tpu.memref_squeeze %dma_wait3A_545 : memref<1x1024xi32, #tpu.memory_space<vmem>> -> memref<1024xi32, #tpu.memory_space<vmem>>
      %dma_wait3A_547 = tpu.memref_slice %arg3[%add3A_151] : memref<786432xi32, #tpu.memory_space<hbm>> -> memref<1024xi32, #tpu.memory_space<hbm>>
      %dma_wait3A_548 = arith.constant 1024 : i32
      %dma_wait3A_549 = tpu.memref_slice %arg5[%run_scoped3A_152, %dma_wait3A_548] : memref<2x3072xi32, #tpu.memory_space<vmem>> -> memref<1x1024xi32, #tpu.memory_space<vmem>>
      %dma_wait3A_550 = tpu.memref_squeeze %dma_wait3A_549 : memref<1x1024xi32, #tpu.memory_space<vmem>> -> memref<1024xi32, #tpu.memory_space<vmem>>
      %dma_wait3A_551 = tpu.memref_slice %arg3[%add3A_151] : memref<786432xi32, #tpu.memory_space<hbm>> -> memref<1024xi32, #tpu.memory_space<hbm>>
      tpu.wait_dma2 semaphore(%run_scoped3A_535 : memref<!tpu.dma_semaphore, #tpu.memory_space<semaphore_mem>>) src(%dma_wait3A_551 : memref<1024xi32, #tpu.memory_space<hbm>>) dst(%dma_wait3A_550 : memref<1024xi32, #tpu.memory_space<vmem>>)
      tpu.yield
    }) : () -> ()
    %add3A_153 = arith.constant 524288 : i32
    %add3A_154 = arith.addi %add3A_153, %add3A_148 : i32
    %run_scoped3A_155 = arith.constant 1 : i32
    "tpu.region"() ({
      %run_scoped3A_535 = tpu.sem_alloc : memref<!tpu.dma_semaphore, #tpu.memory_space<semaphore_mem>>
      %dma_start3A_536 = arith.constant 2048 : i32
      %dma_start3A_537 = tpu.memref_slice %arg5[%run_scoped3A_155, %dma_start3A_536] : memref<2x3072xi32, #tpu.memory_space<vmem>> -> memref<1x1024xi32, #tpu.memory_space<vmem>>
      %dma_start3A_538 = tpu.memref_squeeze %dma_start3A_537 : memref<1x1024xi32, #tpu.memory_space<vmem>> -> memref<1024xi32, #tpu.memory_space<vmem>>
      %dma_start3A_539 = tpu.memref_slice %arg3[%add3A_154] : memref<786432xi32, #tpu.memory_space<hbm>> -> memref<1024xi32, #tpu.memory_space<hbm>>
      %dma_start3A_540 = arith.constant 2048 : i32
      %dma_start3A_541 = tpu.memref_slice %arg5[%run_scoped3A_155, %dma_start3A_540] : memref<2x3072xi32, #tpu.memory_space<vmem>> -> memref<1x1024xi32, #tpu.memory_space<vmem>>
      %dma_start3A_542 = tpu.memref_squeeze %dma_start3A_541 : memref<1x1024xi32, #tpu.memory_space<vmem>> -> memref<1024xi32, #tpu.memory_space<vmem>>
      %dma_start3A_543 = tpu.memref_slice %arg3[%add3A_154] : memref<786432xi32, #tpu.memory_space<hbm>> -> memref<1024xi32, #tpu.memory_space<hbm>>
      tpu.enqueue_dma source(%dma_start3A_543 : memref<1024xi32, #tpu.memory_space<hbm>>) target(%dma_start3A_542 : memref<1024xi32, #tpu.memory_space<vmem>>) target_semaphore(%run_scoped3A_535 : memref<!tpu.dma_semaphore, #tpu.memory_space<semaphore_mem>>)
      %dma_wait3A_544 = arith.constant 2048 : i32
      %dma_wait3A_545 = tpu.memref_slice %arg5[%run_scoped3A_155, %dma_wait3A_544] : memref<2x3072xi32, #tpu.memory_space<vmem>> -> memref<1x1024xi32, #tpu.memory_space<vmem>>
      %dma_wait3A_546 = tpu.memref_squeeze %dma_wait3A_545 : memref<1x1024xi32, #tpu.memory_space<vmem>> -> memref<1024xi32, #tpu.memory_space<vmem>>
      %dma_wait3A_547 = tpu.memref_slice %arg3[%add3A_154] : memref<786432xi32, #tpu.memory_space<hbm>> -> memref<1024xi32, #tpu.memory_space<hbm>>
      %dma_wait3A_548 = arith.constant 2048 : i32
      %dma_wait3A_549 = tpu.memref_slice %arg5[%run_scoped3A_155, %dma_wait3A_548] : memref<2x3072xi32, #tpu.memory_space<vmem>> -> memref<1x1024xi32, #tpu.memory_space<vmem>>
      %dma_wait3A_550 = tpu.memref_squeeze %dma_wait3A_549 : memref<1x1024xi32, #tpu.memory_space<vmem>> -> memref<1024xi32, #tpu.memory_space<vmem>>
      %dma_wait3A_551 = tpu.memref_slice %arg3[%add3A_154] : memref<786432xi32, #tpu.memory_space<hbm>> -> memref<1024xi32, #tpu.memory_space<hbm>>
      tpu.wait_dma2 semaphore(%run_scoped3A_535 : memref<!tpu.dma_semaphore, #tpu.memory_space<semaphore_mem>>) src(%dma_wait3A_551 : memref<1024xi32, #tpu.memory_space<hbm>>) dst(%dma_wait3A_550 : memref<1024xi32, #tpu.memory_space<vmem>>)
      tpu.yield
    }) : () -> ()
    %scan3A_156 = arith.constant 0 : i32
    %scan3A_157 = arith.constant 0 : i32
    %scan3A_158 = arith.constant 64 : i32
    %scan3A_159 = arith.addi %scan3A_157, %scan3A_158 : i32
    %scan3A_160 = arith.constant 4 : i32
    scf.for %scan3A_535 = %scan3A_157 to %scan3A_159 step %scan3A_160  : i32 {
      %mul3A_536 = arith.constant 16 : i32
      %mul3A_537 = arith.muli %scan3A_535, %mul3A_536 : i32
      %mul3A_538 = arith.constant 16 : i32
      %mul3A_539 = arith.muli %scan3A_535, %mul3A_538 : i32
      %get3A = arith.constant 1 : i32
      %get3A_540 = arith.index_cast %get3A : i32 to index
      %get3A_541 = arith.index_cast %mul3A_539 : i32 to index
      %get3A_542 = tpu.vector_load %arg5[%get3A_540, %get3A_541] {strides = array<i32>} : memref<2x3072xi32, #tpu.memory_space<vmem>>, vector<16xi32>,
      %mul3A_543 = arith.constant 16 : i32
      %mul3A_544 = arith.muli %scan3A_535, %mul3A_543 : i32
      %add3A_545 = arith.constant 1024 : i32
      %add3A_546 = arith.addi %add3A_545, %mul3A_544 : i32
      %get3A_547 = arith.constant 1 : i32
      %get3A_548 = arith.index_cast %get3A_547 : i32 to index
      %get3A_549 = arith.index_cast %add3A_546 : i32 to index
      %get3A_550 = tpu.vector_load %arg5[%get3A_548, %get3A_549] {strides = array<i32>} : memref<2x3072xi32, #tpu.memory_space<vmem>>, vector<16xi32>,
      %mul3A_551 = arith.constant 16 : i32
      %mul3A_552 = arith.muli %scan3A_535, %mul3A_551 : i32
      %add3A_553 = arith.constant 2048 : i32
      %add3A_554 = arith.addi %add3A_553, %mul3A_552 : i32
      %get3A_555 = arith.constant 1 : i32
      %get3A_556 = arith.index_cast %get3A_555 : i32 to index
      %get3A_557 = arith.index_cast %add3A_554 : i32 to index
      %get3A_558 = tpu.vector_load %arg5[%get3A_556, %get3A_557] {strides = array<i32>} : memref<2x3072xi32, #tpu.memory_space<vmem>>, vector<16xi32>,
      %shift_left3A = arith.constant 6 : i32
      %shift_left3A_559 = vector.broadcast %shift_left3A : i32 to vector<16xi32>
      %shift_left3A_560 = arith.shli %get3A_542, %shift_left3A_559 : vector<16xi32>
      %add3A_561 = arith.addi %shift_left3A_560, %get3A_550 : vector<16xi32>
      %shift_right_arithmetic3A = arith.constant 2 : i32
      %shift_right_arithmetic3A_562 = vector.broadcast %shift_right_arithmetic3A : i32 to vector<16xi32>
      %shift_right_arithmetic3A_563 = arith.shrsi %add3A_561, %shift_right_arithmetic3A_562 : vector<16xi32>
      %shift_left3A_564 = arith.constant 8 : i32
      %shift_left3A_565 = vector.broadcast %shift_left3A_564 : i32 to vector<16xi32>
      %shift_left3A_566 = arith.shli %shift_right_arithmetic3A_563, %shift_left3A_565 : vector<16xi32>
      %shift_left3A_567 = arith.constant 2 : i32
      %shift_left3A_568 = vector.broadcast %shift_left3A_567 : i32 to vector<16xi32>
      %shift_left3A_569 = arith.shli %get3A_558, %shift_left3A_568 : vector<16xi32>
      %add3A_570 = arith.addi %shift_left3A_566, %shift_left3A_569 : vector<16xi32>
      %and3A = arith.constant 3 : i32
      %and3A_571 = vector.broadcast %and3A : i32 to vector<16xi32>
      %and3A_572 = arith.andi %add3A_561, %and3A_571 : vector<16xi32>
      %add3A_573 = arith.addi %add3A_570, %and3A_572 : vector<16xi32>
      %swap3A = arith.constant 1 : i32
      %swap3A_574 = arith.index_cast %swap3A : i32 to index
      %swap3A_575 = arith.index_cast %mul3A_537 : i32 to index
      %swap3A_576 = tpu.vector_load %arg6[%swap3A_574, %swap3A_575] {strides = array<i32>} : memref<2x1024xi32, #tpu.memory_space<vmem>>, vector<16xi32>,
      tpu.vector_store %arg6[%swap3A_574, %swap3A_575], %add3A_573 {strides = array<i32>} : memref<2x1024xi32, #tpu.memory_space<vmem>>, vector<16xi32>,
      %scan3A_577 = arith.constant 1 : i32
      %scan3A_578 = arith.addi %scan3A_535, %scan3A_577 : i32
      %mul3A_579 = arith.constant 16 : i32
      %mul3A_580 = arith.muli %scan3A_578, %mul3A_579 : i32
      %mul3A_581 = arith.constant 16 : i32
      %mul3A_582 = arith.muli %scan3A_578, %mul3A_581 : i32
      %get3A_583 = arith.constant 1 : i32
      %get3A_584 = arith.index_cast %get3A_583 : i32 to index
      %get3A_585 = arith.index_cast %mul3A_582 : i32 to index
      %get3A_586 = tpu.vector_load %arg5[%get3A_584, %get3A_585] {strides = array<i32>} : memref<2x3072xi32, #tpu.memory_space<vmem>>, vector<16xi32>,
      %mul3A_587 = arith.constant 16 : i32
      %mul3A_588 = arith.muli %scan3A_578, %mul3A_587 : i32
      %add3A_589 = arith.constant 1024 : i32
      %add3A_590 = arith.addi %add3A_589, %mul3A_588 : i32
      %get3A_591 = arith.constant 1 : i32
      %get3A_592 = arith.index_cast %get3A_591 : i32 to index
      %get3A_593 = arith.index_cast %add3A_590 : i32 to index
      %get3A_594 = tpu.vector_load %arg5[%get3A_592, %get3A_593] {strides = array<i32>} : memref<2x3072xi32, #tpu.memory_space<vmem>>, vector<16xi32>,
      %mul3A_595 = arith.constant 16 : i32
      %mul3A_596 = arith.muli %scan3A_578, %mul3A_595 : i32
      %add3A_597 = arith.constant 2048 : i32
      %add3A_598 = arith.addi %add3A_597, %mul3A_596 : i32
      %get3A_599 = arith.constant 1 : i32
      %get3A_600 = arith.index_cast %get3A_599 : i32 to index
      %get3A_601 = arith.index_cast %add3A_598 : i32 to index
      %get3A_602 = tpu.vector_load %arg5[%get3A_600, %get3A_601] {strides = array<i32>} : memref<2x3072xi32, #tpu.memory_space<vmem>>, vector<16xi32>,
      %shift_left3A_603 = arith.constant 6 : i32
      %shift_left3A_604 = vector.broadcast %shift_left3A_603 : i32 to vector<16xi32>
      %shift_left3A_605 = arith.shli %get3A_586, %shift_left3A_604 : vector<16xi32>
      %add3A_606 = arith.addi %shift_left3A_605, %get3A_594 : vector<16xi32>
      %shift_right_arithmetic3A_607 = arith.constant 2 : i32
      %shift_right_arithmetic3A_608 = vector.broadcast %shift_right_arithmetic3A_607 : i32 to vector<16xi32>
      %shift_right_arithmetic3A_609 = arith.shrsi %add3A_606, %shift_right_arithmetic3A_608 : vector<16xi32>
      %shift_left3A_610 = arith.constant 8 : i32
      %shift_left3A_611 = vector.broadcast %shift_left3A_610 : i32 to vector<16xi32>
      %shift_left3A_612 = arith.shli %shift_right_arithmetic3A_609, %shift_left3A_611 : vector<16xi32>
      %shift_left3A_613 = arith.constant 2 : i32
      %shift_left3A_614 = vector.broadcast %shift_left3A_613 : i32 to vector<16xi32>
      %shift_left3A_615 = arith.shli %get3A_602, %shift_left3A_614 : vector<16xi32>
      %add3A_616 = arith.addi %shift_left3A_612, %shift_left3A_615 : vector<16xi32>
      %and3A_617 = arith.constant 3 : i32
      %and3A_618 = vector.broadcast %and3A_617 : i32 to vector<16xi32>
      %and3A_619 = arith.andi %add3A_606, %and3A_618 : vector<16xi32>
      %add3A_620 = arith.addi %add3A_616, %and3A_619 : vector<16xi32>
      %swap3A_621 = arith.constant 1 : i32
      %swap3A_622 = arith.index_cast %swap3A_621 : i32 to index
      %swap3A_623 = arith.index_cast %mul3A_580 : i32 to index
      %swap3A_624 = tpu.vector_load %arg6[%swap3A_622, %swap3A_623] {strides = array<i32>} : memref<2x1024xi32, #tpu.memory_space<vmem>>, vector<16xi32>,
      tpu.vector_store %arg6[%swap3A_622, %swap3A_623], %add3A_620 {strides = array<i32>} : memref<2x1024xi32, #tpu.memory_space<vmem>>, vector<16xi32>,
      %scan3A_625 = arith.constant 2 : i32
      %scan3A_626 = arith.addi %scan3A_535, %scan3A_625 : i32
      %mul3A_627 = arith.constant 16 : i32
      %mul3A_628 = arith.muli %scan3A_626, %mul3A_627 : i32
      %mul3A_629 = arith.constant 16 : i32
      %mul3A_630 = arith.muli %scan3A_626, %mul3A_629 : i32
      %get3A_631 = arith.constant 1 : i32
      %get3A_632 = arith.index_cast %get3A_631 : i32 to index
      %get3A_633 = arith.index_cast %mul3A_630 : i32 to index
      %get3A_634 = tpu.vector_load %arg5[%get3A_632, %get3A_633] {strides = array<i32>} : memref<2x3072xi32, #tpu.memory_space<vmem>>, vector<16xi32>,
      %mul3A_635 = arith.constant 16 : i32
      %mul3A_636 = arith.muli %scan3A_626, %mul3A_635 : i32
      %add3A_637 = arith.constant 1024 : i32
      %add3A_638 = arith.addi %add3A_637, %mul3A_636 : i32
      %get3A_639 = arith.constant 1 : i32
      %get3A_640 = arith.index_cast %get3A_639 : i32 to index
      %get3A_641 = arith.index_cast %add3A_638 : i32 to index
      %get3A_642 = tpu.vector_load %arg5[%get3A_640, %get3A_641] {strides = array<i32>} : memref<2x3072xi32, #tpu.memory_space<vmem>>, vector<16xi32>,
      %mul3A_643 = arith.constant 16 : i32
      %mul3A_644 = arith.muli %scan3A_626, %mul3A_643 : i32
      %add3A_645 = arith.constant 2048 : i32
      %add3A_646 = arith.addi %add3A_645, %mul3A_644 : i32
      %get3A_647 = arith.constant 1 : i32
      %get3A_648 = arith.index_cast %get3A_647 : i32 to index
      %get3A_649 = arith.index_cast %add3A_646 : i32 to index
      %get3A_650 = tpu.vector_load %arg5[%get3A_648, %get3A_649] {strides = array<i32>} : memref<2x3072xi32, #tpu.memory_space<vmem>>, vector<16xi32>,
      %shift_left3A_651 = arith.constant 6 : i32
      %shift_left3A_652 = vector.broadcast %shift_left3A_651 : i32 to vector<16xi32>
      %shift_left3A_653 = arith.shli %get3A_634, %shift_left3A_652 : vector<16xi32>
      %add3A_654 = arith.addi %shift_left3A_653, %get3A_642 : vector<16xi32>
      %shift_right_arithmetic3A_655 = arith.constant 2 : i32
      %shift_right_arithmetic3A_656 = vector.broadcast %shift_right_arithmetic3A_655 : i32 to vector<16xi32>
      %shift_right_arithmetic3A_657 = arith.shrsi %add3A_654, %shift_right_arithmetic3A_656 : vector<16xi32>
      %shift_left3A_658 = arith.constant 8 : i32
      %shift_left3A_659 = vector.broadcast %shift_left3A_658 : i32 to vector<16xi32>
      %shift_left3A_660 = arith.shli %shift_right_arithmetic3A_657, %shift_left3A_659 : vector<16xi32>
      %shift_left3A_661 = arith.constant 2 : i32
      %shift_left3A_662 = vector.broadcast %shift_left3A_661 : i32 to vector<16xi32>
      %shift_left3A_663 = arith.shli %get3A_650, %shift_left3A_662 : vector<16xi32>
      %add3A_664 = arith.addi %shift_left3A_660, %shift_left3A_663 : vector<16xi32>
      %and3A_665 = arith.constant 3 : i32
      %and3A_666 = vector.broadcast %and3A_665 : i32 to vector<16xi32>
      %and3A_667 = arith.andi %add3A_654, %and3A_666 : vector<16xi32>
      %add3A_668 = arith.addi %add3A_664, %and3A_667 : vector<16xi32>
      %swap3A_669 = arith.constant 1 : i32
      %swap3A_670 = arith.index_cast %swap3A_669 : i32 to index
      %swap3A_671 = arith.index_cast %mul3A_628 : i32 to index
      %swap3A_672 = tpu.vector_load %arg6[%swap3A_670, %swap3A_671] {strides = array<i32>} : memref<2x1024xi32, #tpu.memory_space<vmem>>, vector<16xi32>,
      tpu.vector_store %arg6[%swap3A_670, %swap3A_671], %add3A_668 {strides = array<i32>} : memref<2x1024xi32, #tpu.memory_space<vmem>>, vector<16xi32>,
      %scan3A_673 = arith.constant 3 : i32
      %scan3A_674 = arith.addi %scan3A_535, %scan3A_673 : i32
      %mul3A_675 = arith.constant 16 : i32
      %mul3A_676 = arith.muli %scan3A_674, %mul3A_675 : i32
      %mul3A_677 = arith.constant 16 : i32
      %mul3A_678 = arith.muli %scan3A_674, %mul3A_677 : i32
      %get3A_679 = arith.constant 1 : i32
      %get3A_680 = arith.index_cast %get3A_679 : i32 to index
      %get3A_681 = arith.index_cast %mul3A_678 : i32 to index
      %get3A_682 = tpu.vector_load %arg5[%get3A_680, %get3A_681] {strides = array<i32>} : memref<2x3072xi32, #tpu.memory_space<vmem>>, vector<16xi32>,
      %mul3A_683 = arith.constant 16 : i32
      %mul3A_684 = arith.muli %scan3A_674, %mul3A_683 : i32
      %add3A_685 = arith.constant 1024 : i32
      %add3A_686 = arith.addi %add3A_685, %mul3A_684 : i32
      %get3A_687 = arith.constant 1 : i32
      %get3A_688 = arith.index_cast %get3A_687 : i32 to index
      %get3A_689 = arith.index_cast %add3A_686 : i32 to index
      %get3A_690 = tpu.vector_load %arg5[%get3A_688, %get3A_689] {strides = array<i32>} : memref<2x3072xi32, #tpu.memory_space<vmem>>, vector<16xi32>,
      %mul3A_691 = arith.constant 16 : i32
      %mul3A_692 = arith.muli %scan3A_674, %mul3A_691 : i32
      %add3A_693 = arith.constant 2048 : i32
      %add3A_694 = arith.addi %add3A_693, %mul3A_692 : i32
      %get3A_695 = arith.constant 1 : i32
      %get3A_696 = arith.index_cast %get3A_695 : i32 to index
      %get3A_697 = arith.index_cast %add3A_694 : i32 to index
      %get3A_698 = tpu.vector_load %arg5[%get3A_696, %get3A_697] {strides = array<i32>} : memref<2x3072xi32, #tpu.memory_space<vmem>>, vector<16xi32>,
      %shift_left3A_699 = arith.constant 6 : i32
      %shift_left3A_700 = vector.broadcast %shift_left3A_699 : i32 to vector<16xi32>
      %shift_left3A_701 = arith.shli %get3A_682, %shift_left3A_700 : vector<16xi32>
      %add3A_702 = arith.addi %shift_left3A_701, %get3A_690 : vector<16xi32>
      %shift_right_arithmetic3A_703 = arith.constant 2 : i32
      %shift_right_arithmetic3A_704 = vector.broadcast %shift_right_arithmetic3A_703 : i32 to vector<16xi32>
      %shift_right_arithmetic3A_705 = arith.shrsi %add3A_702, %shift_right_arithmetic3A_704 : vector<16xi32>
      %shift_left3A_706 = arith.constant 8 : i32
      %shift_left3A_707 = vector.broadcast %shift_left3A_706 : i32 to vector<16xi32>
      %shift_left3A_708 = arith.shli %shift_right_arithmetic3A_705, %shift_left3A_707 : vector<16xi32>
      %shift_left3A_709 = arith.constant 2 : i32
      %shift_left3A_710 = vector.broadcast %shift_left3A_709 : i32 to vector<16xi32>
      %shift_left3A_711 = arith.shli %get3A_698, %shift_left3A_710 : vector<16xi32>
      %add3A_712 = arith.addi %shift_left3A_708, %shift_left3A_711 : vector<16xi32>
      %and3A_713 = arith.constant 3 : i32
      %and3A_714 = vector.broadcast %and3A_713 : i32 to vector<16xi32>
      %and3A_715 = arith.andi %add3A_702, %and3A_714 : vector<16xi32>
      %add3A_716 = arith.addi %add3A_712, %and3A_715 : vector<16xi32>
      %swap3A_717 = arith.constant 1 : i32
      %swap3A_718 = arith.index_cast %swap3A_717 : i32 to index
      %swap3A_719 = arith.index_cast %mul3A_676 : i32 to index
      %swap3A_720 = tpu.vector_load %arg6[%swap3A_718, %swap3A_719] {strides = array<i32>} : memref<2x1024xi32, #tpu.memory_space<vmem>>, vector<16xi32>,
      tpu.vector_store %arg6[%swap3A_718, %swap3A_719], %add3A_716 {strides = array<i32>} : memref<2x1024xi32, #tpu.memory_space<vmem>>, vector<16xi32>,
    }
    %scan3A_161 = arith.constant 64 : i32
    %dma_wait3A_162 = arith.constant 1 : i32
    %dma_wait3A_163 = arith.constant 0 : i32
    %dma_wait3A_164 = arith.constant 0 : i32
    %dma_wait3A_165 = tpu.memref_slice %arg7[%dma_wait3A_162, %dma_wait3A_163, %dma_wait3A_164] : memref<2x1024x32xf32, #tpu.memory_space<vmem>> -> memref<1x1024x32xf32, #tpu.memory_space<vmem>>
    %dma_wait3A_166 = tpu.memref_squeeze %dma_wait3A_165 : memref<1x1024x32xf32, #tpu.memory_space<vmem>> -> memref<1024x32xf32, #tpu.memory_space<vmem>>
    %dma_wait3A_167 = arith.constant 0 : i32
    %dma_wait3A_168 = tpu.memref_slice %arg4[%add3A_133, %dma_wait3A_167] : memref<262144x32xf32, #tpu.memory_space<hbm>> -> memref<1024x32xf32, #tpu.memory_space<hbm>>
    %dma_wait3A_169 = arith.constant 0 : i32
    %dma_wait3A_170 = tpu.memref_slice %arg4[%add3A_133, %dma_wait3A_169] : memref<262144x32xf32, #tpu.memory_space<hbm>> -> memref<1024x32xf32, #tpu.memory_space<hbm>>
    %dma_wait3A_171 = arith.constant 0 : i32
    %dma_wait3A_172 = arith.constant 0 : i32
    %dma_wait3A_173 = tpu.memref_slice %arg7[%dma_wait3A_162, %dma_wait3A_171, %dma_wait3A_172] : memref<2x1024x32xf32, #tpu.memory_space<vmem>> -> memref<1x1024x32xf32, #tpu.memory_space<vmem>>
    %dma_wait3A_174 = tpu.memref_squeeze %dma_wait3A_173 : memref<1x1024x32xf32, #tpu.memory_space<vmem>> -> memref<1024x32xf32, #tpu.memory_space<vmem>>
    tpu.wait_dma2 semaphore(%arg11 : memref<!tpu.dma_semaphore, #tpu.memory_space<semaphore_mem>>) src(%dma_wait3A_174 : memref<1024x32xf32, #tpu.memory_space<vmem>>) dst(%dma_wait3A_170 : memref<1024x32xf32, #tpu.memory_space<hbm>>)
    %dma_wait3A_175 = arith.constant 0 : i32
    %dma_wait3A_176 = arith.constant 0 : i32
    %dma_wait3A_177 = arith.constant 0 : i32
    %dma_wait3A_178 = arith.constant 0 : i32
    %dma_wait3A_179 = tpu.memref_slice %arg7[%dma_wait3A_176, %dma_wait3A_177, %dma_wait3A_178] : memref<2x1024x32xf32, #tpu.memory_space<vmem>> -> memref<1x1024x32xf32, #tpu.memory_space<vmem>>
    %dma_wait3A_180 = tpu.memref_squeeze %dma_wait3A_179 : memref<1x1024x32xf32, #tpu.memory_space<vmem>> -> memref<1024x32xf32, #tpu.memory_space<vmem>>
    %dma_wait3A_181 = arith.constant 0 : i32
    %dma_wait3A_182 = tpu.memref_slice %arg6[%dma_wait3A_175, %dma_wait3A_181] : memref<2x1024xi32, #tpu.memory_space<vmem>> -> memref<1x1024xi32, #tpu.memory_space<vmem>>
    %dma_wait3A_183 = tpu.memref_squeeze %dma_wait3A_182 : memref<1x1024xi32, #tpu.memory_space<vmem>> -> memref<1024xi32, #tpu.memory_space<vmem>>
    %dma_wait3A_184 = arith.constant 0 : i32
    %dma_wait3A_185 = arith.constant 0 : i32
    %dma_wait3A_186 = tpu.memref_slice %arg2[%dma_wait3A_184, %dma_wait3A_185] : memref<262144x32xf32, #tpu.memory_space<hbm>> -> memref<262144x32xf32, #tpu.memory_space<hbm>>
    tpu.wait_indirect_dma semaphore(%arg8 : memref<!tpu.dma_semaphore, #tpu.memory_space<semaphore_mem>>) src(%dma_wait3A_186 : memref<262144x32xf32, #tpu.memory_space<hbm>>) dst(%dma_wait3A_180 : memref<1024x32xf32, #tpu.memory_space<vmem>>)
    %dma_start3A_187 = arith.constant 1 : i32
    %dma_start3A_188 = arith.constant 1 : i32
    %dma_start3A_189 = arith.constant 0 : i32
    %dma_start3A_190 = arith.constant 0 : i32
    %dma_start3A_191 = tpu.memref_slice %arg7[%dma_start3A_188, %dma_start3A_189, %dma_start3A_190] : memref<2x1024x32xf32, #tpu.memory_space<vmem>> -> memref<1x1024x32xf32, #tpu.memory_space<vmem>>
    %dma_start3A_192 = tpu.memref_squeeze %dma_start3A_191 : memref<1x1024x32xf32, #tpu.memory_space<vmem>> -> memref<1024x32xf32, #tpu.memory_space<vmem>>
    %dma_start3A_193 = arith.constant 0 : i32
    %dma_start3A_194 = tpu.memref_slice %arg6[%dma_start3A_187, %dma_start3A_193] : memref<2x1024xi32, #tpu.memory_space<vmem>> -> memref<1x1024xi32, #tpu.memory_space<vmem>>
    %dma_start3A_195 = tpu.memref_squeeze %dma_start3A_194 : memref<1x1024xi32, #tpu.memory_space<vmem>> -> memref<1024xi32, #tpu.memory_space<vmem>>
    %dma_start3A_196 = arith.constant 0 : i32
    %dma_start3A_197 = arith.constant 0 : i32
    %dma_start3A_198 = tpu.memref_slice %arg2[%dma_start3A_196, %dma_start3A_197] : memref<262144x32xf32, #tpu.memory_space<hbm>> -> memref<262144x32xf32, #tpu.memory_space<hbm>>
    tpu.enqueue_indirect_dma source(%dma_start3A_198 : memref<262144x32xf32, #tpu.memory_space<hbm>>) target(%dma_start3A_192 : memref<1024x32xf32, #tpu.memory_space<vmem>>) offsets(%dma_start3A_195 : memref<1024xi32, #tpu.memory_space<vmem>>) semaphore(%arg9 : memref<!tpu.dma_semaphore, #tpu.memory_space<semaphore_mem>>)
    %add3A_199 = arith.constant 2048 : i32
    %add3A_200 = arith.addi %mul3A_2, %add3A_199 : i32
    %dma_start3A_201 = arith.constant 0 : i32
    %dma_start3A_202 = arith.constant 0 : i32
    %dma_start3A_203 = arith.constant 0 : i32
    %dma_start3A_204 = tpu.memref_slice %arg7[%dma_start3A_201, %dma_start3A_202, %dma_start3A_203] : memref<2x1024x32xf32, #tpu.memory_space<vmem>> -> memref<1x1024x32xf32, #tpu.memory_space<vmem>>
    %dma_start3A_205 = tpu.memref_squeeze %dma_start3A_204 : memref<1x1024x32xf32, #tpu.memory_space<vmem>> -> memref<1024x32xf32, #tpu.memory_space<vmem>>
    %dma_start3A_206 = arith.constant 0 : i32
    %dma_start3A_207 = tpu.memref_slice %arg4[%add3A_200, %dma_start3A_206] : memref<262144x32xf32, #tpu.memory_space<hbm>> -> memref<1024x32xf32, #tpu.memory_space<hbm>>
    %dma_start3A_208 = arith.constant 0 : i32
    %dma_start3A_209 = tpu.memref_slice %arg4[%add3A_200, %dma_start3A_208] : memref<262144x32xf32, #tpu.memory_space<hbm>> -> memref<1024x32xf32, #tpu.memory_space<hbm>>
    %dma_start3A_210 = arith.constant 0 : i32
    %dma_start3A_211 = arith.constant 0 : i32
    %dma_start3A_212 = tpu.memref_slice %arg7[%dma_start3A_201, %dma_start3A_210, %dma_start3A_211] : memref<2x1024x32xf32, #tpu.memory_space<vmem>> -> memref<1x1024x32xf32, #tpu.memory_space<vmem>>
    %dma_start3A_213 = tpu.memref_squeeze %dma_start3A_212 : memref<1x1024x32xf32, #tpu.memory_space<vmem>> -> memref<1024x32xf32, #tpu.memory_space<vmem>>
    tpu.enqueue_dma source(%dma_start3A_213 : memref<1024x32xf32, #tpu.memory_space<vmem>>) target(%dma_start3A_209 : memref<1024x32xf32, #tpu.memory_space<hbm>>) target_semaphore(%arg10 : memref<!tpu.dma_semaphore, #tpu.memory_space<semaphore_mem>>)
    %add3A_214 = arith.constant 4096 : i32
    %add3A_215 = arith.addi %mul3A_2, %add3A_214 : i32
    %run_scoped3A_216 = arith.constant 0 : i32
    "tpu.region"() ({
      %run_scoped3A_535 = tpu.sem_alloc : memref<!tpu.dma_semaphore, #tpu.memory_space<semaphore_mem>>
      %dma_start3A_536 = arith.constant 0 : i32
      %dma_start3A_537 = tpu.memref_slice %arg5[%run_scoped3A_216, %dma_start3A_536] : memref<2x3072xi32, #tpu.memory_space<vmem>> -> memref<1x1024xi32, #tpu.memory_space<vmem>>
      %dma_start3A_538 = tpu.memref_squeeze %dma_start3A_537 : memref<1x1024xi32, #tpu.memory_space<vmem>> -> memref<1024xi32, #tpu.memory_space<vmem>>
      %dma_start3A_539 = tpu.memref_slice %arg3[%add3A_215] : memref<786432xi32, #tpu.memory_space<hbm>> -> memref<1024xi32, #tpu.memory_space<hbm>>
      %dma_start3A_540 = arith.constant 0 : i32
      %dma_start3A_541 = tpu.memref_slice %arg5[%run_scoped3A_216, %dma_start3A_540] : memref<2x3072xi32, #tpu.memory_space<vmem>> -> memref<1x1024xi32, #tpu.memory_space<vmem>>
      %dma_start3A_542 = tpu.memref_squeeze %dma_start3A_541 : memref<1x1024xi32, #tpu.memory_space<vmem>> -> memref<1024xi32, #tpu.memory_space<vmem>>
      %dma_start3A_543 = tpu.memref_slice %arg3[%add3A_215] : memref<786432xi32, #tpu.memory_space<hbm>> -> memref<1024xi32, #tpu.memory_space<hbm>>
      tpu.enqueue_dma source(%dma_start3A_543 : memref<1024xi32, #tpu.memory_space<hbm>>) target(%dma_start3A_542 : memref<1024xi32, #tpu.memory_space<vmem>>) target_semaphore(%run_scoped3A_535 : memref<!tpu.dma_semaphore, #tpu.memory_space<semaphore_mem>>)
      %dma_wait3A_544 = arith.constant 0 : i32
      %dma_wait3A_545 = tpu.memref_slice %arg5[%run_scoped3A_216, %dma_wait3A_544] : memref<2x3072xi32, #tpu.memory_space<vmem>> -> memref<1x1024xi32, #tpu.memory_space<vmem>>
      %dma_wait3A_546 = tpu.memref_squeeze %dma_wait3A_545 : memref<1x1024xi32, #tpu.memory_space<vmem>> -> memref<1024xi32, #tpu.memory_space<vmem>>
      %dma_wait3A_547 = tpu.memref_slice %arg3[%add3A_215] : memref<786432xi32, #tpu.memory_space<hbm>> -> memref<1024xi32, #tpu.memory_space<hbm>>
      %dma_wait3A_548 = arith.constant 0 : i32
      %dma_wait3A_549 = tpu.memref_slice %arg5[%run_scoped3A_216, %dma_wait3A_548] : memref<2x3072xi32, #tpu.memory_space<vmem>> -> memref<1x1024xi32, #tpu.memory_space<vmem>>
      %dma_wait3A_550 = tpu.memref_squeeze %dma_wait3A_549 : memref<1x1024xi32, #tpu.memory_space<vmem>> -> memref<1024xi32, #tpu.memory_space<vmem>>
      %dma_wait3A_551 = tpu.memref_slice %arg3[%add3A_215] : memref<786432xi32, #tpu.memory_space<hbm>> -> memref<1024xi32, #tpu.memory_space<hbm>>
      tpu.wait_dma2 semaphore(%run_scoped3A_535 : memref<!tpu.dma_semaphore, #tpu.memory_space<semaphore_mem>>) src(%dma_wait3A_551 : memref<1024xi32, #tpu.memory_space<hbm>>) dst(%dma_wait3A_550 : memref<1024xi32, #tpu.memory_space<vmem>>)
      tpu.yield
    }) : () -> ()
    %add3A_217 = arith.constant 262144 : i32
    %add3A_218 = arith.addi %add3A_217, %add3A_215 : i32
    %run_scoped3A_219 = arith.constant 0 : i32
    "tpu.region"() ({
      %run_scoped3A_535 = tpu.sem_alloc : memref<!tpu.dma_semaphore, #tpu.memory_space<semaphore_mem>>
      %dma_start3A_536 = arith.constant 1024 : i32
      %dma_start3A_537 = tpu.memref_slice %arg5[%run_scoped3A_219, %dma_start3A_536] : memref<2x3072xi32, #tpu.memory_space<vmem>> -> memref<1x1024xi32, #tpu.memory_space<vmem>>
      %dma_start3A_538 = tpu.memref_squeeze %dma_start3A_537 : memref<1x1024xi32, #tpu.memory_space<vmem>> -> memref<1024xi32, #tpu.memory_space<vmem>>
      %dma_start3A_539 = tpu.memref_slice %arg3[%add3A_218] : memref<786432xi32, #tpu.memory_space<hbm>> -> memref<1024xi32, #tpu.memory_space<hbm>>
      %dma_start3A_540 = arith.constant 1024 : i32
      %dma_start3A_541 = tpu.memref_slice %arg5[%run_scoped3A_219, %dma_start3A_540] : memref<2x3072xi32, #tpu.memory_space<vmem>> -> memref<1x1024xi32, #tpu.memory_space<vmem>>
      %dma_start3A_542 = tpu.memref_squeeze %dma_start3A_541 : memref<1x1024xi32, #tpu.memory_space<vmem>> -> memref<1024xi32, #tpu.memory_space<vmem>>
      %dma_start3A_543 = tpu.memref_slice %arg3[%add3A_218] : memref<786432xi32, #tpu.memory_space<hbm>> -> memref<1024xi32, #tpu.memory_space<hbm>>
      tpu.enqueue_dma source(%dma_start3A_543 : memref<1024xi32, #tpu.memory_space<hbm>>) target(%dma_start3A_542 : memref<1024xi32, #tpu.memory_space<vmem>>) target_semaphore(%run_scoped3A_535 : memref<!tpu.dma_semaphore, #tpu.memory_space<semaphore_mem>>)
      %dma_wait3A_544 = arith.constant 1024 : i32
      %dma_wait3A_545 = tpu.memref_slice %arg5[%run_scoped3A_219, %dma_wait3A_544] : memref<2x3072xi32, #tpu.memory_space<vmem>> -> memref<1x1024xi32, #tpu.memory_space<vmem>>
      %dma_wait3A_546 = tpu.memref_squeeze %dma_wait3A_545 : memref<1x1024xi32, #tpu.memory_space<vmem>> -> memref<1024xi32, #tpu.memory_space<vmem>>
      %dma_wait3A_547 = tpu.memref_slice %arg3[%add3A_218] : memref<786432xi32, #tpu.memory_space<hbm>> -> memref<1024xi32, #tpu.memory_space<hbm>>
      %dma_wait3A_548 = arith.constant 1024 : i32
      %dma_wait3A_549 = tpu.memref_slice %arg5[%run_scoped3A_219, %dma_wait3A_548] : memref<2x3072xi32, #tpu.memory_space<vmem>> -> memref<1x1024xi32, #tpu.memory_space<vmem>>
      %dma_wait3A_550 = tpu.memref_squeeze %dma_wait3A_549 : memref<1x1024xi32, #tpu.memory_space<vmem>> -> memref<1024xi32, #tpu.memory_space<vmem>>
      %dma_wait3A_551 = tpu.memref_slice %arg3[%add3A_218] : memref<786432xi32, #tpu.memory_space<hbm>> -> memref<1024xi32, #tpu.memory_space<hbm>>
      tpu.wait_dma2 semaphore(%run_scoped3A_535 : memref<!tpu.dma_semaphore, #tpu.memory_space<semaphore_mem>>) src(%dma_wait3A_551 : memref<1024xi32, #tpu.memory_space<hbm>>) dst(%dma_wait3A_550 : memref<1024xi32, #tpu.memory_space<vmem>>)
      tpu.yield
    }) : () -> ()
    %add3A_220 = arith.constant 524288 : i32
    %add3A_221 = arith.addi %add3A_220, %add3A_215 : i32
    %run_scoped3A_222 = arith.constant 0 : i32
    "tpu.region"() ({
      %run_scoped3A_535 = tpu.sem_alloc : memref<!tpu.dma_semaphore, #tpu.memory_space<semaphore_mem>>
      %dma_start3A_536 = arith.constant 2048 : i32
      %dma_start3A_537 = tpu.memref_slice %arg5[%run_scoped3A_222, %dma_start3A_536] : memref<2x3072xi32, #tpu.memory_space<vmem>> -> memref<1x1024xi32, #tpu.memory_space<vmem>>
      %dma_start3A_538 = tpu.memref_squeeze %dma_start3A_537 : memref<1x1024xi32, #tpu.memory_space<vmem>> -> memref<1024xi32, #tpu.memory_space<vmem>>
      %dma_start3A_539 = tpu.memref_slice %arg3[%add3A_221] : memref<786432xi32, #tpu.memory_space<hbm>> -> memref<1024xi32, #tpu.memory_space<hbm>>
      %dma_start3A_540 = arith.constant 2048 : i32
      %dma_start3A_541 = tpu.memref_slice %arg5[%run_scoped3A_222, %dma_start3A_540] : memref<2x3072xi32, #tpu.memory_space<vmem>> -> memref<1x1024xi32, #tpu.memory_space<vmem>>
      %dma_start3A_542 = tpu.memref_squeeze %dma_start3A_541 : memref<1x1024xi32, #tpu.memory_space<vmem>> -> memref<1024xi32, #tpu.memory_space<vmem>>
      %dma_start3A_543 = tpu.memref_slice %arg3[%add3A_221] : memref<786432xi32, #tpu.memory_space<hbm>> -> memref<1024xi32, #tpu.memory_space<hbm>>
      tpu.enqueue_dma source(%dma_start3A_543 : memref<1024xi32, #tpu.memory_space<hbm>>) target(%dma_start3A_542 : memref<1024xi32, #tpu.memory_space<vmem>>) target_semaphore(%run_scoped3A_535 : memref<!tpu.dma_semaphore, #tpu.memory_space<semaphore_mem>>)
      %dma_wait3A_544 = arith.constant 2048 : i32
      %dma_wait3A_545 = tpu.memref_slice %arg5[%run_scoped3A_222, %dma_wait3A_544] : memref<2x3072xi32, #tpu.memory_space<vmem>> -> memref<1x1024xi32, #tpu.memory_space<vmem>>
      %dma_wait3A_546 = tpu.memref_squeeze %dma_wait3A_545 : memref<1x1024xi32, #tpu.memory_space<vmem>> -> memref<1024xi32, #tpu.memory_space<vmem>>
      %dma_wait3A_547 = tpu.memref_slice %arg3[%add3A_221] : memref<786432xi32, #tpu.memory_space<hbm>> -> memref<1024xi32, #tpu.memory_space<hbm>>
      %dma_wait3A_548 = arith.constant 2048 : i32
      %dma_wait3A_549 = tpu.memref_slice %arg5[%run_scoped3A_222, %dma_wait3A_548] : memref<2x3072xi32, #tpu.memory_space<vmem>> -> memref<1x1024xi32, #tpu.memory_space<vmem>>
      %dma_wait3A_550 = tpu.memref_squeeze %dma_wait3A_549 : memref<1x1024xi32, #tpu.memory_space<vmem>> -> memref<1024xi32, #tpu.memory_space<vmem>>
      %dma_wait3A_551 = tpu.memref_slice %arg3[%add3A_221] : memref<786432xi32, #tpu.memory_space<hbm>> -> memref<1024xi32, #tpu.memory_space<hbm>>
      tpu.wait_dma2 semaphore(%run_scoped3A_535 : memref<!tpu.dma_semaphore, #tpu.memory_space<semaphore_mem>>) src(%dma_wait3A_551 : memref<1024xi32, #tpu.memory_space<hbm>>) dst(%dma_wait3A_550 : memref<1024xi32, #tpu.memory_space<vmem>>)
      tpu.yield
    }) : () -> ()
    %scan3A_223 = arith.constant 0 : i32
    %scan3A_224 = arith.constant 0 : i32
    %scan3A_225 = arith.constant 64 : i32
    %scan3A_226 = arith.addi %scan3A_224, %scan3A_225 : i32
    %scan3A_227 = arith.constant 4 : i32
    scf.for %scan3A_535 = %scan3A_224 to %scan3A_226 step %scan3A_227  : i32 {
      %mul3A_536 = arith.constant 16 : i32
      %mul3A_537 = arith.muli %scan3A_535, %mul3A_536 : i32
      %mul3A_538 = arith.constant 16 : i32
      %mul3A_539 = arith.muli %scan3A_535, %mul3A_538 : i32
      %get3A = arith.constant 0 : i32
      %get3A_540 = arith.index_cast %get3A : i32 to index
      %get3A_541 = arith.index_cast %mul3A_539 : i32 to index
      %get3A_542 = tpu.vector_load %arg5[%get3A_540, %get3A_541] {strides = array<i32>} : memref<2x3072xi32, #tpu.memory_space<vmem>>, vector<16xi32>,
      %mul3A_543 = arith.constant 16 : i32
      %mul3A_544 = arith.muli %scan3A_535, %mul3A_543 : i32
      %add3A_545 = arith.constant 1024 : i32
      %add3A_546 = arith.addi %add3A_545, %mul3A_544 : i32
      %get3A_547 = arith.constant 0 : i32
      %get3A_548 = arith.index_cast %get3A_547 : i32 to index
      %get3A_549 = arith.index_cast %add3A_546 : i32 to index
      %get3A_550 = tpu.vector_load %arg5[%get3A_548, %get3A_549] {strides = array<i32>} : memref<2x3072xi32, #tpu.memory_space<vmem>>, vector<16xi32>,
      %mul3A_551 = arith.constant 16 : i32
      %mul3A_552 = arith.muli %scan3A_535, %mul3A_551 : i32
      %add3A_553 = arith.constant 2048 : i32
      %add3A_554 = arith.addi %add3A_553, %mul3A_552 : i32
      %get3A_555 = arith.constant 0 : i32
      %get3A_556 = arith.index_cast %get3A_555 : i32 to index
      %get3A_557 = arith.index_cast %add3A_554 : i32 to index
      %get3A_558 = tpu.vector_load %arg5[%get3A_556, %get3A_557] {strides = array<i32>} : memref<2x3072xi32, #tpu.memory_space<vmem>>, vector<16xi32>,
      %shift_left3A = arith.constant 6 : i32
      %shift_left3A_559 = vector.broadcast %shift_left3A : i32 to vector<16xi32>
      %shift_left3A_560 = arith.shli %get3A_542, %shift_left3A_559 : vector<16xi32>
      %add3A_561 = arith.addi %shift_left3A_560, %get3A_550 : vector<16xi32>
      %shift_right_arithmetic3A = arith.constant 2 : i32
      %shift_right_arithmetic3A_562 = vector.broadcast %shift_right_arithmetic3A : i32 to vector<16xi32>
      %shift_right_arithmetic3A_563 = arith.shrsi %add3A_561, %shift_right_arithmetic3A_562 : vector<16xi32>
      %shift_left3A_564 = arith.constant 8 : i32
      %shift_left3A_565 = vector.broadcast %shift_left3A_564 : i32 to vector<16xi32>
      %shift_left3A_566 = arith.shli %shift_right_arithmetic3A_563, %shift_left3A_565 : vector<16xi32>
      %shift_left3A_567 = arith.constant 2 : i32
      %shift_left3A_568 = vector.broadcast %shift_left3A_567 : i32 to vector<16xi32>
      %shift_left3A_569 = arith.shli %get3A_558, %shift_left3A_568 : vector<16xi32>
      %add3A_570 = arith.addi %shift_left3A_566, %shift_left3A_569 : vector<16xi32>
      %and3A = arith.constant 3 : i32
      %and3A_571 = vector.broadcast %and3A : i32 to vector<16xi32>
      %and3A_572 = arith.andi %add3A_561, %and3A_571 : vector<16xi32>
      %add3A_573 = arith.addi %add3A_570, %and3A_572 : vector<16xi32>
      %swap3A = arith.constant 0 : i32
      %swap3A_574 = arith.index_cast %swap3A : i32 to index
      %swap3A_575 = arith.index_cast %mul3A_537 : i32 to index
      %swap3A_576 = tpu.vector_load %arg6[%swap3A_574, %swap3A_575] {strides = array<i32>} : memref<2x1024xi32, #tpu.memory_space<vmem>>, vector<16xi32>,
      tpu.vector_store %arg6[%swap3A_574, %swap3A_575], %add3A_573 {strides = array<i32>} : memref<2x1024xi32, #tpu.memory_space<vmem>>, vector<16xi32>,
      %scan3A_577 = arith.constant 1 : i32
      %scan3A_578 = arith.addi %scan3A_535, %scan3A_577 : i32
      %mul3A_579 = arith.constant 16 : i32
      %mul3A_580 = arith.muli %scan3A_578, %mul3A_579 : i32
      %mul3A_581 = arith.constant 16 : i32
      %mul3A_582 = arith.muli %scan3A_578, %mul3A_581 : i32
      %get3A_583 = arith.constant 0 : i32
      %get3A_584 = arith.index_cast %get3A_583 : i32 to index
      %get3A_585 = arith.index_cast %mul3A_582 : i32 to index
      %get3A_586 = tpu.vector_load %arg5[%get3A_584, %get3A_585] {strides = array<i32>} : memref<2x3072xi32, #tpu.memory_space<vmem>>, vector<16xi32>,
      %mul3A_587 = arith.constant 16 : i32
      %mul3A_588 = arith.muli %scan3A_578, %mul3A_587 : i32
      %add3A_589 = arith.constant 1024 : i32
      %add3A_590 = arith.addi %add3A_589, %mul3A_588 : i32
      %get3A_591 = arith.constant 0 : i32
      %get3A_592 = arith.index_cast %get3A_591 : i32 to index
      %get3A_593 = arith.index_cast %add3A_590 : i32 to index
      %get3A_594 = tpu.vector_load %arg5[%get3A_592, %get3A_593] {strides = array<i32>} : memref<2x3072xi32, #tpu.memory_space<vmem>>, vector<16xi32>,
      %mul3A_595 = arith.constant 16 : i32
      %mul3A_596 = arith.muli %scan3A_578, %mul3A_595 : i32
      %add3A_597 = arith.constant 2048 : i32
      %add3A_598 = arith.addi %add3A_597, %mul3A_596 : i32
      %get3A_599 = arith.constant 0 : i32
      %get3A_600 = arith.index_cast %get3A_599 : i32 to index
      %get3A_601 = arith.index_cast %add3A_598 : i32 to index
      %get3A_602 = tpu.vector_load %arg5[%get3A_600, %get3A_601] {strides = array<i32>} : memref<2x3072xi32, #tpu.memory_space<vmem>>, vector<16xi32>,
      %shift_left3A_603 = arith.constant 6 : i32
      %shift_left3A_604 = vector.broadcast %shift_left3A_603 : i32 to vector<16xi32>
      %shift_left3A_605 = arith.shli %get3A_586, %shift_left3A_604 : vector<16xi32>
      %add3A_606 = arith.addi %shift_left3A_605, %get3A_594 : vector<16xi32>
      %shift_right_arithmetic3A_607 = arith.constant 2 : i32
      %shift_right_arithmetic3A_608 = vector.broadcast %shift_right_arithmetic3A_607 : i32 to vector<16xi32>
      %shift_right_arithmetic3A_609 = arith.shrsi %add3A_606, %shift_right_arithmetic3A_608 : vector<16xi32>
      %shift_left3A_610 = arith.constant 8 : i32
      %shift_left3A_611 = vector.broadcast %shift_left3A_610 : i32 to vector<16xi32>
      %shift_left3A_612 = arith.shli %shift_right_arithmetic3A_609, %shift_left3A_611 : vector<16xi32>
      %shift_left3A_613 = arith.constant 2 : i32
      %shift_left3A_614 = vector.broadcast %shift_left3A_613 : i32 to vector<16xi32>
      %shift_left3A_615 = arith.shli %get3A_602, %shift_left3A_614 : vector<16xi32>
      %add3A_616 = arith.addi %shift_left3A_612, %shift_left3A_615 : vector<16xi32>
      %and3A_617 = arith.constant 3 : i32
      %and3A_618 = vector.broadcast %and3A_617 : i32 to vector<16xi32>
      %and3A_619 = arith.andi %add3A_606, %and3A_618 : vector<16xi32>
      %add3A_620 = arith.addi %add3A_616, %and3A_619 : vector<16xi32>
      %swap3A_621 = arith.constant 0 : i32
      %swap3A_622 = arith.index_cast %swap3A_621 : i32 to index
      %swap3A_623 = arith.index_cast %mul3A_580 : i32 to index
      %swap3A_624 = tpu.vector_load %arg6[%swap3A_622, %swap3A_623] {strides = array<i32>} : memref<2x1024xi32, #tpu.memory_space<vmem>>, vector<16xi32>,
      tpu.vector_store %arg6[%swap3A_622, %swap3A_623], %add3A_620 {strides = array<i32>} : memref<2x1024xi32, #tpu.memory_space<vmem>>, vector<16xi32>,
      %scan3A_625 = arith.constant 2 : i32
      %scan3A_626 = arith.addi %scan3A_535, %scan3A_625 : i32
      %mul3A_627 = arith.constant 16 : i32
      %mul3A_628 = arith.muli %scan3A_626, %mul3A_627 : i32
      %mul3A_629 = arith.constant 16 : i32
      %mul3A_630 = arith.muli %scan3A_626, %mul3A_629 : i32
      %get3A_631 = arith.constant 0 : i32
      %get3A_632 = arith.index_cast %get3A_631 : i32 to index
      %get3A_633 = arith.index_cast %mul3A_630 : i32 to index
      %get3A_634 = tpu.vector_load %arg5[%get3A_632, %get3A_633] {strides = array<i32>} : memref<2x3072xi32, #tpu.memory_space<vmem>>, vector<16xi32>,
      %mul3A_635 = arith.constant 16 : i32
      %mul3A_636 = arith.muli %scan3A_626, %mul3A_635 : i32
      %add3A_637 = arith.constant 1024 : i32
      %add3A_638 = arith.addi %add3A_637, %mul3A_636 : i32
      %get3A_639 = arith.constant 0 : i32
      %get3A_640 = arith.index_cast %get3A_639 : i32 to index
      %get3A_641 = arith.index_cast %add3A_638 : i32 to index
      %get3A_642 = tpu.vector_load %arg5[%get3A_640, %get3A_641] {strides = array<i32>} : memref<2x3072xi32, #tpu.memory_space<vmem>>, vector<16xi32>,
      %mul3A_643 = arith.constant 16 : i32
      %mul3A_644 = arith.muli %scan3A_626, %mul3A_643 : i32
      %add3A_645 = arith.constant 2048 : i32
      %add3A_646 = arith.addi %add3A_645, %mul3A_644 : i32
      %get3A_647 = arith.constant 0 : i32
      %get3A_648 = arith.index_cast %get3A_647 : i32 to index
      %get3A_649 = arith.index_cast %add3A_646 : i32 to index
      %get3A_650 = tpu.vector_load %arg5[%get3A_648, %get3A_649] {strides = array<i32>} : memref<2x3072xi32, #tpu.memory_space<vmem>>, vector<16xi32>,
      %shift_left3A_651 = arith.constant 6 : i32
      %shift_left3A_652 = vector.broadcast %shift_left3A_651 : i32 to vector<16xi32>
      %shift_left3A_653 = arith.shli %get3A_634, %shift_left3A_652 : vector<16xi32>
      %add3A_654 = arith.addi %shift_left3A_653, %get3A_642 : vector<16xi32>
      %shift_right_arithmetic3A_655 = arith.constant 2 : i32
      %shift_right_arithmetic3A_656 = vector.broadcast %shift_right_arithmetic3A_655 : i32 to vector<16xi32>
      %shift_right_arithmetic3A_657 = arith.shrsi %add3A_654, %shift_right_arithmetic3A_656 : vector<16xi32>
      %shift_left3A_658 = arith.constant 8 : i32
      %shift_left3A_659 = vector.broadcast %shift_left3A_658 : i32 to vector<16xi32>
      %shift_left3A_660 = arith.shli %shift_right_arithmetic3A_657, %shift_left3A_659 : vector<16xi32>
      %shift_left3A_661 = arith.constant 2 : i32
      %shift_left3A_662 = vector.broadcast %shift_left3A_661 : i32 to vector<16xi32>
      %shift_left3A_663 = arith.shli %get3A_650, %shift_left3A_662 : vector<16xi32>
      %add3A_664 = arith.addi %shift_left3A_660, %shift_left3A_663 : vector<16xi32>
      %and3A_665 = arith.constant 3 : i32
      %and3A_666 = vector.broadcast %and3A_665 : i32 to vector<16xi32>
      %and3A_667 = arith.andi %add3A_654, %and3A_666 : vector<16xi32>
      %add3A_668 = arith.addi %add3A_664, %and3A_667 : vector<16xi32>
      %swap3A_669 = arith.constant 0 : i32
      %swap3A_670 = arith.index_cast %swap3A_669 : i32 to index
      %swap3A_671 = arith.index_cast %mul3A_628 : i32 to index
      %swap3A_672 = tpu.vector_load %arg6[%swap3A_670, %swap3A_671] {strides = array<i32>} : memref<2x1024xi32, #tpu.memory_space<vmem>>, vector<16xi32>,
      tpu.vector_store %arg6[%swap3A_670, %swap3A_671], %add3A_668 {strides = array<i32>} : memref<2x1024xi32, #tpu.memory_space<vmem>>, vector<16xi32>,
      %scan3A_673 = arith.constant 3 : i32
      %scan3A_674 = arith.addi %scan3A_535, %scan3A_673 : i32
      %mul3A_675 = arith.constant 16 : i32
      %mul3A_676 = arith.muli %scan3A_674, %mul3A_675 : i32
      %mul3A_677 = arith.constant 16 : i32
      %mul3A_678 = arith.muli %scan3A_674, %mul3A_677 : i32
      %get3A_679 = arith.constant 0 : i32
      %get3A_680 = arith.index_cast %get3A_679 : i32 to index
      %get3A_681 = arith.index_cast %mul3A_678 : i32 to index
      %get3A_682 = tpu.vector_load %arg5[%get3A_680, %get3A_681] {strides = array<i32>} : memref<2x3072xi32, #tpu.memory_space<vmem>>, vector<16xi32>,
      %mul3A_683 = arith.constant 16 : i32
      %mul3A_684 = arith.muli %scan3A_674, %mul3A_683 : i32
      %add3A_685 = arith.constant 1024 : i32
      %add3A_686 = arith.addi %add3A_685, %mul3A_684 : i32
      %get3A_687 = arith.constant 0 : i32
      %get3A_688 = arith.index_cast %get3A_687 : i32 to index
      %get3A_689 = arith.index_cast %add3A_686 : i32 to index
      %get3A_690 = tpu.vector_load %arg5[%get3A_688, %get3A_689] {strides = array<i32>} : memref<2x3072xi32, #tpu.memory_space<vmem>>, vector<16xi32>,
      %mul3A_691 = arith.constant 16 : i32
      %mul3A_692 = arith.muli %scan3A_674, %mul3A_691 : i32
      %add3A_693 = arith.constant 2048 : i32
      %add3A_694 = arith.addi %add3A_693, %mul3A_692 : i32
      %get3A_695 = arith.constant 0 : i32
      %get3A_696 = arith.index_cast %get3A_695 : i32 to index
      %get3A_697 = arith.index_cast %add3A_694 : i32 to index
      %get3A_698 = tpu.vector_load %arg5[%get3A_696, %get3A_697] {strides = array<i32>} : memref<2x3072xi32, #tpu.memory_space<vmem>>, vector<16xi32>,
      %shift_left3A_699 = arith.constant 6 : i32
      %shift_left3A_700 = vector.broadcast %shift_left3A_699 : i32 to vector<16xi32>
      %shift_left3A_701 = arith.shli %get3A_682, %shift_left3A_700 : vector<16xi32>
      %add3A_702 = arith.addi %shift_left3A_701, %get3A_690 : vector<16xi32>
      %shift_right_arithmetic3A_703 = arith.constant 2 : i32
      %shift_right_arithmetic3A_704 = vector.broadcast %shift_right_arithmetic3A_703 : i32 to vector<16xi32>
      %shift_right_arithmetic3A_705 = arith.shrsi %add3A_702, %shift_right_arithmetic3A_704 : vector<16xi32>
      %shift_left3A_706 = arith.constant 8 : i32
      %shift_left3A_707 = vector.broadcast %shift_left3A_706 : i32 to vector<16xi32>
      %shift_left3A_708 = arith.shli %shift_right_arithmetic3A_705, %shift_left3A_707 : vector<16xi32>
      %shift_left3A_709 = arith.constant 2 : i32
      %shift_left3A_710 = vector.broadcast %shift_left3A_709 : i32 to vector<16xi32>
      %shift_left3A_711 = arith.shli %get3A_698, %shift_left3A_710 : vector<16xi32>
      %add3A_712 = arith.addi %shift_left3A_708, %shift_left3A_711 : vector<16xi32>
      %and3A_713 = arith.constant 3 : i32
      %and3A_714 = vector.broadcast %and3A_713 : i32 to vector<16xi32>
      %and3A_715 = arith.andi %add3A_702, %and3A_714 : vector<16xi32>
      %add3A_716 = arith.addi %add3A_712, %and3A_715 : vector<16xi32>
      %swap3A_717 = arith.constant 0 : i32
      %swap3A_718 = arith.index_cast %swap3A_717 : i32 to index
      %swap3A_719 = arith.index_cast %mul3A_676 : i32 to index
      %swap3A_720 = tpu.vector_load %arg6[%swap3A_718, %swap3A_719] {strides = array<i32>} : memref<2x1024xi32, #tpu.memory_space<vmem>>, vector<16xi32>,
      tpu.vector_store %arg6[%swap3A_718, %swap3A_719], %add3A_716 {strides = array<i32>} : memref<2x1024xi32, #tpu.memory_space<vmem>>, vector<16xi32>,
    }
    %scan3A_228 = arith.constant 64 : i32
    %dma_wait3A_229 = arith.constant 0 : i32
    %dma_wait3A_230 = arith.constant 0 : i32
    %dma_wait3A_231 = arith.constant 0 : i32
    %dma_wait3A_232 = tpu.memref_slice %arg7[%dma_wait3A_229, %dma_wait3A_230, %dma_wait3A_231] : memref<2x1024x32xf32, #tpu.memory_space<vmem>> -> memref<1x1024x32xf32, #tpu.memory_space<vmem>>
    %dma_wait3A_233 = tpu.memref_squeeze %dma_wait3A_232 : memref<1x1024x32xf32, #tpu.memory_space<vmem>> -> memref<1024x32xf32, #tpu.memory_space<vmem>>
    %dma_wait3A_234 = arith.constant 0 : i32
    %dma_wait3A_235 = tpu.memref_slice %arg4[%add3A_200, %dma_wait3A_234] : memref<262144x32xf32, #tpu.memory_space<hbm>> -> memref<1024x32xf32, #tpu.memory_space<hbm>>
    %dma_wait3A_236 = arith.constant 0 : i32
    %dma_wait3A_237 = tpu.memref_slice %arg4[%add3A_200, %dma_wait3A_236] : memref<262144x32xf32, #tpu.memory_space<hbm>> -> memref<1024x32xf32, #tpu.memory_space<hbm>>
    %dma_wait3A_238 = arith.constant 0 : i32
    %dma_wait3A_239 = arith.constant 0 : i32
    %dma_wait3A_240 = tpu.memref_slice %arg7[%dma_wait3A_229, %dma_wait3A_238, %dma_wait3A_239] : memref<2x1024x32xf32, #tpu.memory_space<vmem>> -> memref<1x1024x32xf32, #tpu.memory_space<vmem>>
    %dma_wait3A_241 = tpu.memref_squeeze %dma_wait3A_240 : memref<1x1024x32xf32, #tpu.memory_space<vmem>> -> memref<1024x32xf32, #tpu.memory_space<vmem>>
    tpu.wait_dma2 semaphore(%arg10 : memref<!tpu.dma_semaphore, #tpu.memory_space<semaphore_mem>>) src(%dma_wait3A_241 : memref<1024x32xf32, #tpu.memory_space<vmem>>) dst(%dma_wait3A_237 : memref<1024x32xf32, #tpu.memory_space<hbm>>)
    %dma_wait3A_242 = arith.constant 1 : i32
    %dma_wait3A_243 = arith.constant 1 : i32
    %dma_wait3A_244 = arith.constant 0 : i32
    %dma_wait3A_245 = arith.constant 0 : i32
    %dma_wait3A_246 = tpu.memref_slice %arg7[%dma_wait3A_243, %dma_wait3A_244, %dma_wait3A_245] : memref<2x1024x32xf32, #tpu.memory_space<vmem>> -> memref<1x1024x32xf32, #tpu.memory_space<vmem>>
    %dma_wait3A_247 = tpu.memref_squeeze %dma_wait3A_246 : memref<1x1024x32xf32, #tpu.memory_space<vmem>> -> memref<1024x32xf32, #tpu.memory_space<vmem>>
    %dma_wait3A_248 = arith.constant 0 : i32
    %dma_wait3A_249 = tpu.memref_slice %arg6[%dma_wait3A_242, %dma_wait3A_248] : memref<2x1024xi32, #tpu.memory_space<vmem>> -> memref<1x1024xi32, #tpu.memory_space<vmem>>
    %dma_wait3A_250 = tpu.memref_squeeze %dma_wait3A_249 : memref<1x1024xi32, #tpu.memory_space<vmem>> -> memref<1024xi32, #tpu.memory_space<vmem>>
    %dma_wait3A_251 = arith.constant 0 : i32
    %dma_wait3A_252 = arith.constant 0 : i32
    %dma_wait3A_253 = tpu.memref_slice %arg2[%dma_wait3A_251, %dma_wait3A_252] : memref<262144x32xf32, #tpu.memory_space<hbm>> -> memref<262144x32xf32, #tpu.memory_space<hbm>>
    tpu.wait_indirect_dma semaphore(%arg9 : memref<!tpu.dma_semaphore, #tpu.memory_space<semaphore_mem>>) src(%dma_wait3A_253 : memref<262144x32xf32, #tpu.memory_space<hbm>>) dst(%dma_wait3A_247 : memref<1024x32xf32, #tpu.memory_space<vmem>>)
    %dma_start3A_254 = arith.constant 0 : i32
    %dma_start3A_255 = arith.constant 0 : i32
    %dma_start3A_256 = arith.constant 0 : i32
    %dma_start3A_257 = arith.constant 0 : i32
    %dma_start3A_258 = tpu.memref_slice %arg7[%dma_start3A_255, %dma_start3A_256, %dma_start3A_257] : memref<2x1024x32xf32, #tpu.memory_space<vmem>> -> memref<1x1024x32xf32, #tpu.memory_space<vmem>>
    %dma_start3A_259 = tpu.memref_squeeze %dma_start3A_258 : memref<1x1024x32xf32, #tpu.memory_space<vmem>> -> memref<1024x32xf32, #tpu.memory_space<vmem>>
    %dma_start3A_260 = arith.constant 0 : i32
    %dma_start3A_261 = tpu.memref_slice %arg6[%dma_start3A_254, %dma_start3A_260] : memref<2x1024xi32, #tpu.memory_space<vmem>> -> memref<1x1024xi32, #tpu.memory_space<vmem>>
    %dma_start3A_262 = tpu.memref_squeeze %dma_start3A_261 : memref<1x1024xi32, #tpu.memory_space<vmem>> -> memref<1024xi32, #tpu.memory_space<vmem>>
    %dma_start3A_263 = arith.constant 0 : i32
    %dma_start3A_264 = arith.constant 0 : i32
    %dma_start3A_265 = tpu.memref_slice %arg2[%dma_start3A_263, %dma_start3A_264] : memref<262144x32xf32, #tpu.memory_space<hbm>> -> memref<262144x32xf32, #tpu.memory_space<hbm>>
    tpu.enqueue_indirect_dma source(%dma_start3A_265 : memref<262144x32xf32, #tpu.memory_space<hbm>>) target(%dma_start3A_259 : memref<1024x32xf32, #tpu.memory_space<vmem>>) offsets(%dma_start3A_262 : memref<1024xi32, #tpu.memory_space<vmem>>) semaphore(%arg8 : memref<!tpu.dma_semaphore, #tpu.memory_space<semaphore_mem>>)
    %add3A_266 = arith.constant 3072 : i32
    %add3A_267 = arith.addi %mul3A_2, %add3A_266 : i32
    %dma_start3A_268 = arith.constant 1 : i32
    %dma_start3A_269 = arith.constant 0 : i32
    %dma_start3A_270 = arith.constant 0 : i32
    %dma_start3A_271 = tpu.memref_slice %arg7[%dma_start3A_268, %dma_start3A_269, %dma_start3A_270] : memref<2x1024x32xf32, #tpu.memory_space<vmem>> -> memref<1x1024x32xf32, #tpu.memory_space<vmem>>
    %dma_start3A_272 = tpu.memref_squeeze %dma_start3A_271 : memref<1x1024x32xf32, #tpu.memory_space<vmem>> -> memref<1024x32xf32, #tpu.memory_space<vmem>>
    %dma_start3A_273 = arith.constant 0 : i32
    %dma_start3A_274 = tpu.memref_slice %arg4[%add3A_267, %dma_start3A_273] : memref<262144x32xf32, #tpu.memory_space<hbm>> -> memref<1024x32xf32, #tpu.memory_space<hbm>>
    %dma_start3A_275 = arith.constant 0 : i32
    %dma_start3A_276 = tpu.memref_slice %arg4[%add3A_267, %dma_start3A_275] : memref<262144x32xf32, #tpu.memory_space<hbm>> -> memref<1024x32xf32, #tpu.memory_space<hbm>>
    %dma_start3A_277 = arith.constant 0 : i32
    %dma_start3A_278 = arith.constant 0 : i32
    %dma_start3A_279 = tpu.memref_slice %arg7[%dma_start3A_268, %dma_start3A_277, %dma_start3A_278] : memref<2x1024x32xf32, #tpu.memory_space<vmem>> -> memref<1x1024x32xf32, #tpu.memory_space<vmem>>
    %dma_start3A_280 = tpu.memref_squeeze %dma_start3A_279 : memref<1x1024x32xf32, #tpu.memory_space<vmem>> -> memref<1024x32xf32, #tpu.memory_space<vmem>>
    tpu.enqueue_dma source(%dma_start3A_280 : memref<1024x32xf32, #tpu.memory_space<vmem>>) target(%dma_start3A_276 : memref<1024x32xf32, #tpu.memory_space<hbm>>) target_semaphore(%arg11 : memref<!tpu.dma_semaphore, #tpu.memory_space<semaphore_mem>>)
    %add3A_281 = arith.constant 5120 : i32
    %add3A_282 = arith.addi %mul3A_2, %add3A_281 : i32
    %run_scoped3A_283 = arith.constant 1 : i32
    "tpu.region"() ({
      %run_scoped3A_535 = tpu.sem_alloc : memref<!tpu.dma_semaphore, #tpu.memory_space<semaphore_mem>>
      %dma_start3A_536 = arith.constant 0 : i32
      %dma_start3A_537 = tpu.memref_slice %arg5[%run_scoped3A_283, %dma_start3A_536] : memref<2x3072xi32, #tpu.memory_space<vmem>> -> memref<1x1024xi32, #tpu.memory_space<vmem>>
      %dma_start3A_538 = tpu.memref_squeeze %dma_start3A_537 : memref<1x1024xi32, #tpu.memory_space<vmem>> -> memref<1024xi32, #tpu.memory_space<vmem>>
      %dma_start3A_539 = tpu.memref_slice %arg3[%add3A_282] : memref<786432xi32, #tpu.memory_space<hbm>> -> memref<1024xi32, #tpu.memory_space<hbm>>
      %dma_start3A_540 = arith.constant 0 : i32
      %dma_start3A_541 = tpu.memref_slice %arg5[%run_scoped3A_283, %dma_start3A_540] : memref<2x3072xi32, #tpu.memory_space<vmem>> -> memref<1x1024xi32, #tpu.memory_space<vmem>>
      %dma_start3A_542 = tpu.memref_squeeze %dma_start3A_541 : memref<1x1024xi32, #tpu.memory_space<vmem>> -> memref<1024xi32, #tpu.memory_space<vmem>>
      %dma_start3A_543 = tpu.memref_slice %arg3[%add3A_282] : memref<786432xi32, #tpu.memory_space<hbm>> -> memref<1024xi32, #tpu.memory_space<hbm>>
      tpu.enqueue_dma source(%dma_start3A_543 : memref<1024xi32, #tpu.memory_space<hbm>>) target(%dma_start3A_542 : memref<1024xi32, #tpu.memory_space<vmem>>) target_semaphore(%run_scoped3A_535 : memref<!tpu.dma_semaphore, #tpu.memory_space<semaphore_mem>>)
      %dma_wait3A_544 = arith.constant 0 : i32
      %dma_wait3A_545 = tpu.memref_slice %arg5[%run_scoped3A_283, %dma_wait3A_544] : memref<2x3072xi32, #tpu.memory_space<vmem>> -> memref<1x1024xi32, #tpu.memory_space<vmem>>
      %dma_wait3A_546 = tpu.memref_squeeze %dma_wait3A_545 : memref<1x1024xi32, #tpu.memory_space<vmem>> -> memref<1024xi32, #tpu.memory_space<vmem>>
      %dma_wait3A_547 = tpu.memref_slice %arg3[%add3A_282] : memref<786432xi32, #tpu.memory_space<hbm>> -> memref<1024xi32, #tpu.memory_space<hbm>>
      %dma_wait3A_548 = arith.constant 0 : i32
      %dma_wait3A_549 = tpu.memref_slice %arg5[%run_scoped3A_283, %dma_wait3A_548] : memref<2x3072xi32, #tpu.memory_space<vmem>> -> memref<1x1024xi32, #tpu.memory_space<vmem>>
      %dma_wait3A_550 = tpu.memref_squeeze %dma_wait3A_549 : memref<1x1024xi32, #tpu.memory_space<vmem>> -> memref<1024xi32, #tpu.memory_space<vmem>>
      %dma_wait3A_551 = tpu.memref_slice %arg3[%add3A_282] : memref<786432xi32, #tpu.memory_space<hbm>> -> memref<1024xi32, #tpu.memory_space<hbm>>
      tpu.wait_dma2 semaphore(%run_scoped3A_535 : memref<!tpu.dma_semaphore, #tpu.memory_space<semaphore_mem>>) src(%dma_wait3A_551 : memref<1024xi32, #tpu.memory_space<hbm>>) dst(%dma_wait3A_550 : memref<1024xi32, #tpu.memory_space<vmem>>)
      tpu.yield
    }) : () -> ()
    %add3A_284 = arith.constant 262144 : i32
    %add3A_285 = arith.addi %add3A_284, %add3A_282 : i32
    %run_scoped3A_286 = arith.constant 1 : i32
    "tpu.region"() ({
      %run_scoped3A_535 = tpu.sem_alloc : memref<!tpu.dma_semaphore, #tpu.memory_space<semaphore_mem>>
      %dma_start3A_536 = arith.constant 1024 : i32
      %dma_start3A_537 = tpu.memref_slice %arg5[%run_scoped3A_286, %dma_start3A_536] : memref<2x3072xi32, #tpu.memory_space<vmem>> -> memref<1x1024xi32, #tpu.memory_space<vmem>>
      %dma_start3A_538 = tpu.memref_squeeze %dma_start3A_537 : memref<1x1024xi32, #tpu.memory_space<vmem>> -> memref<1024xi32, #tpu.memory_space<vmem>>
      %dma_start3A_539 = tpu.memref_slice %arg3[%add3A_285] : memref<786432xi32, #tpu.memory_space<hbm>> -> memref<1024xi32, #tpu.memory_space<hbm>>
      %dma_start3A_540 = arith.constant 1024 : i32
      %dma_start3A_541 = tpu.memref_slice %arg5[%run_scoped3A_286, %dma_start3A_540] : memref<2x3072xi32, #tpu.memory_space<vmem>> -> memref<1x1024xi32, #tpu.memory_space<vmem>>
      %dma_start3A_542 = tpu.memref_squeeze %dma_start3A_541 : memref<1x1024xi32, #tpu.memory_space<vmem>> -> memref<1024xi32, #tpu.memory_space<vmem>>
      %dma_start3A_543 = tpu.memref_slice %arg3[%add3A_285] : memref<786432xi32, #tpu.memory_space<hbm>> -> memref<1024xi32, #tpu.memory_space<hbm>>
      tpu.enqueue_dma source(%dma_start3A_543 : memref<1024xi32, #tpu.memory_space<hbm>>) target(%dma_start3A_542 : memref<1024xi32, #tpu.memory_space<vmem>>) target_semaphore(%run_scoped3A_535 : memref<!tpu.dma_semaphore, #tpu.memory_space<semaphore_mem>>)
      %dma_wait3A_544 = arith.constant 1024 : i32
      %dma_wait3A_545 = tpu.memref_slice %arg5[%run_scoped3A_286, %dma_wait3A_544] : memref<2x3072xi32, #tpu.memory_space<vmem>> -> memref<1x1024xi32, #tpu.memory_space<vmem>>
      %dma_wait3A_546 = tpu.memref_squeeze %dma_wait3A_545 : memref<1x1024xi32, #tpu.memory_space<vmem>> -> memref<1024xi32, #tpu.memory_space<vmem>>
      %dma_wait3A_547 = tpu.memref_slice %arg3[%add3A_285] : memref<786432xi32, #tpu.memory_space<hbm>> -> memref<1024xi32, #tpu.memory_space<hbm>>
      %dma_wait3A_548 = arith.constant 1024 : i32
      %dma_wait3A_549 = tpu.memref_slice %arg5[%run_scoped3A_286, %dma_wait3A_548] : memref<2x3072xi32, #tpu.memory_space<vmem>> -> memref<1x1024xi32, #tpu.memory_space<vmem>>
      %dma_wait3A_550 = tpu.memref_squeeze %dma_wait3A_549 : memref<1x1024xi32, #tpu.memory_space<vmem>> -> memref<1024xi32, #tpu.memory_space<vmem>>
      %dma_wait3A_551 = tpu.memref_slice %arg3[%add3A_285] : memref<786432xi32, #tpu.memory_space<hbm>> -> memref<1024xi32, #tpu.memory_space<hbm>>
      tpu.wait_dma2 semaphore(%run_scoped3A_535 : memref<!tpu.dma_semaphore, #tpu.memory_space<semaphore_mem>>) src(%dma_wait3A_551 : memref<1024xi32, #tpu.memory_space<hbm>>) dst(%dma_wait3A_550 : memref<1024xi32, #tpu.memory_space<vmem>>)
      tpu.yield
    }) : () -> ()
    %add3A_287 = arith.constant 524288 : i32
    %add3A_288 = arith.addi %add3A_287, %add3A_282 : i32
    %run_scoped3A_289 = arith.constant 1 : i32
    "tpu.region"() ({
      %run_scoped3A_535 = tpu.sem_alloc : memref<!tpu.dma_semaphore, #tpu.memory_space<semaphore_mem>>
      %dma_start3A_536 = arith.constant 2048 : i32
      %dma_start3A_537 = tpu.memref_slice %arg5[%run_scoped3A_289, %dma_start3A_536] : memref<2x3072xi32, #tpu.memory_space<vmem>> -> memref<1x1024xi32, #tpu.memory_space<vmem>>
      %dma_start3A_538 = tpu.memref_squeeze %dma_start3A_537 : memref<1x1024xi32, #tpu.memory_space<vmem>> -> memref<1024xi32, #tpu.memory_space<vmem>>
      %dma_start3A_539 = tpu.memref_slice %arg3[%add3A_288] : memref<786432xi32, #tpu.memory_space<hbm>> -> memref<1024xi32, #tpu.memory_space<hbm>>
      %dma_start3A_540 = arith.constant 2048 : i32
      %dma_start3A_541 = tpu.memref_slice %arg5[%run_scoped3A_289, %dma_start3A_540] : memref<2x3072xi32, #tpu.memory_space<vmem>> -> memref<1x1024xi32, #tpu.memory_space<vmem>>
      %dma_start3A_542 = tpu.memref_squeeze %dma_start3A_541 : memref<1x1024xi32, #tpu.memory_space<vmem>> -> memref<1024xi32, #tpu.memory_space<vmem>>
      %dma_start3A_543 = tpu.memref_slice %arg3[%add3A_288] : memref<786432xi32, #tpu.memory_space<hbm>> -> memref<1024xi32, #tpu.memory_space<hbm>>
      tpu.enqueue_dma source(%dma_start3A_543 : memref<1024xi32, #tpu.memory_space<hbm>>) target(%dma_start3A_542 : memref<1024xi32, #tpu.memory_space<vmem>>) target_semaphore(%run_scoped3A_535 : memref<!tpu.dma_semaphore, #tpu.memory_space<semaphore_mem>>)
      %dma_wait3A_544 = arith.constant 2048 : i32
      %dma_wait3A_545 = tpu.memref_slice %arg5[%run_scoped3A_289, %dma_wait3A_544] : memref<2x3072xi32, #tpu.memory_space<vmem>> -> memref<1x1024xi32, #tpu.memory_space<vmem>>
      %dma_wait3A_546 = tpu.memref_squeeze %dma_wait3A_545 : memref<1x1024xi32, #tpu.memory_space<vmem>> -> memref<1024xi32, #tpu.memory_space<vmem>>
      %dma_wait3A_547 = tpu.memref_slice %arg3[%add3A_288] : memref<786432xi32, #tpu.memory_space<hbm>> -> memref<1024xi32, #tpu.memory_space<hbm>>
      %dma_wait3A_548 = arith.constant 2048 : i32
      %dma_wait3A_549 = tpu.memref_slice %arg5[%run_scoped3A_289, %dma_wait3A_548] : memref<2x3072xi32, #tpu.memory_space<vmem>> -> memref<1x1024xi32, #tpu.memory_space<vmem>>
      %dma_wait3A_550 = tpu.memref_squeeze %dma_wait3A_549 : memref<1x1024xi32, #tpu.memory_space<vmem>> -> memref<1024xi32, #tpu.memory_space<vmem>>
      %dma_wait3A_551 = tpu.memref_slice %arg3[%add3A_288] : memref<786432xi32, #tpu.memory_space<hbm>> -> memref<1024xi32, #tpu.memory_space<hbm>>
      tpu.wait_dma2 semaphore(%run_scoped3A_535 : memref<!tpu.dma_semaphore, #tpu.memory_space<semaphore_mem>>) src(%dma_wait3A_551 : memref<1024xi32, #tpu.memory_space<hbm>>) dst(%dma_wait3A_550 : memref<1024xi32, #tpu.memory_space<vmem>>)
      tpu.yield
    }) : () -> ()
    %scan3A_290 = arith.constant 0 : i32
    %scan3A_291 = arith.constant 0 : i32
    %scan3A_292 = arith.constant 64 : i32
    %scan3A_293 = arith.addi %scan3A_291, %scan3A_292 : i32
    %scan3A_294 = arith.constant 4 : i32
    scf.for %scan3A_535 = %scan3A_291 to %scan3A_293 step %scan3A_294  : i32 {
      %mul3A_536 = arith.constant 16 : i32
      %mul3A_537 = arith.muli %scan3A_535, %mul3A_536 : i32
      %mul3A_538 = arith.constant 16 : i32
      %mul3A_539 = arith.muli %scan3A_535, %mul3A_538 : i32
      %get3A = arith.constant 1 : i32
      %get3A_540 = arith.index_cast %get3A : i32 to index
      %get3A_541 = arith.index_cast %mul3A_539 : i32 to index
      %get3A_542 = tpu.vector_load %arg5[%get3A_540, %get3A_541] {strides = array<i32>} : memref<2x3072xi32, #tpu.memory_space<vmem>>, vector<16xi32>,
      %mul3A_543 = arith.constant 16 : i32
      %mul3A_544 = arith.muli %scan3A_535, %mul3A_543 : i32
      %add3A_545 = arith.constant 1024 : i32
      %add3A_546 = arith.addi %add3A_545, %mul3A_544 : i32
      %get3A_547 = arith.constant 1 : i32
      %get3A_548 = arith.index_cast %get3A_547 : i32 to index
      %get3A_549 = arith.index_cast %add3A_546 : i32 to index
      %get3A_550 = tpu.vector_load %arg5[%get3A_548, %get3A_549] {strides = array<i32>} : memref<2x3072xi32, #tpu.memory_space<vmem>>, vector<16xi32>,
      %mul3A_551 = arith.constant 16 : i32
      %mul3A_552 = arith.muli %scan3A_535, %mul3A_551 : i32
      %add3A_553 = arith.constant 2048 : i32
      %add3A_554 = arith.addi %add3A_553, %mul3A_552 : i32
      %get3A_555 = arith.constant 1 : i32
      %get3A_556 = arith.index_cast %get3A_555 : i32 to index
      %get3A_557 = arith.index_cast %add3A_554 : i32 to index
      %get3A_558 = tpu.vector_load %arg5[%get3A_556, %get3A_557] {strides = array<i32>} : memref<2x3072xi32, #tpu.memory_space<vmem>>, vector<16xi32>,
      %shift_left3A = arith.constant 6 : i32
      %shift_left3A_559 = vector.broadcast %shift_left3A : i32 to vector<16xi32>
      %shift_left3A_560 = arith.shli %get3A_542, %shift_left3A_559 : vector<16xi32>
      %add3A_561 = arith.addi %shift_left3A_560, %get3A_550 : vector<16xi32>
      %shift_right_arithmetic3A = arith.constant 2 : i32
      %shift_right_arithmetic3A_562 = vector.broadcast %shift_right_arithmetic3A : i32 to vector<16xi32>
      %shift_right_arithmetic3A_563 = arith.shrsi %add3A_561, %shift_right_arithmetic3A_562 : vector<16xi32>
      %shift_left3A_564 = arith.constant 8 : i32
      %shift_left3A_565 = vector.broadcast %shift_left3A_564 : i32 to vector<16xi32>
      %shift_left3A_566 = arith.shli %shift_right_arithmetic3A_563, %shift_left3A_565 : vector<16xi32>
      %shift_left3A_567 = arith.constant 2 : i32
      %shift_left3A_568 = vector.broadcast %shift_left3A_567 : i32 to vector<16xi32>
      %shift_left3A_569 = arith.shli %get3A_558, %shift_left3A_568 : vector<16xi32>
      %add3A_570 = arith.addi %shift_left3A_566, %shift_left3A_569 : vector<16xi32>
      %and3A = arith.constant 3 : i32
      %and3A_571 = vector.broadcast %and3A : i32 to vector<16xi32>
      %and3A_572 = arith.andi %add3A_561, %and3A_571 : vector<16xi32>
      %add3A_573 = arith.addi %add3A_570, %and3A_572 : vector<16xi32>
      %swap3A = arith.constant 1 : i32
      %swap3A_574 = arith.index_cast %swap3A : i32 to index
      %swap3A_575 = arith.index_cast %mul3A_537 : i32 to index
      %swap3A_576 = tpu.vector_load %arg6[%swap3A_574, %swap3A_575] {strides = array<i32>} : memref<2x1024xi32, #tpu.memory_space<vmem>>, vector<16xi32>,
      tpu.vector_store %arg6[%swap3A_574, %swap3A_575], %add3A_573 {strides = array<i32>} : memref<2x1024xi32, #tpu.memory_space<vmem>>, vector<16xi32>,
      %scan3A_577 = arith.constant 1 : i32
      %scan3A_578 = arith.addi %scan3A_535, %scan3A_577 : i32
      %mul3A_579 = arith.constant 16 : i32
      %mul3A_580 = arith.muli %scan3A_578, %mul3A_579 : i32
      %mul3A_581 = arith.constant 16 : i32
      %mul3A_582 = arith.muli %scan3A_578, %mul3A_581 : i32
      %get3A_583 = arith.constant 1 : i32
      %get3A_584 = arith.index_cast %get3A_583 : i32 to index
      %get3A_585 = arith.index_cast %mul3A_582 : i32 to index
      %get3A_586 = tpu.vector_load %arg5[%get3A_584, %get3A_585] {strides = array<i32>} : memref<2x3072xi32, #tpu.memory_space<vmem>>, vector<16xi32>,
      %mul3A_587 = arith.constant 16 : i32
      %mul3A_588 = arith.muli %scan3A_578, %mul3A_587 : i32
      %add3A_589 = arith.constant 1024 : i32
      %add3A_590 = arith.addi %add3A_589, %mul3A_588 : i32
      %get3A_591 = arith.constant 1 : i32
      %get3A_592 = arith.index_cast %get3A_591 : i32 to index
      %get3A_593 = arith.index_cast %add3A_590 : i32 to index
      %get3A_594 = tpu.vector_load %arg5[%get3A_592, %get3A_593] {strides = array<i32>} : memref<2x3072xi32, #tpu.memory_space<vmem>>, vector<16xi32>,
      %mul3A_595 = arith.constant 16 : i32
      %mul3A_596 = arith.muli %scan3A_578, %mul3A_595 : i32
      %add3A_597 = arith.constant 2048 : i32
      %add3A_598 = arith.addi %add3A_597, %mul3A_596 : i32
      %get3A_599 = arith.constant 1 : i32
      %get3A_600 = arith.index_cast %get3A_599 : i32 to index
      %get3A_601 = arith.index_cast %add3A_598 : i32 to index
      %get3A_602 = tpu.vector_load %arg5[%get3A_600, %get3A_601] {strides = array<i32>} : memref<2x3072xi32, #tpu.memory_space<vmem>>, vector<16xi32>,
      %shift_left3A_603 = arith.constant 6 : i32
      %shift_left3A_604 = vector.broadcast %shift_left3A_603 : i32 to vector<16xi32>
      %shift_left3A_605 = arith.shli %get3A_586, %shift_left3A_604 : vector<16xi32>
      %add3A_606 = arith.addi %shift_left3A_605, %get3A_594 : vector<16xi32>
      %shift_right_arithmetic3A_607 = arith.constant 2 : i32
      %shift_right_arithmetic3A_608 = vector.broadcast %shift_right_arithmetic3A_607 : i32 to vector<16xi32>
      %shift_right_arithmetic3A_609 = arith.shrsi %add3A_606, %shift_right_arithmetic3A_608 : vector<16xi32>
      %shift_left3A_610 = arith.constant 8 : i32
      %shift_left3A_611 = vector.broadcast %shift_left3A_610 : i32 to vector<16xi32>
      %shift_left3A_612 = arith.shli %shift_right_arithmetic3A_609, %shift_left3A_611 : vector<16xi32>
      %shift_left3A_613 = arith.constant 2 : i32
      %shift_left3A_614 = vector.broadcast %shift_left3A_613 : i32 to vector<16xi32>
      %shift_left3A_615 = arith.shli %get3A_602, %shift_left3A_614 : vector<16xi32>
      %add3A_616 = arith.addi %shift_left3A_612, %shift_left3A_615 : vector<16xi32>
      %and3A_617 = arith.constant 3 : i32
      %and3A_618 = vector.broadcast %and3A_617 : i32 to vector<16xi32>
      %and3A_619 = arith.andi %add3A_606, %and3A_618 : vector<16xi32>
      %add3A_620 = arith.addi %add3A_616, %and3A_619 : vector<16xi32>
      %swap3A_621 = arith.constant 1 : i32
      %swap3A_622 = arith.index_cast %swap3A_621 : i32 to index
      %swap3A_623 = arith.index_cast %mul3A_580 : i32 to index
      %swap3A_624 = tpu.vector_load %arg6[%swap3A_622, %swap3A_623] {strides = array<i32>} : memref<2x1024xi32, #tpu.memory_space<vmem>>, vector<16xi32>,
      tpu.vector_store %arg6[%swap3A_622, %swap3A_623], %add3A_620 {strides = array<i32>} : memref<2x1024xi32, #tpu.memory_space<vmem>>, vector<16xi32>,
      %scan3A_625 = arith.constant 2 : i32
      %scan3A_626 = arith.addi %scan3A_535, %scan3A_625 : i32
      %mul3A_627 = arith.constant 16 : i32
      %mul3A_628 = arith.muli %scan3A_626, %mul3A_627 : i32
      %mul3A_629 = arith.constant 16 : i32
      %mul3A_630 = arith.muli %scan3A_626, %mul3A_629 : i32
      %get3A_631 = arith.constant 1 : i32
      %get3A_632 = arith.index_cast %get3A_631 : i32 to index
      %get3A_633 = arith.index_cast %mul3A_630 : i32 to index
      %get3A_634 = tpu.vector_load %arg5[%get3A_632, %get3A_633] {strides = array<i32>} : memref<2x3072xi32, #tpu.memory_space<vmem>>, vector<16xi32>,
      %mul3A_635 = arith.constant 16 : i32
      %mul3A_636 = arith.muli %scan3A_626, %mul3A_635 : i32
      %add3A_637 = arith.constant 1024 : i32
      %add3A_638 = arith.addi %add3A_637, %mul3A_636 : i32
      %get3A_639 = arith.constant 1 : i32
      %get3A_640 = arith.index_cast %get3A_639 : i32 to index
      %get3A_641 = arith.index_cast %add3A_638 : i32 to index
      %get3A_642 = tpu.vector_load %arg5[%get3A_640, %get3A_641] {strides = array<i32>} : memref<2x3072xi32, #tpu.memory_space<vmem>>, vector<16xi32>,
      %mul3A_643 = arith.constant 16 : i32
      %mul3A_644 = arith.muli %scan3A_626, %mul3A_643 : i32
      %add3A_645 = arith.constant 2048 : i32
      %add3A_646 = arith.addi %add3A_645, %mul3A_644 : i32
      %get3A_647 = arith.constant 1 : i32
      %get3A_648 = arith.index_cast %get3A_647 : i32 to index
      %get3A_649 = arith.index_cast %add3A_646 : i32 to index
      %get3A_650 = tpu.vector_load %arg5[%get3A_648, %get3A_649] {strides = array<i32>} : memref<2x3072xi32, #tpu.memory_space<vmem>>, vector<16xi32>,
      %shift_left3A_651 = arith.constant 6 : i32
      %shift_left3A_652 = vector.broadcast %shift_left3A_651 : i32 to vector<16xi32>
      %shift_left3A_653 = arith.shli %get3A_634, %shift_left3A_652 : vector<16xi32>
      %add3A_654 = arith.addi %shift_left3A_653, %get3A_642 : vector<16xi32>
      %shift_right_arithmetic3A_655 = arith.constant 2 : i32
      %shift_right_arithmetic3A_656 = vector.broadcast %shift_right_arithmetic3A_655 : i32 to vector<16xi32>
      %shift_right_arithmetic3A_657 = arith.shrsi %add3A_654, %shift_right_arithmetic3A_656 : vector<16xi32>
      %shift_left3A_658 = arith.constant 8 : i32
      %shift_left3A_659 = vector.broadcast %shift_left3A_658 : i32 to vector<16xi32>
      %shift_left3A_660 = arith.shli %shift_right_arithmetic3A_657, %shift_left3A_659 : vector<16xi32>
      %shift_left3A_661 = arith.constant 2 : i32
      %shift_left3A_662 = vector.broadcast %shift_left3A_661 : i32 to vector<16xi32>
      %shift_left3A_663 = arith.shli %get3A_650, %shift_left3A_662 : vector<16xi32>
      %add3A_664 = arith.addi %shift_left3A_660, %shift_left3A_663 : vector<16xi32>
      %and3A_665 = arith.constant 3 : i32
      %and3A_666 = vector.broadcast %and3A_665 : i32 to vector<16xi32>
      %and3A_667 = arith.andi %add3A_654, %and3A_666 : vector<16xi32>
      %add3A_668 = arith.addi %add3A_664, %and3A_667 : vector<16xi32>
      %swap3A_669 = arith.constant 1 : i32
      %swap3A_670 = arith.index_cast %swap3A_669 : i32 to index
      %swap3A_671 = arith.index_cast %mul3A_628 : i32 to index
      %swap3A_672 = tpu.vector_load %arg6[%swap3A_670, %swap3A_671] {strides = array<i32>} : memref<2x1024xi32, #tpu.memory_space<vmem>>, vector<16xi32>,
      tpu.vector_store %arg6[%swap3A_670, %swap3A_671], %add3A_668 {strides = array<i32>} : memref<2x1024xi32, #tpu.memory_space<vmem>>, vector<16xi32>,
      %scan3A_673 = arith.constant 3 : i32
      %scan3A_674 = arith.addi %scan3A_535, %scan3A_673 : i32
      %mul3A_675 = arith.constant 16 : i32
      %mul3A_676 = arith.muli %scan3A_674, %mul3A_675 : i32
      %mul3A_677 = arith.constant 16 : i32
      %mul3A_678 = arith.muli %scan3A_674, %mul3A_677 : i32
      %get3A_679 = arith.constant 1 : i32
      %get3A_680 = arith.index_cast %get3A_679 : i32 to index
      %get3A_681 = arith.index_cast %mul3A_678 : i32 to index
      %get3A_682 = tpu.vector_load %arg5[%get3A_680, %get3A_681] {strides = array<i32>} : memref<2x3072xi32, #tpu.memory_space<vmem>>, vector<16xi32>,
      %mul3A_683 = arith.constant 16 : i32
      %mul3A_684 = arith.muli %scan3A_674, %mul3A_683 : i32
      %add3A_685 = arith.constant 1024 : i32
      %add3A_686 = arith.addi %add3A_685, %mul3A_684 : i32
      %get3A_687 = arith.constant 1 : i32
      %get3A_688 = arith.index_cast %get3A_687 : i32 to index
      %get3A_689 = arith.index_cast %add3A_686 : i32 to index
      %get3A_690 = tpu.vector_load %arg5[%get3A_688, %get3A_689] {strides = array<i32>} : memref<2x3072xi32, #tpu.memory_space<vmem>>, vector<16xi32>,
      %mul3A_691 = arith.constant 16 : i32
      %mul3A_692 = arith.muli %scan3A_674, %mul3A_691 : i32
      %add3A_693 = arith.constant 2048 : i32
      %add3A_694 = arith.addi %add3A_693, %mul3A_692 : i32
      %get3A_695 = arith.constant 1 : i32
      %get3A_696 = arith.index_cast %get3A_695 : i32 to index
      %get3A_697 = arith.index_cast %add3A_694 : i32 to index
      %get3A_698 = tpu.vector_load %arg5[%get3A_696, %get3A_697] {strides = array<i32>} : memref<2x3072xi32, #tpu.memory_space<vmem>>, vector<16xi32>,
      %shift_left3A_699 = arith.constant 6 : i32
      %shift_left3A_700 = vector.broadcast %shift_left3A_699 : i32 to vector<16xi32>
      %shift_left3A_701 = arith.shli %get3A_682, %shift_left3A_700 : vector<16xi32>
      %add3A_702 = arith.addi %shift_left3A_701, %get3A_690 : vector<16xi32>
      %shift_right_arithmetic3A_703 = arith.constant 2 : i32
      %shift_right_arithmetic3A_704 = vector.broadcast %shift_right_arithmetic3A_703 : i32 to vector<16xi32>
      %shift_right_arithmetic3A_705 = arith.shrsi %add3A_702, %shift_right_arithmetic3A_704 : vector<16xi32>
      %shift_left3A_706 = arith.constant 8 : i32
      %shift_left3A_707 = vector.broadcast %shift_left3A_706 : i32 to vector<16xi32>
      %shift_left3A_708 = arith.shli %shift_right_arithmetic3A_705, %shift_left3A_707 : vector<16xi32>
      %shift_left3A_709 = arith.constant 2 : i32
      %shift_left3A_710 = vector.broadcast %shift_left3A_709 : i32 to vector<16xi32>
      %shift_left3A_711 = arith.shli %get3A_698, %shift_left3A_710 : vector<16xi32>
      %add3A_712 = arith.addi %shift_left3A_708, %shift_left3A_711 : vector<16xi32>
      %and3A_713 = arith.constant 3 : i32
      %and3A_714 = vector.broadcast %and3A_713 : i32 to vector<16xi32>
      %and3A_715 = arith.andi %add3A_702, %and3A_714 : vector<16xi32>
      %add3A_716 = arith.addi %add3A_712, %and3A_715 : vector<16xi32>
      %swap3A_717 = arith.constant 1 : i32
      %swap3A_718 = arith.index_cast %swap3A_717 : i32 to index
      %swap3A_719 = arith.index_cast %mul3A_676 : i32 to index
      %swap3A_720 = tpu.vector_load %arg6[%swap3A_718, %swap3A_719] {strides = array<i32>} : memref<2x1024xi32, #tpu.memory_space<vmem>>, vector<16xi32>,
      tpu.vector_store %arg6[%swap3A_718, %swap3A_719], %add3A_716 {strides = array<i32>} : memref<2x1024xi32, #tpu.memory_space<vmem>>, vector<16xi32>,
    }
    %scan3A_295 = arith.constant 64 : i32
    %dma_wait3A_296 = arith.constant 1 : i32
    %dma_wait3A_297 = arith.constant 0 : i32
    %dma_wait3A_298 = arith.constant 0 : i32
    %dma_wait3A_299 = tpu.memref_slice %arg7[%dma_wait3A_296, %dma_wait3A_297, %dma_wait3A_298] : memref<2x1024x32xf32, #tpu.memory_space<vmem>> -> memref<1x1024x32xf32, #tpu.memory_space<vmem>>
    %dma_wait3A_300 = tpu.memref_squeeze %dma_wait3A_299 : memref<1x1024x32xf32, #tpu.memory_space<vmem>> -> memref<1024x32xf32, #tpu.memory_space<vmem>>
    %dma_wait3A_301 = arith.constant 0 : i32
    %dma_wait3A_302 = tpu.memref_slice %arg4[%add3A_267, %dma_wait3A_301] : memref<262144x32xf32, #tpu.memory_space<hbm>> -> memref<1024x32xf32, #tpu.memory_space<hbm>>
    %dma_wait3A_303 = arith.constant 0 : i32
    %dma_wait3A_304 = tpu.memref_slice %arg4[%add3A_267, %dma_wait3A_303] : memref<262144x32xf32, #tpu.memory_space<hbm>> -> memref<1024x32xf32, #tpu.memory_space<hbm>>
    %dma_wait3A_305 = arith.constant 0 : i32
    %dma_wait3A_306 = arith.constant 0 : i32
    %dma_wait3A_307 = tpu.memref_slice %arg7[%dma_wait3A_296, %dma_wait3A_305, %dma_wait3A_306] : memref<2x1024x32xf32, #tpu.memory_space<vmem>> -> memref<1x1024x32xf32, #tpu.memory_space<vmem>>
    %dma_wait3A_308 = tpu.memref_squeeze %dma_wait3A_307 : memref<1x1024x32xf32, #tpu.memory_space<vmem>> -> memref<1024x32xf32, #tpu.memory_space<vmem>>
    tpu.wait_dma2 semaphore(%arg11 : memref<!tpu.dma_semaphore, #tpu.memory_space<semaphore_mem>>) src(%dma_wait3A_308 : memref<1024x32xf32, #tpu.memory_space<vmem>>) dst(%dma_wait3A_304 : memref<1024x32xf32, #tpu.memory_space<hbm>>)
    %dma_wait3A_309 = arith.constant 0 : i32
    %dma_wait3A_310 = arith.constant 0 : i32
    %dma_wait3A_311 = arith.constant 0 : i32
    %dma_wait3A_312 = arith.constant 0 : i32
    %dma_wait3A_313 = tpu.memref_slice %arg7[%dma_wait3A_310, %dma_wait3A_311, %dma_wait3A_312] : memref<2x1024x32xf32, #tpu.memory_space<vmem>> -> memref<1x1024x32xf32, #tpu.memory_space<vmem>>
    %dma_wait3A_314 = tpu.memref_squeeze %dma_wait3A_313 : memref<1x1024x32xf32, #tpu.memory_space<vmem>> -> memref<1024x32xf32, #tpu.memory_space<vmem>>
    %dma_wait3A_315 = arith.constant 0 : i32
    %dma_wait3A_316 = tpu.memref_slice %arg6[%dma_wait3A_309, %dma_wait3A_315] : memref<2x1024xi32, #tpu.memory_space<vmem>> -> memref<1x1024xi32, #tpu.memory_space<vmem>>
    %dma_wait3A_317 = tpu.memref_squeeze %dma_wait3A_316 : memref<1x1024xi32, #tpu.memory_space<vmem>> -> memref<1024xi32, #tpu.memory_space<vmem>>
    %dma_wait3A_318 = arith.constant 0 : i32
    %dma_wait3A_319 = arith.constant 0 : i32
    %dma_wait3A_320 = tpu.memref_slice %arg2[%dma_wait3A_318, %dma_wait3A_319] : memref<262144x32xf32, #tpu.memory_space<hbm>> -> memref<262144x32xf32, #tpu.memory_space<hbm>>
    tpu.wait_indirect_dma semaphore(%arg8 : memref<!tpu.dma_semaphore, #tpu.memory_space<semaphore_mem>>) src(%dma_wait3A_320 : memref<262144x32xf32, #tpu.memory_space<hbm>>) dst(%dma_wait3A_314 : memref<1024x32xf32, #tpu.memory_space<vmem>>)
    %dma_start3A_321 = arith.constant 1 : i32
    %dma_start3A_322 = arith.constant 1 : i32
    %dma_start3A_323 = arith.constant 0 : i32
    %dma_start3A_324 = arith.constant 0 : i32
    %dma_start3A_325 = tpu.memref_slice %arg7[%dma_start3A_322, %dma_start3A_323, %dma_start3A_324] : memref<2x1024x32xf32, #tpu.memory_space<vmem>> -> memref<1x1024x32xf32, #tpu.memory_space<vmem>>
    %dma_start3A_326 = tpu.memref_squeeze %dma_start3A_325 : memref<1x1024x32xf32, #tpu.memory_space<vmem>> -> memref<1024x32xf32, #tpu.memory_space<vmem>>
    %dma_start3A_327 = arith.constant 0 : i32
    %dma_start3A_328 = tpu.memref_slice %arg6[%dma_start3A_321, %dma_start3A_327] : memref<2x1024xi32, #tpu.memory_space<vmem>> -> memref<1x1024xi32, #tpu.memory_space<vmem>>
    %dma_start3A_329 = tpu.memref_squeeze %dma_start3A_328 : memref<1x1024xi32, #tpu.memory_space<vmem>> -> memref<1024xi32, #tpu.memory_space<vmem>>
    %dma_start3A_330 = arith.constant 0 : i32
    %dma_start3A_331 = arith.constant 0 : i32
    %dma_start3A_332 = tpu.memref_slice %arg2[%dma_start3A_330, %dma_start3A_331] : memref<262144x32xf32, #tpu.memory_space<hbm>> -> memref<262144x32xf32, #tpu.memory_space<hbm>>
    tpu.enqueue_indirect_dma source(%dma_start3A_332 : memref<262144x32xf32, #tpu.memory_space<hbm>>) target(%dma_start3A_326 : memref<1024x32xf32, #tpu.memory_space<vmem>>) offsets(%dma_start3A_329 : memref<1024xi32, #tpu.memory_space<vmem>>) semaphore(%arg9 : memref<!tpu.dma_semaphore, #tpu.memory_space<semaphore_mem>>)
    %add3A_333 = arith.constant 4096 : i32
    %add3A_334 = arith.addi %mul3A_2, %add3A_333 : i32
    %dma_start3A_335 = arith.constant 0 : i32
    %dma_start3A_336 = arith.constant 0 : i32
    %dma_start3A_337 = arith.constant 0 : i32
    %dma_start3A_338 = tpu.memref_slice %arg7[%dma_start3A_335, %dma_start3A_336, %dma_start3A_337] : memref<2x1024x32xf32, #tpu.memory_space<vmem>> -> memref<1x1024x32xf32, #tpu.memory_space<vmem>>
    %dma_start3A_339 = tpu.memref_squeeze %dma_start3A_338 : memref<1x1024x32xf32, #tpu.memory_space<vmem>> -> memref<1024x32xf32, #tpu.memory_space<vmem>>
    %dma_start3A_340 = arith.constant 0 : i32
    %dma_start3A_341 = tpu.memref_slice %arg4[%add3A_334, %dma_start3A_340] : memref<262144x32xf32, #tpu.memory_space<hbm>> -> memref<1024x32xf32, #tpu.memory_space<hbm>>
    %dma_start3A_342 = arith.constant 0 : i32
    %dma_start3A_343 = tpu.memref_slice %arg4[%add3A_334, %dma_start3A_342] : memref<262144x32xf32, #tpu.memory_space<hbm>> -> memref<1024x32xf32, #tpu.memory_space<hbm>>
    %dma_start3A_344 = arith.constant 0 : i32
    %dma_start3A_345 = arith.constant 0 : i32
    %dma_start3A_346 = tpu.memref_slice %arg7[%dma_start3A_335, %dma_start3A_344, %dma_start3A_345] : memref<2x1024x32xf32, #tpu.memory_space<vmem>> -> memref<1x1024x32xf32, #tpu.memory_space<vmem>>
    %dma_start3A_347 = tpu.memref_squeeze %dma_start3A_346 : memref<1x1024x32xf32, #tpu.memory_space<vmem>> -> memref<1024x32xf32, #tpu.memory_space<vmem>>
    tpu.enqueue_dma source(%dma_start3A_347 : memref<1024x32xf32, #tpu.memory_space<vmem>>) target(%dma_start3A_343 : memref<1024x32xf32, #tpu.memory_space<hbm>>) target_semaphore(%arg10 : memref<!tpu.dma_semaphore, #tpu.memory_space<semaphore_mem>>)
    %add3A_348 = arith.constant 6144 : i32
    %add3A_349 = arith.addi %mul3A_2, %add3A_348 : i32
    %run_scoped3A_350 = arith.constant 0 : i32
    "tpu.region"() ({
      %run_scoped3A_535 = tpu.sem_alloc : memref<!tpu.dma_semaphore, #tpu.memory_space<semaphore_mem>>
      %dma_start3A_536 = arith.constant 0 : i32
      %dma_start3A_537 = tpu.memref_slice %arg5[%run_scoped3A_350, %dma_start3A_536] : memref<2x3072xi32, #tpu.memory_space<vmem>> -> memref<1x1024xi32, #tpu.memory_space<vmem>>
      %dma_start3A_538 = tpu.memref_squeeze %dma_start3A_537 : memref<1x1024xi32, #tpu.memory_space<vmem>> -> memref<1024xi32, #tpu.memory_space<vmem>>
      %dma_start3A_539 = tpu.memref_slice %arg3[%add3A_349] : memref<786432xi32, #tpu.memory_space<hbm>> -> memref<1024xi32, #tpu.memory_space<hbm>>
      %dma_start3A_540 = arith.constant 0 : i32
      %dma_start3A_541 = tpu.memref_slice %arg5[%run_scoped3A_350, %dma_start3A_540] : memref<2x3072xi32, #tpu.memory_space<vmem>> -> memref<1x1024xi32, #tpu.memory_space<vmem>>
      %dma_start3A_542 = tpu.memref_squeeze %dma_start3A_541 : memref<1x1024xi32, #tpu.memory_space<vmem>> -> memref<1024xi32, #tpu.memory_space<vmem>>
      %dma_start3A_543 = tpu.memref_slice %arg3[%add3A_349] : memref<786432xi32, #tpu.memory_space<hbm>> -> memref<1024xi32, #tpu.memory_space<hbm>>
      tpu.enqueue_dma source(%dma_start3A_543 : memref<1024xi32, #tpu.memory_space<hbm>>) target(%dma_start3A_542 : memref<1024xi32, #tpu.memory_space<vmem>>) target_semaphore(%run_scoped3A_535 : memref<!tpu.dma_semaphore, #tpu.memory_space<semaphore_mem>>)
      %dma_wait3A_544 = arith.constant 0 : i32
      %dma_wait3A_545 = tpu.memref_slice %arg5[%run_scoped3A_350, %dma_wait3A_544] : memref<2x3072xi32, #tpu.memory_space<vmem>> -> memref<1x1024xi32, #tpu.memory_space<vmem>>
      %dma_wait3A_546 = tpu.memref_squeeze %dma_wait3A_545 : memref<1x1024xi32, #tpu.memory_space<vmem>> -> memref<1024xi32, #tpu.memory_space<vmem>>
      %dma_wait3A_547 = tpu.memref_slice %arg3[%add3A_349] : memref<786432xi32, #tpu.memory_space<hbm>> -> memref<1024xi32, #tpu.memory_space<hbm>>
      %dma_wait3A_548 = arith.constant 0 : i32
      %dma_wait3A_549 = tpu.memref_slice %arg5[%run_scoped3A_350, %dma_wait3A_548] : memref<2x3072xi32, #tpu.memory_space<vmem>> -> memref<1x1024xi32, #tpu.memory_space<vmem>>
      %dma_wait3A_550 = tpu.memref_squeeze %dma_wait3A_549 : memref<1x1024xi32, #tpu.memory_space<vmem>> -> memref<1024xi32, #tpu.memory_space<vmem>>
      %dma_wait3A_551 = tpu.memref_slice %arg3[%add3A_349] : memref<786432xi32, #tpu.memory_space<hbm>> -> memref<1024xi32, #tpu.memory_space<hbm>>
      tpu.wait_dma2 semaphore(%run_scoped3A_535 : memref<!tpu.dma_semaphore, #tpu.memory_space<semaphore_mem>>) src(%dma_wait3A_551 : memref<1024xi32, #tpu.memory_space<hbm>>) dst(%dma_wait3A_550 : memref<1024xi32, #tpu.memory_space<vmem>>)
      tpu.yield
    }) : () -> ()
    %add3A_351 = arith.constant 262144 : i32
    %add3A_352 = arith.addi %add3A_351, %add3A_349 : i32
    %run_scoped3A_353 = arith.constant 0 : i32
    "tpu.region"() ({
      %run_scoped3A_535 = tpu.sem_alloc : memref<!tpu.dma_semaphore, #tpu.memory_space<semaphore_mem>>
      %dma_start3A_536 = arith.constant 1024 : i32
      %dma_start3A_537 = tpu.memref_slice %arg5[%run_scoped3A_353, %dma_start3A_536] : memref<2x3072xi32, #tpu.memory_space<vmem>> -> memref<1x1024xi32, #tpu.memory_space<vmem>>
      %dma_start3A_538 = tpu.memref_squeeze %dma_start3A_537 : memref<1x1024xi32, #tpu.memory_space<vmem>> -> memref<1024xi32, #tpu.memory_space<vmem>>
      %dma_start3A_539 = tpu.memref_slice %arg3[%add3A_352] : memref<786432xi32, #tpu.memory_space<hbm>> -> memref<1024xi32, #tpu.memory_space<hbm>>
      %dma_start3A_540 = arith.constant 1024 : i32
      %dma_start3A_541 = tpu.memref_slice %arg5[%run_scoped3A_353, %dma_start3A_540] : memref<2x3072xi32, #tpu.memory_space<vmem>> -> memref<1x1024xi32, #tpu.memory_space<vmem>>
      %dma_start3A_542 = tpu.memref_squeeze %dma_start3A_541 : memref<1x1024xi32, #tpu.memory_space<vmem>> -> memref<1024xi32, #tpu.memory_space<vmem>>
      %dma_start3A_543 = tpu.memref_slice %arg3[%add3A_352] : memref<786432xi32, #tpu.memory_space<hbm>> -> memref<1024xi32, #tpu.memory_space<hbm>>
      tpu.enqueue_dma source(%dma_start3A_543 : memref<1024xi32, #tpu.memory_space<hbm>>) target(%dma_start3A_542 : memref<1024xi32, #tpu.memory_space<vmem>>) target_semaphore(%run_scoped3A_535 : memref<!tpu.dma_semaphore, #tpu.memory_space<semaphore_mem>>)
      %dma_wait3A_544 = arith.constant 1024 : i32
      %dma_wait3A_545 = tpu.memref_slice %arg5[%run_scoped3A_353, %dma_wait3A_544] : memref<2x3072xi32, #tpu.memory_space<vmem>> -> memref<1x1024xi32, #tpu.memory_space<vmem>>
      %dma_wait3A_546 = tpu.memref_squeeze %dma_wait3A_545 : memref<1x1024xi32, #tpu.memory_space<vmem>> -> memref<1024xi32, #tpu.memory_space<vmem>>
      %dma_wait3A_547 = tpu.memref_slice %arg3[%add3A_352] : memref<786432xi32, #tpu.memory_space<hbm>> -> memref<1024xi32, #tpu.memory_space<hbm>>
      %dma_wait3A_548 = arith.constant 1024 : i32
      %dma_wait3A_549 = tpu.memref_slice %arg5[%run_scoped3A_353, %dma_wait3A_548] : memref<2x3072xi32, #tpu.memory_space<vmem>> -> memref<1x1024xi32, #tpu.memory_space<vmem>>
      %dma_wait3A_550 = tpu.memref_squeeze %dma_wait3A_549 : memref<1x1024xi32, #tpu.memory_space<vmem>> -> memref<1024xi32, #tpu.memory_space<vmem>>
      %dma_wait3A_551 = tpu.memref_slice %arg3[%add3A_352] : memref<786432xi32, #tpu.memory_space<hbm>> -> memref<1024xi32, #tpu.memory_space<hbm>>
      tpu.wait_dma2 semaphore(%run_scoped3A_535 : memref<!tpu.dma_semaphore, #tpu.memory_space<semaphore_mem>>) src(%dma_wait3A_551 : memref<1024xi32, #tpu.memory_space<hbm>>) dst(%dma_wait3A_550 : memref<1024xi32, #tpu.memory_space<vmem>>)
      tpu.yield
    }) : () -> ()
    %add3A_354 = arith.constant 524288 : i32
    %add3A_355 = arith.addi %add3A_354, %add3A_349 : i32
    %run_scoped3A_356 = arith.constant 0 : i32
    "tpu.region"() ({
      %run_scoped3A_535 = tpu.sem_alloc : memref<!tpu.dma_semaphore, #tpu.memory_space<semaphore_mem>>
      %dma_start3A_536 = arith.constant 2048 : i32
      %dma_start3A_537 = tpu.memref_slice %arg5[%run_scoped3A_356, %dma_start3A_536] : memref<2x3072xi32, #tpu.memory_space<vmem>> -> memref<1x1024xi32, #tpu.memory_space<vmem>>
      %dma_start3A_538 = tpu.memref_squeeze %dma_start3A_537 : memref<1x1024xi32, #tpu.memory_space<vmem>> -> memref<1024xi32, #tpu.memory_space<vmem>>
      %dma_start3A_539 = tpu.memref_slice %arg3[%add3A_355] : memref<786432xi32, #tpu.memory_space<hbm>> -> memref<1024xi32, #tpu.memory_space<hbm>>
      %dma_start3A_540 = arith.constant 2048 : i32
      %dma_start3A_541 = tpu.memref_slice %arg5[%run_scoped3A_356, %dma_start3A_540] : memref<2x3072xi32, #tpu.memory_space<vmem>> -> memref<1x1024xi32, #tpu.memory_space<vmem>>
      %dma_start3A_542 = tpu.memref_squeeze %dma_start3A_541 : memref<1x1024xi32, #tpu.memory_space<vmem>> -> memref<1024xi32, #tpu.memory_space<vmem>>
      %dma_start3A_543 = tpu.memref_slice %arg3[%add3A_355] : memref<786432xi32, #tpu.memory_space<hbm>> -> memref<1024xi32, #tpu.memory_space<hbm>>
      tpu.enqueue_dma source(%dma_start3A_543 : memref<1024xi32, #tpu.memory_space<hbm>>) target(%dma_start3A_542 : memref<1024xi32, #tpu.memory_space<vmem>>) target_semaphore(%run_scoped3A_535 : memref<!tpu.dma_semaphore, #tpu.memory_space<semaphore_mem>>)
      %dma_wait3A_544 = arith.constant 2048 : i32
      %dma_wait3A_545 = tpu.memref_slice %arg5[%run_scoped3A_356, %dma_wait3A_544] : memref<2x3072xi32, #tpu.memory_space<vmem>> -> memref<1x1024xi32, #tpu.memory_space<vmem>>
      %dma_wait3A_546 = tpu.memref_squeeze %dma_wait3A_545 : memref<1x1024xi32, #tpu.memory_space<vmem>> -> memref<1024xi32, #tpu.memory_space<vmem>>
      %dma_wait3A_547 = tpu.memref_slice %arg3[%add3A_355] : memref<786432xi32, #tpu.memory_space<hbm>> -> memref<1024xi32, #tpu.memory_space<hbm>>
      %dma_wait3A_548 = arith.constant 2048 : i32
      %dma_wait3A_549 = tpu.memref_slice %arg5[%run_scoped3A_356, %dma_wait3A_548] : memref<2x3072xi32, #tpu.memory_space<vmem>> -> memref<1x1024xi32, #tpu.memory_space<vmem>>
      %dma_wait3A_550 = tpu.memref_squeeze %dma_wait3A_549 : memref<1x1024xi32, #tpu.memory_space<vmem>> -> memref<1024xi32, #tpu.memory_space<vmem>>
      %dma_wait3A_551 = tpu.memref_slice %arg3[%add3A_355] : memref<786432xi32, #tpu.memory_space<hbm>> -> memref<1024xi32, #tpu.memory_space<hbm>>
      tpu.wait_dma2 semaphore(%run_scoped3A_535 : memref<!tpu.dma_semaphore, #tpu.memory_space<semaphore_mem>>) src(%dma_wait3A_551 : memref<1024xi32, #tpu.memory_space<hbm>>) dst(%dma_wait3A_550 : memref<1024xi32, #tpu.memory_space<vmem>>)
      tpu.yield
    }) : () -> ()
    %scan3A_357 = arith.constant 0 : i32
    %scan3A_358 = arith.constant 0 : i32
    %scan3A_359 = arith.constant 64 : i32
    %scan3A_360 = arith.addi %scan3A_358, %scan3A_359 : i32
    %scan3A_361 = arith.constant 4 : i32
    scf.for %scan3A_535 = %scan3A_358 to %scan3A_360 step %scan3A_361  : i32 {
      %mul3A_536 = arith.constant 16 : i32
      %mul3A_537 = arith.muli %scan3A_535, %mul3A_536 : i32
      %mul3A_538 = arith.constant 16 : i32
      %mul3A_539 = arith.muli %scan3A_535, %mul3A_538 : i32
      %get3A = arith.constant 0 : i32
      %get3A_540 = arith.index_cast %get3A : i32 to index
      %get3A_541 = arith.index_cast %mul3A_539 : i32 to index
      %get3A_542 = tpu.vector_load %arg5[%get3A_540, %get3A_541] {strides = array<i32>} : memref<2x3072xi32, #tpu.memory_space<vmem>>, vector<16xi32>,
      %mul3A_543 = arith.constant 16 : i32
      %mul3A_544 = arith.muli %scan3A_535, %mul3A_543 : i32
      %add3A_545 = arith.constant 1024 : i32
      %add3A_546 = arith.addi %add3A_545, %mul3A_544 : i32
      %get3A_547 = arith.constant 0 : i32
      %get3A_548 = arith.index_cast %get3A_547 : i32 to index
      %get3A_549 = arith.index_cast %add3A_546 : i32 to index
      %get3A_550 = tpu.vector_load %arg5[%get3A_548, %get3A_549] {strides = array<i32>} : memref<2x3072xi32, #tpu.memory_space<vmem>>, vector<16xi32>,
      %mul3A_551 = arith.constant 16 : i32
      %mul3A_552 = arith.muli %scan3A_535, %mul3A_551 : i32
      %add3A_553 = arith.constant 2048 : i32
      %add3A_554 = arith.addi %add3A_553, %mul3A_552 : i32
      %get3A_555 = arith.constant 0 : i32
      %get3A_556 = arith.index_cast %get3A_555 : i32 to index
      %get3A_557 = arith.index_cast %add3A_554 : i32 to index
      %get3A_558 = tpu.vector_load %arg5[%get3A_556, %get3A_557] {strides = array<i32>} : memref<2x3072xi32, #tpu.memory_space<vmem>>, vector<16xi32>,
      %shift_left3A = arith.constant 6 : i32
      %shift_left3A_559 = vector.broadcast %shift_left3A : i32 to vector<16xi32>
      %shift_left3A_560 = arith.shli %get3A_542, %shift_left3A_559 : vector<16xi32>
      %add3A_561 = arith.addi %shift_left3A_560, %get3A_550 : vector<16xi32>
      %shift_right_arithmetic3A = arith.constant 2 : i32
      %shift_right_arithmetic3A_562 = vector.broadcast %shift_right_arithmetic3A : i32 to vector<16xi32>
      %shift_right_arithmetic3A_563 = arith.shrsi %add3A_561, %shift_right_arithmetic3A_562 : vector<16xi32>
      %shift_left3A_564 = arith.constant 8 : i32
      %shift_left3A_565 = vector.broadcast %shift_left3A_564 : i32 to vector<16xi32>
      %shift_left3A_566 = arith.shli %shift_right_arithmetic3A_563, %shift_left3A_565 : vector<16xi32>
      %shift_left3A_567 = arith.constant 2 : i32
      %shift_left3A_568 = vector.broadcast %shift_left3A_567 : i32 to vector<16xi32>
      %shift_left3A_569 = arith.shli %get3A_558, %shift_left3A_568 : vector<16xi32>
      %add3A_570 = arith.addi %shift_left3A_566, %shift_left3A_569 : vector<16xi32>
      %and3A = arith.constant 3 : i32
      %and3A_571 = vector.broadcast %and3A : i32 to vector<16xi32>
      %and3A_572 = arith.andi %add3A_561, %and3A_571 : vector<16xi32>
      %add3A_573 = arith.addi %add3A_570, %and3A_572 : vector<16xi32>
      %swap3A = arith.constant 0 : i32
      %swap3A_574 = arith.index_cast %swap3A : i32 to index
      %swap3A_575 = arith.index_cast %mul3A_537 : i32 to index
      %swap3A_576 = tpu.vector_load %arg6[%swap3A_574, %swap3A_575] {strides = array<i32>} : memref<2x1024xi32, #tpu.memory_space<vmem>>, vector<16xi32>,
      tpu.vector_store %arg6[%swap3A_574, %swap3A_575], %add3A_573 {strides = array<i32>} : memref<2x1024xi32, #tpu.memory_space<vmem>>, vector<16xi32>,
      %scan3A_577 = arith.constant 1 : i32
      %scan3A_578 = arith.addi %scan3A_535, %scan3A_577 : i32
      %mul3A_579 = arith.constant 16 : i32
      %mul3A_580 = arith.muli %scan3A_578, %mul3A_579 : i32
      %mul3A_581 = arith.constant 16 : i32
      %mul3A_582 = arith.muli %scan3A_578, %mul3A_581 : i32
      %get3A_583 = arith.constant 0 : i32
      %get3A_584 = arith.index_cast %get3A_583 : i32 to index
      %get3A_585 = arith.index_cast %mul3A_582 : i32 to index
      %get3A_586 = tpu.vector_load %arg5[%get3A_584, %get3A_585] {strides = array<i32>} : memref<2x3072xi32, #tpu.memory_space<vmem>>, vector<16xi32>,
      %mul3A_587 = arith.constant 16 : i32
      %mul3A_588 = arith.muli %scan3A_578, %mul3A_587 : i32
      %add3A_589 = arith.constant 1024 : i32
      %add3A_590 = arith.addi %add3A_589, %mul3A_588 : i32
      %get3A_591 = arith.constant 0 : i32
      %get3A_592 = arith.index_cast %get3A_591 : i32 to index
      %get3A_593 = arith.index_cast %add3A_590 : i32 to index
      %get3A_594 = tpu.vector_load %arg5[%get3A_592, %get3A_593] {strides = array<i32>} : memref<2x3072xi32, #tpu.memory_space<vmem>>, vector<16xi32>,
      %mul3A_595 = arith.constant 16 : i32
      %mul3A_596 = arith.muli %scan3A_578, %mul3A_595 : i32
      %add3A_597 = arith.constant 2048 : i32
      %add3A_598 = arith.addi %add3A_597, %mul3A_596 : i32
      %get3A_599 = arith.constant 0 : i32
      %get3A_600 = arith.index_cast %get3A_599 : i32 to index
      %get3A_601 = arith.index_cast %add3A_598 : i32 to index
      %get3A_602 = tpu.vector_load %arg5[%get3A_600, %get3A_601] {strides = array<i32>} : memref<2x3072xi32, #tpu.memory_space<vmem>>, vector<16xi32>,
      %shift_left3A_603 = arith.constant 6 : i32
      %shift_left3A_604 = vector.broadcast %shift_left3A_603 : i32 to vector<16xi32>
      %shift_left3A_605 = arith.shli %get3A_586, %shift_left3A_604 : vector<16xi32>
      %add3A_606 = arith.addi %shift_left3A_605, %get3A_594 : vector<16xi32>
      %shift_right_arithmetic3A_607 = arith.constant 2 : i32
      %shift_right_arithmetic3A_608 = vector.broadcast %shift_right_arithmetic3A_607 : i32 to vector<16xi32>
      %shift_right_arithmetic3A_609 = arith.shrsi %add3A_606, %shift_right_arithmetic3A_608 : vector<16xi32>
      %shift_left3A_610 = arith.constant 8 : i32
      %shift_left3A_611 = vector.broadcast %shift_left3A_610 : i32 to vector<16xi32>
      %shift_left3A_612 = arith.shli %shift_right_arithmetic3A_609, %shift_left3A_611 : vector<16xi32>
      %shift_left3A_613 = arith.constant 2 : i32
      %shift_left3A_614 = vector.broadcast %shift_left3A_613 : i32 to vector<16xi32>
      %shift_left3A_615 = arith.shli %get3A_602, %shift_left3A_614 : vector<16xi32>
      %add3A_616 = arith.addi %shift_left3A_612, %shift_left3A_615 : vector<16xi32>
      %and3A_617 = arith.constant 3 : i32
      %and3A_618 = vector.broadcast %and3A_617 : i32 to vector<16xi32>
      %and3A_619 = arith.andi %add3A_606, %and3A_618 : vector<16xi32>
      %add3A_620 = arith.addi %add3A_616, %and3A_619 : vector<16xi32>
      %swap3A_621 = arith.constant 0 : i32
      %swap3A_622 = arith.index_cast %swap3A_621 : i32 to index
      %swap3A_623 = arith.index_cast %mul3A_580 : i32 to index
      %swap3A_624 = tpu.vector_load %arg6[%swap3A_622, %swap3A_623] {strides = array<i32>} : memref<2x1024xi32, #tpu.memory_space<vmem>>, vector<16xi32>,
      tpu.vector_store %arg6[%swap3A_622, %swap3A_623], %add3A_620 {strides = array<i32>} : memref<2x1024xi32, #tpu.memory_space<vmem>>, vector<16xi32>,
      %scan3A_625 = arith.constant 2 : i32
      %scan3A_626 = arith.addi %scan3A_535, %scan3A_625 : i32
      %mul3A_627 = arith.constant 16 : i32
      %mul3A_628 = arith.muli %scan3A_626, %mul3A_627 : i32
      %mul3A_629 = arith.constant 16 : i32
      %mul3A_630 = arith.muli %scan3A_626, %mul3A_629 : i32
      %get3A_631 = arith.constant 0 : i32
      %get3A_632 = arith.index_cast %get3A_631 : i32 to index
      %get3A_633 = arith.index_cast %mul3A_630 : i32 to index
      %get3A_634 = tpu.vector_load %arg5[%get3A_632, %get3A_633] {strides = array<i32>} : memref<2x3072xi32, #tpu.memory_space<vmem>>, vector<16xi32>,
      %mul3A_635 = arith.constant 16 : i32
      %mul3A_636 = arith.muli %scan3A_626, %mul3A_635 : i32
      %add3A_637 = arith.constant 1024 : i32
      %add3A_638 = arith.addi %add3A_637, %mul3A_636 : i32
      %get3A_639 = arith.constant 0 : i32
      %get3A_640 = arith.index_cast %get3A_639 : i32 to index
      %get3A_641 = arith.index_cast %add3A_638 : i32 to index
      %get3A_642 = tpu.vector_load %arg5[%get3A_640, %get3A_641] {strides = array<i32>} : memref<2x3072xi32, #tpu.memory_space<vmem>>, vector<16xi32>,
      %mul3A_643 = arith.constant 16 : i32
      %mul3A_644 = arith.muli %scan3A_626, %mul3A_643 : i32
      %add3A_645 = arith.constant 2048 : i32
      %add3A_646 = arith.addi %add3A_645, %mul3A_644 : i32
      %get3A_647 = arith.constant 0 : i32
      %get3A_648 = arith.index_cast %get3A_647 : i32 to index
      %get3A_649 = arith.index_cast %add3A_646 : i32 to index
      %get3A_650 = tpu.vector_load %arg5[%get3A_648, %get3A_649] {strides = array<i32>} : memref<2x3072xi32, #tpu.memory_space<vmem>>, vector<16xi32>,
      %shift_left3A_651 = arith.constant 6 : i32
      %shift_left3A_652 = vector.broadcast %shift_left3A_651 : i32 to vector<16xi32>
      %shift_left3A_653 = arith.shli %get3A_634, %shift_left3A_652 : vector<16xi32>
      %add3A_654 = arith.addi %shift_left3A_653, %get3A_642 : vector<16xi32>
      %shift_right_arithmetic3A_655 = arith.constant 2 : i32
      %shift_right_arithmetic3A_656 = vector.broadcast %shift_right_arithmetic3A_655 : i32 to vector<16xi32>
      %shift_right_arithmetic3A_657 = arith.shrsi %add3A_654, %shift_right_arithmetic3A_656 : vector<16xi32>
      %shift_left3A_658 = arith.constant 8 : i32
      %shift_left3A_659 = vector.broadcast %shift_left3A_658 : i32 to vector<16xi32>
      %shift_left3A_660 = arith.shli %shift_right_arithmetic3A_657, %shift_left3A_659 : vector<16xi32>
      %shift_left3A_661 = arith.constant 2 : i32
      %shift_left3A_662 = vector.broadcast %shift_left3A_661 : i32 to vector<16xi32>
      %shift_left3A_663 = arith.shli %get3A_650, %shift_left3A_662 : vector<16xi32>
      %add3A_664 = arith.addi %shift_left3A_660, %shift_left3A_663 : vector<16xi32>
      %and3A_665 = arith.constant 3 : i32
      %and3A_666 = vector.broadcast %and3A_665 : i32 to vector<16xi32>
      %and3A_667 = arith.andi %add3A_654, %and3A_666 : vector<16xi32>
      %add3A_668 = arith.addi %add3A_664, %and3A_667 : vector<16xi32>
      %swap3A_669 = arith.constant 0 : i32
      %swap3A_670 = arith.index_cast %swap3A_669 : i32 to index
      %swap3A_671 = arith.index_cast %mul3A_628 : i32 to index
      %swap3A_672 = tpu.vector_load %arg6[%swap3A_670, %swap3A_671] {strides = array<i32>} : memref<2x1024xi32, #tpu.memory_space<vmem>>, vector<16xi32>,
      tpu.vector_store %arg6[%swap3A_670, %swap3A_671], %add3A_668 {strides = array<i32>} : memref<2x1024xi32, #tpu.memory_space<vmem>>, vector<16xi32>,
      %scan3A_673 = arith.constant 3 : i32
      %scan3A_674 = arith.addi %scan3A_535, %scan3A_673 : i32
      %mul3A_675 = arith.constant 16 : i32
      %mul3A_676 = arith.muli %scan3A_674, %mul3A_675 : i32
      %mul3A_677 = arith.constant 16 : i32
      %mul3A_678 = arith.muli %scan3A_674, %mul3A_677 : i32
      %get3A_679 = arith.constant 0 : i32
      %get3A_680 = arith.index_cast %get3A_679 : i32 to index
      %get3A_681 = arith.index_cast %mul3A_678 : i32 to index
      %get3A_682 = tpu.vector_load %arg5[%get3A_680, %get3A_681] {strides = array<i32>} : memref<2x3072xi32, #tpu.memory_space<vmem>>, vector<16xi32>,
      %mul3A_683 = arith.constant 16 : i32
      %mul3A_684 = arith.muli %scan3A_674, %mul3A_683 : i32
      %add3A_685 = arith.constant 1024 : i32
      %add3A_686 = arith.addi %add3A_685, %mul3A_684 : i32
      %get3A_687 = arith.constant 0 : i32
      %get3A_688 = arith.index_cast %get3A_687 : i32 to index
      %get3A_689 = arith.index_cast %add3A_686 : i32 to index
      %get3A_690 = tpu.vector_load %arg5[%get3A_688, %get3A_689] {strides = array<i32>} : memref<2x3072xi32, #tpu.memory_space<vmem>>, vector<16xi32>,
      %mul3A_691 = arith.constant 16 : i32
      %mul3A_692 = arith.muli %scan3A_674, %mul3A_691 : i32
      %add3A_693 = arith.constant 2048 : i32
      %add3A_694 = arith.addi %add3A_693, %mul3A_692 : i32
      %get3A_695 = arith.constant 0 : i32
      %get3A_696 = arith.index_cast %get3A_695 : i32 to index
      %get3A_697 = arith.index_cast %add3A_694 : i32 to index
      %get3A_698 = tpu.vector_load %arg5[%get3A_696, %get3A_697] {strides = array<i32>} : memref<2x3072xi32, #tpu.memory_space<vmem>>, vector<16xi32>,
      %shift_left3A_699 = arith.constant 6 : i32
      %shift_left3A_700 = vector.broadcast %shift_left3A_699 : i32 to vector<16xi32>
      %shift_left3A_701 = arith.shli %get3A_682, %shift_left3A_700 : vector<16xi32>
      %add3A_702 = arith.addi %shift_left3A_701, %get3A_690 : vector<16xi32>
      %shift_right_arithmetic3A_703 = arith.constant 2 : i32
      %shift_right_arithmetic3A_704 = vector.broadcast %shift_right_arithmetic3A_703 : i32 to vector<16xi32>
      %shift_right_arithmetic3A_705 = arith.shrsi %add3A_702, %shift_right_arithmetic3A_704 : vector<16xi32>
      %shift_left3A_706 = arith.constant 8 : i32
      %shift_left3A_707 = vector.broadcast %shift_left3A_706 : i32 to vector<16xi32>
      %shift_left3A_708 = arith.shli %shift_right_arithmetic3A_705, %shift_left3A_707 : vector<16xi32>
      %shift_left3A_709 = arith.constant 2 : i32
      %shift_left3A_710 = vector.broadcast %shift_left3A_709 : i32 to vector<16xi32>
      %shift_left3A_711 = arith.shli %get3A_698, %shift_left3A_710 : vector<16xi32>
      %add3A_712 = arith.addi %shift_left3A_708, %shift_left3A_711 : vector<16xi32>
      %and3A_713 = arith.constant 3 : i32
      %and3A_714 = vector.broadcast %and3A_713 : i32 to vector<16xi32>
      %and3A_715 = arith.andi %add3A_702, %and3A_714 : vector<16xi32>
      %add3A_716 = arith.addi %add3A_712, %and3A_715 : vector<16xi32>
      %swap3A_717 = arith.constant 0 : i32
      %swap3A_718 = arith.index_cast %swap3A_717 : i32 to index
      %swap3A_719 = arith.index_cast %mul3A_676 : i32 to index
      %swap3A_720 = tpu.vector_load %arg6[%swap3A_718, %swap3A_719] {strides = array<i32>} : memref<2x1024xi32, #tpu.memory_space<vmem>>, vector<16xi32>,
      tpu.vector_store %arg6[%swap3A_718, %swap3A_719], %add3A_716 {strides = array<i32>} : memref<2x1024xi32, #tpu.memory_space<vmem>>, vector<16xi32>,
    }
    %scan3A_362 = arith.constant 64 : i32
    %dma_wait3A_363 = arith.constant 0 : i32
    %dma_wait3A_364 = arith.constant 0 : i32
    %dma_wait3A_365 = arith.constant 0 : i32
    %dma_wait3A_366 = tpu.memref_slice %arg7[%dma_wait3A_363, %dma_wait3A_364, %dma_wait3A_365] : memref<2x1024x32xf32, #tpu.memory_space<vmem>> -> memref<1x1024x32xf32, #tpu.memory_space<vmem>>
    %dma_wait3A_367 = tpu.memref_squeeze %dma_wait3A_366 : memref<1x1024x32xf32, #tpu.memory_space<vmem>> -> memref<1024x32xf32, #tpu.memory_space<vmem>>
    %dma_wait3A_368 = arith.constant 0 : i32
    %dma_wait3A_369 = tpu.memref_slice %arg4[%add3A_334, %dma_wait3A_368] : memref<262144x32xf32, #tpu.memory_space<hbm>> -> memref<1024x32xf32, #tpu.memory_space<hbm>>
    %dma_wait3A_370 = arith.constant 0 : i32
    %dma_wait3A_371 = tpu.memref_slice %arg4[%add3A_334, %dma_wait3A_370] : memref<262144x32xf32, #tpu.memory_space<hbm>> -> memref<1024x32xf32, #tpu.memory_space<hbm>>
    %dma_wait3A_372 = arith.constant 0 : i32
    %dma_wait3A_373 = arith.constant 0 : i32
    %dma_wait3A_374 = tpu.memref_slice %arg7[%dma_wait3A_363, %dma_wait3A_372, %dma_wait3A_373] : memref<2x1024x32xf32, #tpu.memory_space<vmem>> -> memref<1x1024x32xf32, #tpu.memory_space<vmem>>
    %dma_wait3A_375 = tpu.memref_squeeze %dma_wait3A_374 : memref<1x1024x32xf32, #tpu.memory_space<vmem>> -> memref<1024x32xf32, #tpu.memory_space<vmem>>
    tpu.wait_dma2 semaphore(%arg10 : memref<!tpu.dma_semaphore, #tpu.memory_space<semaphore_mem>>) src(%dma_wait3A_375 : memref<1024x32xf32, #tpu.memory_space<vmem>>) dst(%dma_wait3A_371 : memref<1024x32xf32, #tpu.memory_space<hbm>>)
    %dma_wait3A_376 = arith.constant 1 : i32
    %dma_wait3A_377 = arith.constant 1 : i32
    %dma_wait3A_378 = arith.constant 0 : i32
    %dma_wait3A_379 = arith.constant 0 : i32
    %dma_wait3A_380 = tpu.memref_slice %arg7[%dma_wait3A_377, %dma_wait3A_378, %dma_wait3A_379] : memref<2x1024x32xf32, #tpu.memory_space<vmem>> -> memref<1x1024x32xf32, #tpu.memory_space<vmem>>
    %dma_wait3A_381 = tpu.memref_squeeze %dma_wait3A_380 : memref<1x1024x32xf32, #tpu.memory_space<vmem>> -> memref<1024x32xf32, #tpu.memory_space<vmem>>
    %dma_wait3A_382 = arith.constant 0 : i32
    %dma_wait3A_383 = tpu.memref_slice %arg6[%dma_wait3A_376, %dma_wait3A_382] : memref<2x1024xi32, #tpu.memory_space<vmem>> -> memref<1x1024xi32, #tpu.memory_space<vmem>>
    %dma_wait3A_384 = tpu.memref_squeeze %dma_wait3A_383 : memref<1x1024xi32, #tpu.memory_space<vmem>> -> memref<1024xi32, #tpu.memory_space<vmem>>
    %dma_wait3A_385 = arith.constant 0 : i32
    %dma_wait3A_386 = arith.constant 0 : i32
    %dma_wait3A_387 = tpu.memref_slice %arg2[%dma_wait3A_385, %dma_wait3A_386] : memref<262144x32xf32, #tpu.memory_space<hbm>> -> memref<262144x32xf32, #tpu.memory_space<hbm>>
    tpu.wait_indirect_dma semaphore(%arg9 : memref<!tpu.dma_semaphore, #tpu.memory_space<semaphore_mem>>) src(%dma_wait3A_387 : memref<262144x32xf32, #tpu.memory_space<hbm>>) dst(%dma_wait3A_381 : memref<1024x32xf32, #tpu.memory_space<vmem>>)
    %dma_start3A_388 = arith.constant 0 : i32
    %dma_start3A_389 = arith.constant 0 : i32
    %dma_start3A_390 = arith.constant 0 : i32
    %dma_start3A_391 = arith.constant 0 : i32
    %dma_start3A_392 = tpu.memref_slice %arg7[%dma_start3A_389, %dma_start3A_390, %dma_start3A_391] : memref<2x1024x32xf32, #tpu.memory_space<vmem>> -> memref<1x1024x32xf32, #tpu.memory_space<vmem>>
    %dma_start3A_393 = tpu.memref_squeeze %dma_start3A_392 : memref<1x1024x32xf32, #tpu.memory_space<vmem>> -> memref<1024x32xf32, #tpu.memory_space<vmem>>
    %dma_start3A_394 = arith.constant 0 : i32
    %dma_start3A_395 = tpu.memref_slice %arg6[%dma_start3A_388, %dma_start3A_394] : memref<2x1024xi32, #tpu.memory_space<vmem>> -> memref<1x1024xi32, #tpu.memory_space<vmem>>
    %dma_start3A_396 = tpu.memref_squeeze %dma_start3A_395 : memref<1x1024xi32, #tpu.memory_space<vmem>> -> memref<1024xi32, #tpu.memory_space<vmem>>
    %dma_start3A_397 = arith.constant 0 : i32
    %dma_start3A_398 = arith.constant 0 : i32
    %dma_start3A_399 = tpu.memref_slice %arg2[%dma_start3A_397, %dma_start3A_398] : memref<262144x32xf32, #tpu.memory_space<hbm>> -> memref<262144x32xf32, #tpu.memory_space<hbm>>
    tpu.enqueue_indirect_dma source(%dma_start3A_399 : memref<262144x32xf32, #tpu.memory_space<hbm>>) target(%dma_start3A_393 : memref<1024x32xf32, #tpu.memory_space<vmem>>) offsets(%dma_start3A_396 : memref<1024xi32, #tpu.memory_space<vmem>>) semaphore(%arg8 : memref<!tpu.dma_semaphore, #tpu.memory_space<semaphore_mem>>)
    %add3A_400 = arith.constant 5120 : i32
    %add3A_401 = arith.addi %mul3A_2, %add3A_400 : i32
    %dma_start3A_402 = arith.constant 1 : i32
    %dma_start3A_403 = arith.constant 0 : i32
    %dma_start3A_404 = arith.constant 0 : i32
    %dma_start3A_405 = tpu.memref_slice %arg7[%dma_start3A_402, %dma_start3A_403, %dma_start3A_404] : memref<2x1024x32xf32, #tpu.memory_space<vmem>> -> memref<1x1024x32xf32, #tpu.memory_space<vmem>>
    %dma_start3A_406 = tpu.memref_squeeze %dma_start3A_405 : memref<1x1024x32xf32, #tpu.memory_space<vmem>> -> memref<1024x32xf32, #tpu.memory_space<vmem>>
    %dma_start3A_407 = arith.constant 0 : i32
    %dma_start3A_408 = tpu.memref_slice %arg4[%add3A_401, %dma_start3A_407] : memref<262144x32xf32, #tpu.memory_space<hbm>> -> memref<1024x32xf32, #tpu.memory_space<hbm>>
    %dma_start3A_409 = arith.constant 0 : i32
    %dma_start3A_410 = tpu.memref_slice %arg4[%add3A_401, %dma_start3A_409] : memref<262144x32xf32, #tpu.memory_space<hbm>> -> memref<1024x32xf32, #tpu.memory_space<hbm>>
    %dma_start3A_411 = arith.constant 0 : i32
    %dma_start3A_412 = arith.constant 0 : i32
    %dma_start3A_413 = tpu.memref_slice %arg7[%dma_start3A_402, %dma_start3A_411, %dma_start3A_412] : memref<2x1024x32xf32, #tpu.memory_space<vmem>> -> memref<1x1024x32xf32, #tpu.memory_space<vmem>>
    %dma_start3A_414 = tpu.memref_squeeze %dma_start3A_413 : memref<1x1024x32xf32, #tpu.memory_space<vmem>> -> memref<1024x32xf32, #tpu.memory_space<vmem>>
    tpu.enqueue_dma source(%dma_start3A_414 : memref<1024x32xf32, #tpu.memory_space<vmem>>) target(%dma_start3A_410 : memref<1024x32xf32, #tpu.memory_space<hbm>>) target_semaphore(%arg11 : memref<!tpu.dma_semaphore, #tpu.memory_space<semaphore_mem>>)
    %add3A_415 = arith.constant 7168 : i32
    %add3A_416 = arith.addi %mul3A_2, %add3A_415 : i32
    %run_scoped3A_417 = arith.constant 1 : i32
    "tpu.region"() ({
      %run_scoped3A_535 = tpu.sem_alloc : memref<!tpu.dma_semaphore, #tpu.memory_space<semaphore_mem>>
      %dma_start3A_536 = arith.constant 0 : i32
      %dma_start3A_537 = tpu.memref_slice %arg5[%run_scoped3A_417, %dma_start3A_536] : memref<2x3072xi32, #tpu.memory_space<vmem>> -> memref<1x1024xi32, #tpu.memory_space<vmem>>
      %dma_start3A_538 = tpu.memref_squeeze %dma_start3A_537 : memref<1x1024xi32, #tpu.memory_space<vmem>> -> memref<1024xi32, #tpu.memory_space<vmem>>
      %dma_start3A_539 = tpu.memref_slice %arg3[%add3A_416] : memref<786432xi32, #tpu.memory_space<hbm>> -> memref<1024xi32, #tpu.memory_space<hbm>>
      %dma_start3A_540 = arith.constant 0 : i32
      %dma_start3A_541 = tpu.memref_slice %arg5[%run_scoped3A_417, %dma_start3A_540] : memref<2x3072xi32, #tpu.memory_space<vmem>> -> memref<1x1024xi32, #tpu.memory_space<vmem>>
      %dma_start3A_542 = tpu.memref_squeeze %dma_start3A_541 : memref<1x1024xi32, #tpu.memory_space<vmem>> -> memref<1024xi32, #tpu.memory_space<vmem>>
      %dma_start3A_543 = tpu.memref_slice %arg3[%add3A_416] : memref<786432xi32, #tpu.memory_space<hbm>> -> memref<1024xi32, #tpu.memory_space<hbm>>
      tpu.enqueue_dma source(%dma_start3A_543 : memref<1024xi32, #tpu.memory_space<hbm>>) target(%dma_start3A_542 : memref<1024xi32, #tpu.memory_space<vmem>>) target_semaphore(%run_scoped3A_535 : memref<!tpu.dma_semaphore, #tpu.memory_space<semaphore_mem>>)
      %dma_wait3A_544 = arith.constant 0 : i32
      %dma_wait3A_545 = tpu.memref_slice %arg5[%run_scoped3A_417, %dma_wait3A_544] : memref<2x3072xi32, #tpu.memory_space<vmem>> -> memref<1x1024xi32, #tpu.memory_space<vmem>>
      %dma_wait3A_546 = tpu.memref_squeeze %dma_wait3A_545 : memref<1x1024xi32, #tpu.memory_space<vmem>> -> memref<1024xi32, #tpu.memory_space<vmem>>
      %dma_wait3A_547 = tpu.memref_slice %arg3[%add3A_416] : memref<786432xi32, #tpu.memory_space<hbm>> -> memref<1024xi32, #tpu.memory_space<hbm>>
      %dma_wait3A_548 = arith.constant 0 : i32
      %dma_wait3A_549 = tpu.memref_slice %arg5[%run_scoped3A_417, %dma_wait3A_548] : memref<2x3072xi32, #tpu.memory_space<vmem>> -> memref<1x1024xi32, #tpu.memory_space<vmem>>
      %dma_wait3A_550 = tpu.memref_squeeze %dma_wait3A_549 : memref<1x1024xi32, #tpu.memory_space<vmem>> -> memref<1024xi32, #tpu.memory_space<vmem>>
      %dma_wait3A_551 = tpu.memref_slice %arg3[%add3A_416] : memref<786432xi32, #tpu.memory_space<hbm>> -> memref<1024xi32, #tpu.memory_space<hbm>>
      tpu.wait_dma2 semaphore(%run_scoped3A_535 : memref<!tpu.dma_semaphore, #tpu.memory_space<semaphore_mem>>) src(%dma_wait3A_551 : memref<1024xi32, #tpu.memory_space<hbm>>) dst(%dma_wait3A_550 : memref<1024xi32, #tpu.memory_space<vmem>>)
      tpu.yield
    }) : () -> ()
    %add3A_418 = arith.constant 262144 : i32
    %add3A_419 = arith.addi %add3A_418, %add3A_416 : i32
    %run_scoped3A_420 = arith.constant 1 : i32
    "tpu.region"() ({
      %run_scoped3A_535 = tpu.sem_alloc : memref<!tpu.dma_semaphore, #tpu.memory_space<semaphore_mem>>
      %dma_start3A_536 = arith.constant 1024 : i32
      %dma_start3A_537 = tpu.memref_slice %arg5[%run_scoped3A_420, %dma_start3A_536] : memref<2x3072xi32, #tpu.memory_space<vmem>> -> memref<1x1024xi32, #tpu.memory_space<vmem>>
      %dma_start3A_538 = tpu.memref_squeeze %dma_start3A_537 : memref<1x1024xi32, #tpu.memory_space<vmem>> -> memref<1024xi32, #tpu.memory_space<vmem>>
      %dma_start3A_539 = tpu.memref_slice %arg3[%add3A_419] : memref<786432xi32, #tpu.memory_space<hbm>> -> memref<1024xi32, #tpu.memory_space<hbm>>
      %dma_start3A_540 = arith.constant 1024 : i32
      %dma_start3A_541 = tpu.memref_slice %arg5[%run_scoped3A_420, %dma_start3A_540] : memref<2x3072xi32, #tpu.memory_space<vmem>> -> memref<1x1024xi32, #tpu.memory_space<vmem>>
      %dma_start3A_542 = tpu.memref_squeeze %dma_start3A_541 : memref<1x1024xi32, #tpu.memory_space<vmem>> -> memref<1024xi32, #tpu.memory_space<vmem>>
      %dma_start3A_543 = tpu.memref_slice %arg3[%add3A_419] : memref<786432xi32, #tpu.memory_space<hbm>> -> memref<1024xi32, #tpu.memory_space<hbm>>
      tpu.enqueue_dma source(%dma_start3A_543 : memref<1024xi32, #tpu.memory_space<hbm>>) target(%dma_start3A_542 : memref<1024xi32, #tpu.memory_space<vmem>>) target_semaphore(%run_scoped3A_535 : memref<!tpu.dma_semaphore, #tpu.memory_space<semaphore_mem>>)
      %dma_wait3A_544 = arith.constant 1024 : i32
      %dma_wait3A_545 = tpu.memref_slice %arg5[%run_scoped3A_420, %dma_wait3A_544] : memref<2x3072xi32, #tpu.memory_space<vmem>> -> memref<1x1024xi32, #tpu.memory_space<vmem>>
      %dma_wait3A_546 = tpu.memref_squeeze %dma_wait3A_545 : memref<1x1024xi32, #tpu.memory_space<vmem>> -> memref<1024xi32, #tpu.memory_space<vmem>>
      %dma_wait3A_547 = tpu.memref_slice %arg3[%add3A_419] : memref<786432xi32, #tpu.memory_space<hbm>> -> memref<1024xi32, #tpu.memory_space<hbm>>
      %dma_wait3A_548 = arith.constant 1024 : i32
      %dma_wait3A_549 = tpu.memref_slice %arg5[%run_scoped3A_420, %dma_wait3A_548] : memref<2x3072xi32, #tpu.memory_space<vmem>> -> memref<1x1024xi32, #tpu.memory_space<vmem>>
      %dma_wait3A_550 = tpu.memref_squeeze %dma_wait3A_549 : memref<1x1024xi32, #tpu.memory_space<vmem>> -> memref<1024xi32, #tpu.memory_space<vmem>>
      %dma_wait3A_551 = tpu.memref_slice %arg3[%add3A_419] : memref<786432xi32, #tpu.memory_space<hbm>> -> memref<1024xi32, #tpu.memory_space<hbm>>
      tpu.wait_dma2 semaphore(%run_scoped3A_535 : memref<!tpu.dma_semaphore, #tpu.memory_space<semaphore_mem>>) src(%dma_wait3A_551 : memref<1024xi32, #tpu.memory_space<hbm>>) dst(%dma_wait3A_550 : memref<1024xi32, #tpu.memory_space<vmem>>)
      tpu.yield
    }) : () -> ()
    %add3A_421 = arith.constant 524288 : i32
    %add3A_422 = arith.addi %add3A_421, %add3A_416 : i32
    %run_scoped3A_423 = arith.constant 1 : i32
    "tpu.region"() ({
      %run_scoped3A_535 = tpu.sem_alloc : memref<!tpu.dma_semaphore, #tpu.memory_space<semaphore_mem>>
      %dma_start3A_536 = arith.constant 2048 : i32
      %dma_start3A_537 = tpu.memref_slice %arg5[%run_scoped3A_423, %dma_start3A_536] : memref<2x3072xi32, #tpu.memory_space<vmem>> -> memref<1x1024xi32, #tpu.memory_space<vmem>>
      %dma_start3A_538 = tpu.memref_squeeze %dma_start3A_537 : memref<1x1024xi32, #tpu.memory_space<vmem>> -> memref<1024xi32, #tpu.memory_space<vmem>>
      %dma_start3A_539 = tpu.memref_slice %arg3[%add3A_422] : memref<786432xi32, #tpu.memory_space<hbm>> -> memref<1024xi32, #tpu.memory_space<hbm>>
      %dma_start3A_540 = arith.constant 2048 : i32
      %dma_start3A_541 = tpu.memref_slice %arg5[%run_scoped3A_423, %dma_start3A_540] : memref<2x3072xi32, #tpu.memory_space<vmem>> -> memref<1x1024xi32, #tpu.memory_space<vmem>>
      %dma_start3A_542 = tpu.memref_squeeze %dma_start3A_541 : memref<1x1024xi32, #tpu.memory_space<vmem>> -> memref<1024xi32, #tpu.memory_space<vmem>>
      %dma_start3A_543 = tpu.memref_slice %arg3[%add3A_422] : memref<786432xi32, #tpu.memory_space<hbm>> -> memref<1024xi32, #tpu.memory_space<hbm>>
      tpu.enqueue_dma source(%dma_start3A_543 : memref<1024xi32, #tpu.memory_space<hbm>>) target(%dma_start3A_542 : memref<1024xi32, #tpu.memory_space<vmem>>) target_semaphore(%run_scoped3A_535 : memref<!tpu.dma_semaphore, #tpu.memory_space<semaphore_mem>>)
      %dma_wait3A_544 = arith.constant 2048 : i32
      %dma_wait3A_545 = tpu.memref_slice %arg5[%run_scoped3A_423, %dma_wait3A_544] : memref<2x3072xi32, #tpu.memory_space<vmem>> -> memref<1x1024xi32, #tpu.memory_space<vmem>>
      %dma_wait3A_546 = tpu.memref_squeeze %dma_wait3A_545 : memref<1x1024xi32, #tpu.memory_space<vmem>> -> memref<1024xi32, #tpu.memory_space<vmem>>
      %dma_wait3A_547 = tpu.memref_slice %arg3[%add3A_422] : memref<786432xi32, #tpu.memory_space<hbm>> -> memref<1024xi32, #tpu.memory_space<hbm>>
      %dma_wait3A_548 = arith.constant 2048 : i32
      %dma_wait3A_549 = tpu.memref_slice %arg5[%run_scoped3A_423, %dma_wait3A_548] : memref<2x3072xi32, #tpu.memory_space<vmem>> -> memref<1x1024xi32, #tpu.memory_space<vmem>>
      %dma_wait3A_550 = tpu.memref_squeeze %dma_wait3A_549 : memref<1x1024xi32, #tpu.memory_space<vmem>> -> memref<1024xi32, #tpu.memory_space<vmem>>
      %dma_wait3A_551 = tpu.memref_slice %arg3[%add3A_422] : memref<786432xi32, #tpu.memory_space<hbm>> -> memref<1024xi32, #tpu.memory_space<hbm>>
      tpu.wait_dma2 semaphore(%run_scoped3A_535 : memref<!tpu.dma_semaphore, #tpu.memory_space<semaphore_mem>>) src(%dma_wait3A_551 : memref<1024xi32, #tpu.memory_space<hbm>>) dst(%dma_wait3A_550 : memref<1024xi32, #tpu.memory_space<vmem>>)
      tpu.yield
    }) : () -> ()
    %scan3A_424 = arith.constant 0 : i32
    %scan3A_425 = arith.constant 0 : i32
    %scan3A_426 = arith.constant 64 : i32
    %scan3A_427 = arith.addi %scan3A_425, %scan3A_426 : i32
    %scan3A_428 = arith.constant 4 : i32
    scf.for %scan3A_535 = %scan3A_425 to %scan3A_427 step %scan3A_428  : i32 {
      %mul3A_536 = arith.constant 16 : i32
      %mul3A_537 = arith.muli %scan3A_535, %mul3A_536 : i32
      %mul3A_538 = arith.constant 16 : i32
      %mul3A_539 = arith.muli %scan3A_535, %mul3A_538 : i32
      %get3A = arith.constant 1 : i32
      %get3A_540 = arith.index_cast %get3A : i32 to index
      %get3A_541 = arith.index_cast %mul3A_539 : i32 to index
      %get3A_542 = tpu.vector_load %arg5[%get3A_540, %get3A_541] {strides = array<i32>} : memref<2x3072xi32, #tpu.memory_space<vmem>>, vector<16xi32>,
      %mul3A_543 = arith.constant 16 : i32
      %mul3A_544 = arith.muli %scan3A_535, %mul3A_543 : i32
      %add3A_545 = arith.constant 1024 : i32
      %add3A_546 = arith.addi %add3A_545, %mul3A_544 : i32
      %get3A_547 = arith.constant 1 : i32
      %get3A_548 = arith.index_cast %get3A_547 : i32 to index
      %get3A_549 = arith.index_cast %add3A_546 : i32 to index
      %get3A_550 = tpu.vector_load %arg5[%get3A_548, %get3A_549] {strides = array<i32>} : memref<2x3072xi32, #tpu.memory_space<vmem>>, vector<16xi32>,
      %mul3A_551 = arith.constant 16 : i32
      %mul3A_552 = arith.muli %scan3A_535, %mul3A_551 : i32
      %add3A_553 = arith.constant 2048 : i32
      %add3A_554 = arith.addi %add3A_553, %mul3A_552 : i32
      %get3A_555 = arith.constant 1 : i32
      %get3A_556 = arith.index_cast %get3A_555 : i32 to index
      %get3A_557 = arith.index_cast %add3A_554 : i32 to index
      %get3A_558 = tpu.vector_load %arg5[%get3A_556, %get3A_557] {strides = array<i32>} : memref<2x3072xi32, #tpu.memory_space<vmem>>, vector<16xi32>,
      %shift_left3A = arith.constant 6 : i32
      %shift_left3A_559 = vector.broadcast %shift_left3A : i32 to vector<16xi32>
      %shift_left3A_560 = arith.shli %get3A_542, %shift_left3A_559 : vector<16xi32>
      %add3A_561 = arith.addi %shift_left3A_560, %get3A_550 : vector<16xi32>
      %shift_right_arithmetic3A = arith.constant 2 : i32
      %shift_right_arithmetic3A_562 = vector.broadcast %shift_right_arithmetic3A : i32 to vector<16xi32>
      %shift_right_arithmetic3A_563 = arith.shrsi %add3A_561, %shift_right_arithmetic3A_562 : vector<16xi32>
      %shift_left3A_564 = arith.constant 8 : i32
      %shift_left3A_565 = vector.broadcast %shift_left3A_564 : i32 to vector<16xi32>
      %shift_left3A_566 = arith.shli %shift_right_arithmetic3A_563, %shift_left3A_565 : vector<16xi32>
      %shift_left3A_567 = arith.constant 2 : i32
      %shift_left3A_568 = vector.broadcast %shift_left3A_567 : i32 to vector<16xi32>
      %shift_left3A_569 = arith.shli %get3A_558, %shift_left3A_568 : vector<16xi32>
      %add3A_570 = arith.addi %shift_left3A_566, %shift_left3A_569 : vector<16xi32>
      %and3A = arith.constant 3 : i32
      %and3A_571 = vector.broadcast %and3A : i32 to vector<16xi32>
      %and3A_572 = arith.andi %add3A_561, %and3A_571 : vector<16xi32>
      %add3A_573 = arith.addi %add3A_570, %and3A_572 : vector<16xi32>
      %swap3A = arith.constant 1 : i32
      %swap3A_574 = arith.index_cast %swap3A : i32 to index
      %swap3A_575 = arith.index_cast %mul3A_537 : i32 to index
      %swap3A_576 = tpu.vector_load %arg6[%swap3A_574, %swap3A_575] {strides = array<i32>} : memref<2x1024xi32, #tpu.memory_space<vmem>>, vector<16xi32>,
      tpu.vector_store %arg6[%swap3A_574, %swap3A_575], %add3A_573 {strides = array<i32>} : memref<2x1024xi32, #tpu.memory_space<vmem>>, vector<16xi32>,
      %scan3A_577 = arith.constant 1 : i32
      %scan3A_578 = arith.addi %scan3A_535, %scan3A_577 : i32
      %mul3A_579 = arith.constant 16 : i32
      %mul3A_580 = arith.muli %scan3A_578, %mul3A_579 : i32
      %mul3A_581 = arith.constant 16 : i32
      %mul3A_582 = arith.muli %scan3A_578, %mul3A_581 : i32
      %get3A_583 = arith.constant 1 : i32
      %get3A_584 = arith.index_cast %get3A_583 : i32 to index
      %get3A_585 = arith.index_cast %mul3A_582 : i32 to index
      %get3A_586 = tpu.vector_load %arg5[%get3A_584, %get3A_585] {strides = array<i32>} : memref<2x3072xi32, #tpu.memory_space<vmem>>, vector<16xi32>,
      %mul3A_587 = arith.constant 16 : i32
      %mul3A_588 = arith.muli %scan3A_578, %mul3A_587 : i32
      %add3A_589 = arith.constant 1024 : i32
      %add3A_590 = arith.addi %add3A_589, %mul3A_588 : i32
      %get3A_591 = arith.constant 1 : i32
      %get3A_592 = arith.index_cast %get3A_591 : i32 to index
      %get3A_593 = arith.index_cast %add3A_590 : i32 to index
      %get3A_594 = tpu.vector_load %arg5[%get3A_592, %get3A_593] {strides = array<i32>} : memref<2x3072xi32, #tpu.memory_space<vmem>>, vector<16xi32>,
      %mul3A_595 = arith.constant 16 : i32
      %mul3A_596 = arith.muli %scan3A_578, %mul3A_595 : i32
      %add3A_597 = arith.constant 2048 : i32
      %add3A_598 = arith.addi %add3A_597, %mul3A_596 : i32
      %get3A_599 = arith.constant 1 : i32
      %get3A_600 = arith.index_cast %get3A_599 : i32 to index
      %get3A_601 = arith.index_cast %add3A_598 : i32 to index
      %get3A_602 = tpu.vector_load %arg5[%get3A_600, %get3A_601] {strides = array<i32>} : memref<2x3072xi32, #tpu.memory_space<vmem>>, vector<16xi32>,
      %shift_left3A_603 = arith.constant 6 : i32
      %shift_left3A_604 = vector.broadcast %shift_left3A_603 : i32 to vector<16xi32>
      %shift_left3A_605 = arith.shli %get3A_586, %shift_left3A_604 : vector<16xi32>
      %add3A_606 = arith.addi %shift_left3A_605, %get3A_594 : vector<16xi32>
      %shift_right_arithmetic3A_607 = arith.constant 2 : i32
      %shift_right_arithmetic3A_608 = vector.broadcast %shift_right_arithmetic3A_607 : i32 to vector<16xi32>
      %shift_right_arithmetic3A_609 = arith.shrsi %add3A_606, %shift_right_arithmetic3A_608 : vector<16xi32>
      %shift_left3A_610 = arith.constant 8 : i32
      %shift_left3A_611 = vector.broadcast %shift_left3A_610 : i32 to vector<16xi32>
      %shift_left3A_612 = arith.shli %shift_right_arithmetic3A_609, %shift_left3A_611 : vector<16xi32>
      %shift_left3A_613 = arith.constant 2 : i32
      %shift_left3A_614 = vector.broadcast %shift_left3A_613 : i32 to vector<16xi32>
      %shift_left3A_615 = arith.shli %get3A_602, %shift_left3A_614 : vector<16xi32>
      %add3A_616 = arith.addi %shift_left3A_612, %shift_left3A_615 : vector<16xi32>
      %and3A_617 = arith.constant 3 : i32
      %and3A_618 = vector.broadcast %and3A_617 : i32 to vector<16xi32>
      %and3A_619 = arith.andi %add3A_606, %and3A_618 : vector<16xi32>
      %add3A_620 = arith.addi %add3A_616, %and3A_619 : vector<16xi32>
      %swap3A_621 = arith.constant 1 : i32
      %swap3A_622 = arith.index_cast %swap3A_621 : i32 to index
      %swap3A_623 = arith.index_cast %mul3A_580 : i32 to index
      %swap3A_624 = tpu.vector_load %arg6[%swap3A_622, %swap3A_623] {strides = array<i32>} : memref<2x1024xi32, #tpu.memory_space<vmem>>, vector<16xi32>,
      tpu.vector_store %arg6[%swap3A_622, %swap3A_623], %add3A_620 {strides = array<i32>} : memref<2x1024xi32, #tpu.memory_space<vmem>>, vector<16xi32>,
      %scan3A_625 = arith.constant 2 : i32
      %scan3A_626 = arith.addi %scan3A_535, %scan3A_625 : i32
      %mul3A_627 = arith.constant 16 : i32
      %mul3A_628 = arith.muli %scan3A_626, %mul3A_627 : i32
      %mul3A_629 = arith.constant 16 : i32
      %mul3A_630 = arith.muli %scan3A_626, %mul3A_629 : i32
      %get3A_631 = arith.constant 1 : i32
      %get3A_632 = arith.index_cast %get3A_631 : i32 to index
      %get3A_633 = arith.index_cast %mul3A_630 : i32 to index
      %get3A_634 = tpu.vector_load %arg5[%get3A_632, %get3A_633] {strides = array<i32>} : memref<2x3072xi32, #tpu.memory_space<vmem>>, vector<16xi32>,
      %mul3A_635 = arith.constant 16 : i32
      %mul3A_636 = arith.muli %scan3A_626, %mul3A_635 : i32
      %add3A_637 = arith.constant 1024 : i32
      %add3A_638 = arith.addi %add3A_637, %mul3A_636 : i32
      %get3A_639 = arith.constant 1 : i32
      %get3A_640 = arith.index_cast %get3A_639 : i32 to index
      %get3A_641 = arith.index_cast %add3A_638 : i32 to index
      %get3A_642 = tpu.vector_load %arg5[%get3A_640, %get3A_641] {strides = array<i32>} : memref<2x3072xi32, #tpu.memory_space<vmem>>, vector<16xi32>,
      %mul3A_643 = arith.constant 16 : i32
      %mul3A_644 = arith.muli %scan3A_626, %mul3A_643 : i32
      %add3A_645 = arith.constant 2048 : i32
      %add3A_646 = arith.addi %add3A_645, %mul3A_644 : i32
      %get3A_647 = arith.constant 1 : i32
      %get3A_648 = arith.index_cast %get3A_647 : i32 to index
      %get3A_649 = arith.index_cast %add3A_646 : i32 to index
      %get3A_650 = tpu.vector_load %arg5[%get3A_648, %get3A_649] {strides = array<i32>} : memref<2x3072xi32, #tpu.memory_space<vmem>>, vector<16xi32>,
      %shift_left3A_651 = arith.constant 6 : i32
      %shift_left3A_652 = vector.broadcast %shift_left3A_651 : i32 to vector<16xi32>
      %shift_left3A_653 = arith.shli %get3A_634, %shift_left3A_652 : vector<16xi32>
      %add3A_654 = arith.addi %shift_left3A_653, %get3A_642 : vector<16xi32>
      %shift_right_arithmetic3A_655 = arith.constant 2 : i32
      %shift_right_arithmetic3A_656 = vector.broadcast %shift_right_arithmetic3A_655 : i32 to vector<16xi32>
      %shift_right_arithmetic3A_657 = arith.shrsi %add3A_654, %shift_right_arithmetic3A_656 : vector<16xi32>
      %shift_left3A_658 = arith.constant 8 : i32
      %shift_left3A_659 = vector.broadcast %shift_left3A_658 : i32 to vector<16xi32>
      %shift_left3A_660 = arith.shli %shift_right_arithmetic3A_657, %shift_left3A_659 : vector<16xi32>
      %shift_left3A_661 = arith.constant 2 : i32
      %shift_left3A_662 = vector.broadcast %shift_left3A_661 : i32 to vector<16xi32>
      %shift_left3A_663 = arith.shli %get3A_650, %shift_left3A_662 : vector<16xi32>
      %add3A_664 = arith.addi %shift_left3A_660, %shift_left3A_663 : vector<16xi32>
      %and3A_665 = arith.constant 3 : i32
      %and3A_666 = vector.broadcast %and3A_665 : i32 to vector<16xi32>
      %and3A_667 = arith.andi %add3A_654, %and3A_666 : vector<16xi32>
      %add3A_668 = arith.addi %add3A_664, %and3A_667 : vector<16xi32>
      %swap3A_669 = arith.constant 1 : i32
      %swap3A_670 = arith.index_cast %swap3A_669 : i32 to index
      %swap3A_671 = arith.index_cast %mul3A_628 : i32 to index
      %swap3A_672 = tpu.vector_load %arg6[%swap3A_670, %swap3A_671] {strides = array<i32>} : memref<2x1024xi32, #tpu.memory_space<vmem>>, vector<16xi32>,
      tpu.vector_store %arg6[%swap3A_670, %swap3A_671], %add3A_668 {strides = array<i32>} : memref<2x1024xi32, #tpu.memory_space<vmem>>, vector<16xi32>,
      %scan3A_673 = arith.constant 3 : i32
      %scan3A_674 = arith.addi %scan3A_535, %scan3A_673 : i32
      %mul3A_675 = arith.constant 16 : i32
      %mul3A_676 = arith.muli %scan3A_674, %mul3A_675 : i32
      %mul3A_677 = arith.constant 16 : i32
      %mul3A_678 = arith.muli %scan3A_674, %mul3A_677 : i32
      %get3A_679 = arith.constant 1 : i32
      %get3A_680 = arith.index_cast %get3A_679 : i32 to index
      %get3A_681 = arith.index_cast %mul3A_678 : i32 to index
      %get3A_682 = tpu.vector_load %arg5[%get3A_680, %get3A_681] {strides = array<i32>} : memref<2x3072xi32, #tpu.memory_space<vmem>>, vector<16xi32>,
      %mul3A_683 = arith.constant 16 : i32
      %mul3A_684 = arith.muli %scan3A_674, %mul3A_683 : i32
      %add3A_685 = arith.constant 1024 : i32
      %add3A_686 = arith.addi %add3A_685, %mul3A_684 : i32
      %get3A_687 = arith.constant 1 : i32
      %get3A_688 = arith.index_cast %get3A_687 : i32 to index
      %get3A_689 = arith.index_cast %add3A_686 : i32 to index
      %get3A_690 = tpu.vector_load %arg5[%get3A_688, %get3A_689] {strides = array<i32>} : memref<2x3072xi32, #tpu.memory_space<vmem>>, vector<16xi32>,
      %mul3A_691 = arith.constant 16 : i32
      %mul3A_692 = arith.muli %scan3A_674, %mul3A_691 : i32
      %add3A_693 = arith.constant 2048 : i32
      %add3A_694 = arith.addi %add3A_693, %mul3A_692 : i32
      %get3A_695 = arith.constant 1 : i32
      %get3A_696 = arith.index_cast %get3A_695 : i32 to index
      %get3A_697 = arith.index_cast %add3A_694 : i32 to index
      %get3A_698 = tpu.vector_load %arg5[%get3A_696, %get3A_697] {strides = array<i32>} : memref<2x3072xi32, #tpu.memory_space<vmem>>, vector<16xi32>,
      %shift_left3A_699 = arith.constant 6 : i32
      %shift_left3A_700 = vector.broadcast %shift_left3A_699 : i32 to vector<16xi32>
      %shift_left3A_701 = arith.shli %get3A_682, %shift_left3A_700 : vector<16xi32>
      %add3A_702 = arith.addi %shift_left3A_701, %get3A_690 : vector<16xi32>
      %shift_right_arithmetic3A_703 = arith.constant 2 : i32
      %shift_right_arithmetic3A_704 = vector.broadcast %shift_right_arithmetic3A_703 : i32 to vector<16xi32>
      %shift_right_arithmetic3A_705 = arith.shrsi %add3A_702, %shift_right_arithmetic3A_704 : vector<16xi32>
      %shift_left3A_706 = arith.constant 8 : i32
      %shift_left3A_707 = vector.broadcast %shift_left3A_706 : i32 to vector<16xi32>
      %shift_left3A_708 = arith.shli %shift_right_arithmetic3A_705, %shift_left3A_707 : vector<16xi32>
      %shift_left3A_709 = arith.constant 2 : i32
      %shift_left3A_710 = vector.broadcast %shift_left3A_709 : i32 to vector<16xi32>
      %shift_left3A_711 = arith.shli %get3A_698, %shift_left3A_710 : vector<16xi32>
      %add3A_712 = arith.addi %shift_left3A_708, %shift_left3A_711 : vector<16xi32>
      %and3A_713 = arith.constant 3 : i32
      %and3A_714 = vector.broadcast %and3A_713 : i32 to vector<16xi32>
      %and3A_715 = arith.andi %add3A_702, %and3A_714 : vector<16xi32>
      %add3A_716 = arith.addi %add3A_712, %and3A_715 : vector<16xi32>
      %swap3A_717 = arith.constant 1 : i32
      %swap3A_718 = arith.index_cast %swap3A_717 : i32 to index
      %swap3A_719 = arith.index_cast %mul3A_676 : i32 to index
      %swap3A_720 = tpu.vector_load %arg6[%swap3A_718, %swap3A_719] {strides = array<i32>} : memref<2x1024xi32, #tpu.memory_space<vmem>>, vector<16xi32>,
      tpu.vector_store %arg6[%swap3A_718, %swap3A_719], %add3A_716 {strides = array<i32>} : memref<2x1024xi32, #tpu.memory_space<vmem>>, vector<16xi32>,
    }
    %scan3A_429 = arith.constant 64 : i32
    %dma_wait3A_430 = arith.constant 1 : i32
    %dma_wait3A_431 = arith.constant 0 : i32
    %dma_wait3A_432 = arith.constant 0 : i32
    %dma_wait3A_433 = tpu.memref_slice %arg7[%dma_wait3A_430, %dma_wait3A_431, %dma_wait3A_432] : memref<2x1024x32xf32, #tpu.memory_space<vmem>> -> memref<1x1024x32xf32, #tpu.memory_space<vmem>>
    %dma_wait3A_434 = tpu.memref_squeeze %dma_wait3A_433 : memref<1x1024x32xf32, #tpu.memory_space<vmem>> -> memref<1024x32xf32, #tpu.memory_space<vmem>>
    %dma_wait3A_435 = arith.constant 0 : i32
    %dma_wait3A_436 = tpu.memref_slice %arg4[%add3A_401, %dma_wait3A_435] : memref<262144x32xf32, #tpu.memory_space<hbm>> -> memref<1024x32xf32, #tpu.memory_space<hbm>>
    %dma_wait3A_437 = arith.constant 0 : i32
    %dma_wait3A_438 = tpu.memref_slice %arg4[%add3A_401, %dma_wait3A_437] : memref<262144x32xf32, #tpu.memory_space<hbm>> -> memref<1024x32xf32, #tpu.memory_space<hbm>>
    %dma_wait3A_439 = arith.constant 0 : i32
    %dma_wait3A_440 = arith.constant 0 : i32
    %dma_wait3A_441 = tpu.memref_slice %arg7[%dma_wait3A_430, %dma_wait3A_439, %dma_wait3A_440] : memref<2x1024x32xf32, #tpu.memory_space<vmem>> -> memref<1x1024x32xf32, #tpu.memory_space<vmem>>
    %dma_wait3A_442 = tpu.memref_squeeze %dma_wait3A_441 : memref<1x1024x32xf32, #tpu.memory_space<vmem>> -> memref<1024x32xf32, #tpu.memory_space<vmem>>
    tpu.wait_dma2 semaphore(%arg11 : memref<!tpu.dma_semaphore, #tpu.memory_space<semaphore_mem>>) src(%dma_wait3A_442 : memref<1024x32xf32, #tpu.memory_space<vmem>>) dst(%dma_wait3A_438 : memref<1024x32xf32, #tpu.memory_space<hbm>>)
    %dma_wait3A_443 = arith.constant 0 : i32
    %dma_wait3A_444 = arith.constant 0 : i32
    %dma_wait3A_445 = arith.constant 0 : i32
    %dma_wait3A_446 = arith.constant 0 : i32
    %dma_wait3A_447 = tpu.memref_slice %arg7[%dma_wait3A_444, %dma_wait3A_445, %dma_wait3A_446] : memref<2x1024x32xf32, #tpu.memory_space<vmem>> -> memref<1x1024x32xf32, #tpu.memory_space<vmem>>
    %dma_wait3A_448 = tpu.memref_squeeze %dma_wait3A_447 : memref<1x1024x32xf32, #tpu.memory_space<vmem>> -> memref<1024x32xf32, #tpu.memory_space<vmem>>
    %dma_wait3A_449 = arith.constant 0 : i32
    %dma_wait3A_450 = tpu.memref_slice %arg6[%dma_wait3A_443, %dma_wait3A_449] : memref<2x1024xi32, #tpu.memory_space<vmem>> -> memref<1x1024xi32, #tpu.memory_space<vmem>>
    %dma_wait3A_451 = tpu.memref_squeeze %dma_wait3A_450 : memref<1x1024xi32, #tpu.memory_space<vmem>> -> memref<1024xi32, #tpu.memory_space<vmem>>
    %dma_wait3A_452 = arith.constant 0 : i32
    %dma_wait3A_453 = arith.constant 0 : i32
    %dma_wait3A_454 = tpu.memref_slice %arg2[%dma_wait3A_452, %dma_wait3A_453] : memref<262144x32xf32, #tpu.memory_space<hbm>> -> memref<262144x32xf32, #tpu.memory_space<hbm>>
    tpu.wait_indirect_dma semaphore(%arg8 : memref<!tpu.dma_semaphore, #tpu.memory_space<semaphore_mem>>) src(%dma_wait3A_454 : memref<262144x32xf32, #tpu.memory_space<hbm>>) dst(%dma_wait3A_448 : memref<1024x32xf32, #tpu.memory_space<vmem>>)
    %dma_start3A_455 = arith.constant 1 : i32
    %dma_start3A_456 = arith.constant 1 : i32
    %dma_start3A_457 = arith.constant 0 : i32
    %dma_start3A_458 = arith.constant 0 : i32
    %dma_start3A_459 = tpu.memref_slice %arg7[%dma_start3A_456, %dma_start3A_457, %dma_start3A_458] : memref<2x1024x32xf32, #tpu.memory_space<vmem>> -> memref<1x1024x32xf32, #tpu.memory_space<vmem>>
    %dma_start3A_460 = tpu.memref_squeeze %dma_start3A_459 : memref<1x1024x32xf32, #tpu.memory_space<vmem>> -> memref<1024x32xf32, #tpu.memory_space<vmem>>
    %dma_start3A_461 = arith.constant 0 : i32
    %dma_start3A_462 = tpu.memref_slice %arg6[%dma_start3A_455, %dma_start3A_461] : memref<2x1024xi32, #tpu.memory_space<vmem>> -> memref<1x1024xi32, #tpu.memory_space<vmem>>
    %dma_start3A_463 = tpu.memref_squeeze %dma_start3A_462 : memref<1x1024xi32, #tpu.memory_space<vmem>> -> memref<1024xi32, #tpu.memory_space<vmem>>
    %dma_start3A_464 = arith.constant 0 : i32
    %dma_start3A_465 = arith.constant 0 : i32
    %dma_start3A_466 = tpu.memref_slice %arg2[%dma_start3A_464, %dma_start3A_465] : memref<262144x32xf32, #tpu.memory_space<hbm>> -> memref<262144x32xf32, #tpu.memory_space<hbm>>
    tpu.enqueue_indirect_dma source(%dma_start3A_466 : memref<262144x32xf32, #tpu.memory_space<hbm>>) target(%dma_start3A_460 : memref<1024x32xf32, #tpu.memory_space<vmem>>) offsets(%dma_start3A_463 : memref<1024xi32, #tpu.memory_space<vmem>>) semaphore(%arg9 : memref<!tpu.dma_semaphore, #tpu.memory_space<semaphore_mem>>)
    %add3A_467 = arith.constant 6144 : i32
    %add3A_468 = arith.addi %mul3A_2, %add3A_467 : i32
    %dma_start3A_469 = arith.constant 0 : i32
    %dma_start3A_470 = arith.constant 0 : i32
    %dma_start3A_471 = arith.constant 0 : i32
    %dma_start3A_472 = tpu.memref_slice %arg7[%dma_start3A_469, %dma_start3A_470, %dma_start3A_471] : memref<2x1024x32xf32, #tpu.memory_space<vmem>> -> memref<1x1024x32xf32, #tpu.memory_space<vmem>>
    %dma_start3A_473 = tpu.memref_squeeze %dma_start3A_472 : memref<1x1024x32xf32, #tpu.memory_space<vmem>> -> memref<1024x32xf32, #tpu.memory_space<vmem>>
    %dma_start3A_474 = arith.constant 0 : i32
    %dma_start3A_475 = tpu.memref_slice %arg4[%add3A_468, %dma_start3A_474] : memref<262144x32xf32, #tpu.memory_space<hbm>> -> memref<1024x32xf32, #tpu.memory_space<hbm>>
    %dma_start3A_476 = arith.constant 0 : i32
    %dma_start3A_477 = tpu.memref_slice %arg4[%add3A_468, %dma_start3A_476] : memref<262144x32xf32, #tpu.memory_space<hbm>> -> memref<1024x32xf32, #tpu.memory_space<hbm>>
    %dma_start3A_478 = arith.constant 0 : i32
    %dma_start3A_479 = arith.constant 0 : i32
    %dma_start3A_480 = tpu.memref_slice %arg7[%dma_start3A_469, %dma_start3A_478, %dma_start3A_479] : memref<2x1024x32xf32, #tpu.memory_space<vmem>> -> memref<1x1024x32xf32, #tpu.memory_space<vmem>>
    %dma_start3A_481 = tpu.memref_squeeze %dma_start3A_480 : memref<1x1024x32xf32, #tpu.memory_space<vmem>> -> memref<1024x32xf32, #tpu.memory_space<vmem>>
    tpu.enqueue_dma source(%dma_start3A_481 : memref<1024x32xf32, #tpu.memory_space<vmem>>) target(%dma_start3A_477 : memref<1024x32xf32, #tpu.memory_space<hbm>>) target_semaphore(%arg10 : memref<!tpu.dma_semaphore, #tpu.memory_space<semaphore_mem>>)
    %dma_wait3A_482 = arith.constant 1 : i32
    %dma_wait3A_483 = arith.constant 1 : i32
    %dma_wait3A_484 = arith.constant 0 : i32
    %dma_wait3A_485 = arith.constant 0 : i32
    %dma_wait3A_486 = tpu.memref_slice %arg7[%dma_wait3A_483, %dma_wait3A_484, %dma_wait3A_485] : memref<2x1024x32xf32, #tpu.memory_space<vmem>> -> memref<1x1024x32xf32, #tpu.memory_space<vmem>>
    %dma_wait3A_487 = tpu.memref_squeeze %dma_wait3A_486 : memref<1x1024x32xf32, #tpu.memory_space<vmem>> -> memref<1024x32xf32, #tpu.memory_space<vmem>>
    %dma_wait3A_488 = arith.constant 0 : i32
    %dma_wait3A_489 = tpu.memref_slice %arg6[%dma_wait3A_482, %dma_wait3A_488] : memref<2x1024xi32, #tpu.memory_space<vmem>> -> memref<1x1024xi32, #tpu.memory_space<vmem>>
    %dma_wait3A_490 = tpu.memref_squeeze %dma_wait3A_489 : memref<1x1024xi32, #tpu.memory_space<vmem>> -> memref<1024xi32, #tpu.memory_space<vmem>>
    %dma_wait3A_491 = arith.constant 0 : i32
    %dma_wait3A_492 = arith.constant 0 : i32
    %dma_wait3A_493 = tpu.memref_slice %arg2[%dma_wait3A_491, %dma_wait3A_492] : memref<262144x32xf32, #tpu.memory_space<hbm>> -> memref<262144x32xf32, #tpu.memory_space<hbm>>
    tpu.wait_indirect_dma semaphore(%arg9 : memref<!tpu.dma_semaphore, #tpu.memory_space<semaphore_mem>>) src(%dma_wait3A_493 : memref<262144x32xf32, #tpu.memory_space<hbm>>) dst(%dma_wait3A_487 : memref<1024x32xf32, #tpu.memory_space<vmem>>)
    %add3A_494 = arith.constant 7168 : i32
    %add3A_495 = arith.addi %mul3A_2, %add3A_494 : i32
    %dma_start3A_496 = arith.constant 1 : i32
    %dma_start3A_497 = arith.constant 0 : i32
    %dma_start3A_498 = arith.constant 0 : i32
    %dma_start3A_499 = tpu.memref_slice %arg7[%dma_start3A_496, %dma_start3A_497, %dma_start3A_498] : memref<2x1024x32xf32, #tpu.memory_space<vmem>> -> memref<1x1024x32xf32, #tpu.memory_space<vmem>>
    %dma_start3A_500 = tpu.memref_squeeze %dma_start3A_499 : memref<1x1024x32xf32, #tpu.memory_space<vmem>> -> memref<1024x32xf32, #tpu.memory_space<vmem>>
    %dma_start3A_501 = arith.constant 0 : i32
    %dma_start3A_502 = tpu.memref_slice %arg4[%add3A_495, %dma_start3A_501] : memref<262144x32xf32, #tpu.memory_space<hbm>> -> memref<1024x32xf32, #tpu.memory_space<hbm>>
    %dma_start3A_503 = arith.constant 0 : i32
    %dma_start3A_504 = tpu.memref_slice %arg4[%add3A_495, %dma_start3A_503] : memref<262144x32xf32, #tpu.memory_space<hbm>> -> memref<1024x32xf32, #tpu.memory_space<hbm>>
    %dma_start3A_505 = arith.constant 0 : i32
    %dma_start3A_506 = arith.constant 0 : i32
    %dma_start3A_507 = tpu.memref_slice %arg7[%dma_start3A_496, %dma_start3A_505, %dma_start3A_506] : memref<2x1024x32xf32, #tpu.memory_space<vmem>> -> memref<1x1024x32xf32, #tpu.memory_space<vmem>>
    %dma_start3A_508 = tpu.memref_squeeze %dma_start3A_507 : memref<1x1024x32xf32, #tpu.memory_space<vmem>> -> memref<1024x32xf32, #tpu.memory_space<vmem>>
    tpu.enqueue_dma source(%dma_start3A_508 : memref<1024x32xf32, #tpu.memory_space<vmem>>) target(%dma_start3A_504 : memref<1024x32xf32, #tpu.memory_space<hbm>>) target_semaphore(%arg11 : memref<!tpu.dma_semaphore, #tpu.memory_space<semaphore_mem>>)
    %dma_wait3A_509 = arith.constant 0 : i32
    %dma_wait3A_510 = arith.constant 0 : i32
    %dma_wait3A_511 = arith.constant 0 : i32
    %dma_wait3A_512 = tpu.memref_slice %arg7[%dma_wait3A_509, %dma_wait3A_510, %dma_wait3A_511] : memref<2x1024x32xf32, #tpu.memory_space<vmem>> -> memref<1x1024x32xf32, #tpu.memory_space<vmem>>
    %dma_wait3A_513 = tpu.memref_squeeze %dma_wait3A_512 : memref<1x1024x32xf32, #tpu.memory_space<vmem>> -> memref<1024x32xf32, #tpu.memory_space<vmem>>
    %dma_wait3A_514 = arith.constant 0 : i32
    %dma_wait3A_515 = tpu.memref_slice %arg4[%add3A_468, %dma_wait3A_514] : memref<262144x32xf32, #tpu.memory_space<hbm>> -> memref<1024x32xf32, #tpu.memory_space<hbm>>
    %dma_wait3A_516 = arith.constant 0 : i32
    %dma_wait3A_517 = tpu.memref_slice %arg4[%add3A_468, %dma_wait3A_516] : memref<262144x32xf32, #tpu.memory_space<hbm>> -> memref<1024x32xf32, #tpu.memory_space<hbm>>
    %dma_wait3A_518 = arith.constant 0 : i32
    %dma_wait3A_519 = arith.constant 0 : i32
    %dma_wait3A_520 = tpu.memref_slice %arg7[%dma_wait3A_509, %dma_wait3A_518, %dma_wait3A_519] : memref<2x1024x32xf32, #tpu.memory_space<vmem>> -> memref<1x1024x32xf32, #tpu.memory_space<vmem>>
    %dma_wait3A_521 = tpu.memref_squeeze %dma_wait3A_520 : memref<1x1024x32xf32, #tpu.memory_space<vmem>> -> memref<1024x32xf32, #tpu.memory_space<vmem>>
    tpu.wait_dma2 semaphore(%arg10 : memref<!tpu.dma_semaphore, #tpu.memory_space<semaphore_mem>>) src(%dma_wait3A_521 : memref<1024x32xf32, #tpu.memory_space<vmem>>) dst(%dma_wait3A_517 : memref<1024x32xf32, #tpu.memory_space<hbm>>)
    %dma_wait3A_522 = arith.constant 1 : i32
    %dma_wait3A_523 = arith.constant 0 : i32
    %dma_wait3A_524 = arith.constant 0 : i32
    %dma_wait3A_525 = tpu.memref_slice %arg7[%dma_wait3A_522, %dma_wait3A_523, %dma_wait3A_524] : memref<2x1024x32xf32, #tpu.memory_space<vmem>> -> memref<1x1024x32xf32, #tpu.memory_space<vmem>>
    %dma_wait3A_526 = tpu.memref_squeeze %dma_wait3A_525 : memref<1x1024x32xf32, #tpu.memory_space<vmem>> -> memref<1024x32xf32, #tpu.memory_space<vmem>>
    %dma_wait3A_527 = arith.constant 0 : i32
    %dma_wait3A_528 = tpu.memref_slice %arg4[%add3A_495, %dma_wait3A_527] : memref<262144x32xf32, #tpu.memory_space<hbm>> -> memref<1024x32xf32, #tpu.memory_space<hbm>>
    %dma_wait3A_529 = arith.constant 0 : i32
    %dma_wait3A_530 = tpu.memref_slice %arg4[%add3A_495, %dma_wait3A_529] : memref<262144x32xf32, #tpu.memory_space<hbm>> -> memref<1024x32xf32, #tpu.memory_space<hbm>>
    %dma_wait3A_531 = arith.constant 0 : i32
    %dma_wait3A_532 = arith.constant 0 : i32
    %dma_wait3A_533 = tpu.memref_slice %arg7[%dma_wait3A_522, %dma_wait3A_531, %dma_wait3A_532] : memref<2x1024x32xf32, #tpu.memory_space<vmem>> -> memref<1x1024x32xf32, #tpu.memory_space<vmem>>
    %dma_wait3A_534 = tpu.memref_squeeze %dma_wait3A_533 : memref<1x1024x32xf32, #tpu.memory_space<vmem>> -> memref<1024x32xf32, #tpu.memory_space<vmem>>
    tpu.wait_dma2 semaphore(%arg11 : memref<!tpu.dma_semaphore, #tpu.memory_space<semaphore_mem>>) src(%dma_wait3A_534 : memref<1024x32xf32, #tpu.memory_space<vmem>>) dst(%dma_wait3A_530 : memref<1024x32xf32, #tpu.memory_space<hbm>>)
    return
  }
}

module attributes {stable_mosaic.version = 14 : i64} {
  func.func @_tc_detile_body(%arg0: i32, %arg1: memref<64x32x64xf32, #tpu.memory_space<vmem>>, %arg2: memref<16x64x128xf32, #tpu.memory_space<vmem>>) attributes {dimension_semantics = [#tpu.dimension_semantics<arbitrary>], iteration_bounds = array<i64: 64>, scalar_prefetch = 0 : i64, scratch_operands = 0 : i64, tpu.core_type = #tpu.core_type<tc>, window_params = [{transform_indices = @transform_0, window_bounds = array<i64: 64, 32, 64>}, {transform_indices = @transform_1, window_bounds = array<i64: 16, 64, 128>}]} {
    %get3A = arith.constant 0 : index
    %get3A_0 = arith.constant 0 : index
    %get3A_1 = arith.constant 0 : index
    %get3A_2 = vector.load %arg1[%get3A, %get3A_0, %get3A_1] : memref<64x32x64xf32, #tpu.memory_space<vmem>>, vector<64x32x64xf32>
    %reshape3A = vector.shape_cast %get3A_2 : vector<64x32x64xf32> to vector<16x128x64xf32>
    %transpose3A = tpu.transpose %reshape3A, [0, 2, 1] : vector<16x128x64xf32> -> vector<16x64x128xf32>
    %swap3A = arith.constant 0 : index
    %swap3A_3 = arith.constant 0 : index
    %swap3A_4 = arith.constant 0 : index
    %swap3A_5 = vector.load %arg2[%swap3A, %swap3A_3, %swap3A_4] : memref<16x64x128xf32, #tpu.memory_space<vmem>>, vector<16x64x128xf32>
    tpu.vector_store %arg2[%swap3A, %swap3A_3, %swap3A_4], %transpose3A {strides = array<i32>} : memref<16x64x128xf32, #tpu.memory_space<vmem>>, vector<16x64x128xf32>,
    return
  }
  func.func @transform_0(%arg0: i32) -> (i32, i32, i32) {
    %c0_i32 = arith.constant 0 : i32
    %c0_i32_0 = arith.constant 0 : i32
    %c0_i32_1 = arith.constant 0 : i32
    return %arg0, %c0_i32, %c0_i32_0 : i32, i32, i32
  }
  func.func @transform_1(%arg0: i32) -> (i32, i32, i32) {
    %c0_i32 = arith.constant 0 : i32
    %c0_i32_0 = arith.constant 0 : i32
    %c0_i32_1 = arith.constant 0 : i32
    return %arg0, %c0_i32, %c0_i32_0 : i32, i32, i32
  }
}

</mosaic_0001>

<sc_bundles>
// kernel: kernel.4.cloned.1.call-start
scs
__scs_entry_jumppad:
0x0: {  	(pc) =	sbr.rel $0x88, $3  }
0x1: {  	(tag) =	ssettag $0x0;
	lr =	simm.s32 $0x1  }
0x2: {  	[smem:$0x3F9F] =	sst lr;
	_ =	strace $0xD0000000  }
0x3: {  	_ = 	snop  }
0x4: {  	_ = 	snop  }
0x5: {  	_ = 	snop  }
0x6: {  	_ = 	snop  }
0x7: {  	_ = 	snop  }
__scs_overlays_trampoline_lowered:
0x8: {  	[smem:$0x3FAE] =	sst s0  }
0x9: {  	[smem:$0x3FAF] =	sst s1  }
0xa: {  	[smem:$0x3FB0] =	sst s2  }
0xb: {  	[smem:$0x3FB1] =	sst s3  }
0xc: {  	[smem:$0x3FB2] =	sst s4  }
0xd: {  	[smem:$0x3FB3] =	sst s5  }
0xe: {  	[smem:$0x3FB4] =	sst s6  }
0xf: {  	[smem:$0x3FB5] =	sst s7  }
0x10: {  	[smem:$0x3FB6] =	sst s8  }
0x11: {  	[smem:$0x3FB7] =	sst s9;
	s0 =	simm.s32 @!p0 $0x0  }
0x12: {  	s1 =	sld [smem:$0x3F9D];
	s0 =	simm.s32 @p0 $0x1  }
0x13: {  	[smem:$0x3FB8] =	sst s0;
	s0 =	simm.s32 @!p1 $0x0  }
0x14: {  	s2 =	sld [smem:$0x3F9C];
	s0 =	simm.s32 @p1 $0x1  }
0x15: {  	[smem:$0x3FB9] =	sst s0;
	s0 =	simm.s32 @!p2 $0x0  }
0x16: {  	s3 =	sld [smem:$0x3FDB];
	s0 =	simm.s32 @p2 $0x1  }
0x17: {  	s4 =	simm.s32 $0x1BF5;
	[smem:$0x3FBB] =	sst s0  }
0x18: {  	s0 =	sld [smem:$0x3F9E];
	_ =	swait.ge [sflag:s4], $0x0  }
0x19: {  	s7 =	sld [smem:$0x3F9F]  }
0x1a: {  	s8 =	sadd.s32 $0xFFFFE003, lr  }
0x1b: {  	s9 =	sadd.s32 $0xFFFFFEF7, lr;
	s5 =	simm.s32 $0xFFFFFFFF;
	p2 =	slt.u32 s8, $0xFFFFF086  }
0x1c: {  	p1 =	slt.u32 s9, $0xF7A;
	s5 =	simm.s32 @!p2 $0x0  }
0x1d: {  	s5 =	simm.s32 @p1 $0x1;
	p0 =	seq.s32 s7, s2  }
0x1e: {  	s7 =	smul.u32 @!p0 $0xF7A, s2;
	p2 =	seq.s32 @!p0 s5, $0x0  }
0x1f: {  	s9 =	smul.u32 $0xF7A, s1;
	s8 =	simm.s32 @!p0 $0x1BF5;
	p2 =	por !p2, p0  }
0x20: {  	[sflag:s8] =	ssyncset.s32 @!p0 $0xFFFFF086;
	s6 =	sadd.s32 @!p0 s3, s7;
	s7 =	simm.s32 @!p0 $0x108  }
0x21: {  	s3 =	sadd.s32 s3, s9;
	s6 =	sadd.s32 @!p0 $0x88, s6;
	s7 =	simm.s32 @p2 $0x1082  }
0x22: {  	[simem:s7], [sflag:s8] =	dma.local @!p0 [hbm:s6], $0xF7A  }
0x23: {  	s9 =	sor.u32 $0xD0000000, s2;
	s6 =	simm.s32 $0x108;
	_ =	swait.ge @!p0 [sflag:s8], $0x0  }
0x24: {  	s3 =	sadd.s32 $0x88, s3;
	s6 =	simm.s32 @!p1 $0x1082;
	[sflag:s4] =	ssyncset.s32 $0xFFFFF086  }
0x25: {  	[simem:s6], [sflag:s4] =	dma.local [hbm:s3], $0xF7A  }
0x26: {  	[smem:$0x3F9F] =	sst s1;
	(tag) =	ssettag s2;
	_ =	strace s9  }
0x27: {  	s1 =	sld [smem:$0x3FAF]  }
0x28: {  	s2 =	sld [smem:$0x3FB0]  }
0x29: {  	s4 =	sld [smem:$0x3FB2]  }
0x2a: {  	p0 =	seq.s32 s5, $0x0;
	s5 =	sld [smem:$0x3FB3]  }
0x2b: {  	s6 =	sld [smem:$0x3FB4]  }
0x2c: {  	s7 =	sld [smem:$0x3FB5]  }
0x2d: {  	s3 =	simm.s32 $0x108;
	s8 =	sld [smem:$0x3FB6]  }
0x2e: {  	s3 =	simm.s32 @!p0 $0x1082;
	s9 =	sld [smem:$0x3FB7]  }
0x2f: {  	lr =	sadd.s32 s0, s3;
	s0 =	sld [smem:$0x3FAE]  }
0x30: {  	s3 =	sld [smem:$0x3FB1]  }
0x31: {  	[smem:$0x3FBA] =	sst s10  }
0x32: {  	s10 =	sld [smem:$0x3FB8];
	_ =	sdelay $0x3  }
0x33: {  	p0 =	seq.s32 s10, $0x1;
	s10 =	sld [smem:$0x3FBA];
	_ =	sdelay $0x3  }
0x34: {  	[smem:$0x3FBA] =	sst s10  }
0x35: {  	s10 =	sld [smem:$0x3FB9];
	_ =	sdelay $0x3  }
0x36: {  	p1 =	seq.s32 s10, $0x1;
	s10 =	sld [smem:$0x3FBA];
	_ =	sdelay $0x3  }
0x37: {  	[smem:$0x3FBA] =	sst s10  }
0x38: {  	s10 =	sld [smem:$0x3FBB]  }
0x39: {  	_ = 	snop;
	(pc) =	sbr.ind lr, $3  }
0x3a: {  	_ = 	snop  }
0x3b: {  	_ = 	snop  }
0x3c: {  	p2 =	seq.s32 s10, $0x1;
	s10 =	sld [smem:$0x3FBA]  }
0x3d: {  	_ =	shalt  }
0x3e: {  	_ =	shalt  }
0x3f: {  	_ =	shalt  }
0x40: {  	_ =	shalt  }
0x41: {  	_ =	shalt  }
0x42: {  	_ =	shalt  }
0x43: {  	_ =	shalt  }
0x44: {  	_ =	shalt  }
0x45: {  	_ =	shalt  }
0x46: {  	_ =	shalt  }
0x47: {  	_ =	shalt  }
0x48: {  	_ =	shalt  }
0x49: {  	_ =	shalt  }
0x4a: {  	_ =	shalt  }
0x4b: {  	_ =	shalt  }
0x4c: {  	_ =	shalt  }
0x4d: {  	_ =	shalt  }
0x4e: {  	_ =	shalt  }
0x4f: {  	_ =	shalt  }
0x50: {  	_ =	shalt  }
0x51: {  	_ =	shalt  }
0x52: {  	_ =	shalt  }
0x53: {  	_ =	shalt  }
0x54: {  	_ =	shalt  }
0x55: {  	_ =	shalt  }
0x56: {  	_ =	shalt  }
0x57: {  	_ =	shalt  }
0x58: {  	_ =	shalt  }
0x59: {  	_ =	shalt  }
0x5a: {  	_ =	shalt  }
0x5b: {  	_ =	shalt  }
0x5c: {  	_ =	shalt  }
0x5d: {  	_ =	shalt  }
0x5e: {  	_ =	shalt  }
0x5f: {  	_ =	shalt  }
0x60: {  	_ =	shalt  }
0x61: {  	_ =	shalt  }
0x62: {  	_ =	shalt  }
0x63: {  	_ =	shalt  }
0x64: {  	_ =	shalt  }
0x65: {  	_ =	shalt  }
0x66: {  	_ =	shalt  }
0x67: {  	_ =	shalt  }
0x68: {  	_ =	shalt  }
0x69: {  	_ =	shalt  }
0x6a: {  	_ =	shalt  }
0x6b: {  	_ =	shalt  }
0x6c: {  	_ =	shalt  }
0x6d: {  	_ =	shalt  }
0x6e: {  	_ =	shalt  }
0x6f: {  	_ =	shalt  }
0x70: {  	_ =	shalt  }
0x71: {  	_ =	shalt  }
0x72: {  	_ =	shalt  }
0x73: {  	_ =	shalt  }
0x74: {  	_ =	shalt  }
0x75: {  	_ =	shalt  }
0x76: {  	_ =	shalt  }
0x77: {  	_ =	shalt  }
0x78: {  	_ =	shalt  }
0x79: {  	_ =	shalt  }
0x7a: {  	_ =	shalt  }
0x7b: {  	_ =	shalt  }
0x7c: {  	_ =	shalt  }
0x7d: {  	_ =	shalt  }
0x7e: {  	_ =	shalt  }
0x7f: {  	_ =	shalt  }
0x80: {  	_ =	shalt  }
0x81: {  	_ =	shalt  }
0x82: {  	_ =	shalt  }
0x83: {  	_ =	shalt  }
0x84: {  	_ =	shalt  }
0x85: {  	_ =	shalt  }
0x86: {  	_ =	shalt  }
0x87: {  	_ =	shalt  }
.Lfunc_end0:
.L_simem_size_0:
called_computation.1_lowered:
.L_overlay_start_0:
0x88: {  	s2 =	sld [smem:$0x3FD9]  }
0x89: {  	s3 =	sld [smem:$0x3FFE];
	_ =	sdelay $0x1  }
0x8a: {  	s1 =	srdreg.scid  }
0x8b: {  	s0 =	sand.u32 $0x1, s1  }
0x8c: {  	s17 =	sshll.u32 s0, $0xA;
	s2 =	sadd.s32 s3, s2  }
0x8d: {  	s2 =	sadd.s32 s2, s17  }
0x8e: {  	[smem:$0x3FC6] =	sst s2  }
0x8f: {  	_ = 	snop  }
0x90: {  	s2 =	sld [smem:$0x3FD0];
	(tm) =	ssettm $0x1  }
0x91: {  	s18 =	sld [smem:$0x3FFB];
	_ =	sdelay $0x3  }
0x92: {  	_ =	strace s18  }
0x93: {  	s3 =	sld [smem:$0x3FFC];
	_ =	sdelay $0x3  }
0x94: {  	_ =	strace s3  }
0x95: {  	s3 =	sld [smem:$0x3FFD];
	_ =	sdelay $0x3  }
0x96: {  	_ =	strace s3  }
0x97: {  	_ =	strace $0x8FFFFFFF  }
0x98: {  	s19 =	sld [smem:$0x3FDB];
	_ =	sdelay $0x1  }
0x99: {  	s4 =	simm.s32 $_scs_section_size  }
0x9a: {  	s5 =	simm.s32 $_size__tile_overlayer_lowered;
	s6 =	simm.s32 $_tile_overlayer_lowered  }
0x9b: {  	s22 =	simm.s32 $0x1BFF;
	s21 =	sshll.u32 s6, $0x1;
	s3 =	sadd.s32 s4, s19  }
0x9c: {  	s7 =	simm.s32 $0x0;
	s20 =	sshll.u32 s5, $0x1;
	s5 =	sadd.s32 s21, s3  }
0x9d: {  	[timem:s7], [sflag:s22] =	dma.local [hbm:s5], s20  }
0x9e: {  	_ =	swait.ge [sflag:s22], s20  }
0x9f: {  	s4 =	ssub.s32 $0x0, s20;
	[sflag:s22] =	ssyncset.done $0x0  }
0xa0: {  	[sflag:s22] =	ssyncadd.s32 s4;
	_ =	sdelay $0x1  }
0xa1: {  	s23 =	simm.s32 $0x1B8B  }
0xa2: {  	_ =	swait.ge [sflag:s23], $0x1  }
0xa3: {  	[sflag:s23] =	ssyncset.done $0x0  }
0xa4: {  	s25 =	simm.s32 $0x1B8E;
	s24 =	sld [smem:$0x3FFE];
	[sflag:s23] =	ssyncadd.s32 $0xFFFFFFFF  }
0xa5: {  	s26 =	simm.s32 $execute0_lowered;
	[smem:$0x3FD2] =	sst s25  }
0xa6: {  	s5 =	sshll.u32 s26, $0x1;
	_ =	strace $0x80000046;
	[dreg:$0x1] =	wrdreg $0xFFFFFFFF  }
0xa7: {  	s28 =	simm.s32 $_size_execute0_lowered;
	s3 =	sadd.s32 s3, s5;
	[dreg:$0x0] =	wrdreg $0x0  }
0xa8: {  	s5 =	sshll.u32 s28, $0x1;
	[dreg:$0x2] =	wrdreg s3  }
0xa9: {  	[dreg:$0x3] =	wrdreg s5  }
0xaa: {  	[dreg:$0x4] =	wrdreg $0xC0  }
0xab: {  	_ =	task [dreg:s7], $0x5FFFF  }
0xac: {  	[dreg:$0x1] =	wrdreg $0xFFFFFFFF  }
0xad: {  	[dreg:$0x0] =	wrdreg $0x60  }
0xae: {  	[dreg:$0x2] =	wrdreg s2  }
0xaf: {  	[dreg:$0x3] =	wrdreg s24  }
0xb0: {  	[dreg:$0x4] =	wrdreg $0x9  }
0xb1: {  	_ =	task.clear_ibuf [dreg:s7], $0x5FFFF;
	_ =	strace $0x90000046  }
0xb2: {  	s29 =	simm.s32 $0x9;
	_ =	strace $0x80000048  }
0xb3: {  	_ =	swait.ge [sflag:s29], $0x1  }
0xb4: {  	[sflag:s29] =	ssyncadd.s32 $0xFFFFFFFF  }
0xb5: {  	_ =	strace $0x90000048  }
0xb6: {  	_ =	sfence  }
0xb7: {  	s30 =	sld [smem:$0x0];
	_ =	sdelay $0x2  }
0xb8: {  	s31 =	sshll.u32 s1, $0xD;
	s1 =	sshrl.u32 s1, $0x2  }
0xb9: {  	s3 =	sand.u32 $0x4000, s31;
	s1 =	sadd.s32 s1, s30  }
0xba: {  	s0 =	sor.u32 s3, s0;
	s1 =	sshll.u32 s1, $0x11  }
0xbb: {  	s0 =	sor.u32 s1, s0  }
0xbc: {  	s0 =	sadd.s32 $0x8F2B, s0  }
0xbd: {  	[sflag:s0] =	ssyncadd.remote.s32 $0x1  }
0xbe: {  	_ =	sfence.sel $0xFFFF  }
0xbf: {  	[dreg:$0x0] =	wrdreg $0xFFFFFFFF;
	(pc) =	sbr.abs _section_cstart, $3  }
0xc0: {  	[dreg:$0x1] =	wrdreg $0xFFFFFFFF  }
0xc1: {  	_ =	task.clear_ibuf [dreg:s7], $0x2FFFF;
	_ =	strace $0x9FFFFFFF  }
0xc2: {  	(tm) =	ssettm $0x7FFFFFFF  }
0xc3: {  	_ =	shalt  }
tec
execute0_lowered:
.L_overlay_start_1:
0x0: {  	(tag) =	ssettag $0x1  }
0x1: {  	s1 =	rddreg [dreg:$0x0]  }
0x2: {  	s0 =	rddreg [dreg:$0x1]  }
0x3: {  	s2 =	srdreg.scid;
	s3 =	simm.s32 $0x0;
	s4 =	stileid.u32  }
0x4: {  	s2 =	sand.u32 $0x1, s2;
	[smem:$0x7FF] =	sst s3;
	s4 =	sshll.u32 s4, $0xE  }
0x5: {  	s6 =	sadd.s32 $0x800, s0;
	s0 =	sadd.s32 $0x18800, s0;
	s5 =	sshll.u32 s2, $0xD  }
0x6: {  	_ =	strace $0x80000047;
	s2 =	ssub.s32 $0x2, s2;
	s5 =	sor.u32 s5, s4  }
0x7: {  	s7 =	sshrl.u32 s2, $0x1;
	s4 =	sshrl.u32 s5, $0x3;
	s8 =	sor.u32 $0x400, s5  }
0x8: {  	s2 =	ssub.s32 s2, s7;
	s20 =	sor.u32 $0x800, s5;
	s21 =	sor.u32 $0xC00, s5  }
0x9: {  	s10 =	sor.u32 $0x1000, s5;
	s24 =	sor.u32 $0x1400, s5;
	s25 =	sor.u32 $0x1800, s5  }
0xa: {  	s26 =	sor.u32 $0x1C00, s5;
	s5 =	sshll.u32 s5, $0x2;
	s4 =	sadd.s32 s6, s4  }
0xb: {  	s18 =	sshrl.u32 s8, $0x3;
	s11 =	sshrl.u32 s20, $0x3;
	s12 =	sshrl.u32 s21, $0x3  }
0xc: {  	s13 =	sshrl.u32 s10, $0x3;
	s14 =	sshrl.u32 s24, $0x3;
	s5 =	sadd.s32 s0, s5  }
0xd: {  	s15 =	sshrl.u32 s25, $0x3;
	s17 =	sadd.s32 $0x8000, s4;
	[dreg:$0xe] =	wrdreg s5  }
0xe: {  	s16 =	sshrl.u32 s26, $0x3;
	s9 =	sadd.s32 $0x10000, s4;
	[dreg:$0x3] =	wrdreg s17  }
0xf: {  	s7 =	sadd.s32 s6, s18;
	s19 =	sadd.s32 $0x8080, s4;
	[dreg:$0x4] =	wrdreg s9  }
0x10: {  	s11 =	sadd.s32 s6, s11;
	s22 =	sadd.s32 s6, s12;
	[dreg:$0x5] =	wrdreg s7  }
0x11: {  	s23 =	sadd.s32 s6, s13;
	s14 =	sadd.s32 s6, s14;
	[dreg:$0x6] =	wrdreg s19  }
0x12: {  	s28 =	sadd.s32 s6, s15;
	s6 =	sadd.s32 s6, s16;
	[dreg:$0x7] =	wrdreg s11  }
0x13: {  	s15 =	sshll.u32 s8, $0x2;
	s18 =	sshll.u32 s21, $0x2;
	[dreg:$0x8] =	wrdreg s22  }
0x14: {  	s21 =	sshll.u32 s24, $0x2;
	s24 =	sadd.s32 $0x8100, s4;
	[dreg:$0x9] =	wrdreg s23  }
0x15: {  	s29 =	sadd.s32 $0x10180, s4;
	s30 =	sadd.s32 $0x8200, s4;
	[dreg:$0xa] =	wrdreg s14  }
0x16: {  	s31 =	sadd.s32 $0x10200, s4;
	s8 =	sadd.s32 $0x10380, s4;
	[dreg:$0xb] =	wrdreg s28  }
0x17: {  	s12 =	simm.s32 $0x1800;
	s13 =	simm.s32 $0x2000;
	[dreg:$0xc] =	wrdreg s6  }
0x18: {  	s14 =	sadd.s32 $0x10080, s4;
	s16 =	sadd.s32 s0, s15;
	s17 =	sshll.u32 s20, $0x2  }
0x19: {  	s19 =	sshll.u32 s10, $0x2;
	s22 =	sshll.u32 s25, $0x2;
	s23 =	sshll.u32 s26, $0x2  }
0x1a: {  	[dreg:$0x16] =	wrdreg s24;
	s25 =	smax.u32 s2, $0x1;
	s26 =	sadd.s32 $0x10100, s4  }
0x1b: {  	s28 =	sadd.s32 $0x8180, s4;
	s2 =	sadd.s32 $0x10280, s4;
	[dreg:$0xd] =	wrdreg s14  }
0x1c: {  	s6 =	sadd.s32 $0x10300, s4;
	s7 =	sadd.s32 $0x8380, s4;
	[dreg:$0xf] =	wrdreg s16  }
0x1d: {  	s9 =	simm.s32 $0x5;
	s10 =	simm.s32 $0x400;
	[dreg:$0x17] =	wrdreg s25  }
0x1e: {  	s11 =	simm.s32 $0x800;
	s15 =	simm.s32 $0x1000;
	[dreg:$0x18] =	wrdreg s26  }
0x1f: {  	s5 =	sadd.s32 s0, s17;
	s20 =	sadd.s32 s0, s19;
	[dreg:$0x19] =	wrdreg s28  }
0x20: {  	s14 =	simm.s32 $0xC00;
	s16 =	simm.s32 $0x1400;
	s17 =	simm.s32 $0x1  }
0x21: {  	s19 =	simm.s32 $0xA000;
	[dreg:$0x10] =	wrdreg s5;
	s5 =	sadd.s32 s0, s18  }
0x22: {  	[dreg:$0x12] =	wrdreg s20;
	s18 =	simm.s32 $0x1C00;
	s20 =	simm.s32 $0x3  }
0x23: {  	[dreg:$0x11] =	wrdreg s5;
	s5 =	sadd.s32 s0, s21;
	s21 =	simm.s32 $0x2  }
0x24: {  	[dreg:$0x13] =	wrdreg s5;
	s5 =	sadd.s32 s0, s22;
	s0 =	sadd.s32 s0, s23  }
0x25: {  	s22 =	simm.s32 $0x4;
	s23 =	simm.s32 $0x0;
	[dreg:$0x14] =	wrdreg s5  }
0x26: {  	[dreg:$0x15] =	wrdreg s0;
	s0 =	sadd.s32 $0x8280, s4;
	s5 =	sadd.s32 $0x8300, s4  }
.LBB2_1:
0x27: {  	[tilespmem:s3], [sflag:$0x5] =	stream.linear.gather [hbm4b:s4+s3], $0x400, $0x38;
	[tilespmem:$0x12000] =	vst v63  }
0x28: {  	_ =	swait.ge [sflag:s9], $0x400  }
0x29: {  	[sflag:s9] =	ssyncset.done $0x0  }
0x2a: {  	s24 =	rddreg [dreg:$0x3];
	[sflag:s9] =	ssyncadd.s32 $0xFFFFFC00  }
0x2b: {  	[tilespmem:s10], [sflag:$0x5] =	stream.linear.gather [hbm4b:s24+s3], $0x400, $0x38;
	[tilespmem:$0x12000] =	vst v63  }
0x2c: {  	_ =	swait.ge [sflag:s9], $0x400  }
0x2d: {  	[sflag:s9] =	ssyncset.done $0x0  }
0x2e: {  	s26 =	rddreg [dreg:$0x4];
	[sflag:s9] =	ssyncadd.s32 $0xFFFFFC00  }
0x2f: {  	[tilespmem:s11], [sflag:$0x5] =	stream.linear.gather [hbm4b:s26+s3], $0x400, $0x38;
	[tilespmem:$0x12000] =	vst v63  }
0x30: {  	_ =	swait.ge [sflag:s9], $0x400  }
0x31: {  	[sflag:s9] =	ssyncset.done $0x0  }
0x32: {  	s24 =	simm.s32 $0x420;
	[sflag:s9] =	ssyncadd.s32 $0xFFFFFC00  }
0x33: {  	v0 =	vld [tilespmem:s24+$0xFFFFFFE0]  }
0x34: {  	v1 =	vld [tilespmem:s24+$0xFFFFFBE0];
	_ =	sdelay $0x1  }
0x35: {  	v2 =	vld [tilespmem:s24+$0x3E0];
	_ =	sdelay $0x2  }
0x36: {  	v1 =	vshll.u32 v1, $0xC;
	v3 =	vshll.u32 v0, $0x6  }
0x37: {  	v1 =	vadd.s32 v1, v3  }
0x38: {  	v2 =	vshll.u32 v2, $0x2;
	v1 =	vand.u32 $0xFFFFFF00, v1  }
0x39: {  	v0 =	vand.u32 $0x3, v0;
	v1 =	vadd.s32 v2, v1  }
0x3a: {  	s25 =	simm.s32 $0x1820;
	v0 =	vor.u32 v0, v1  }
0x3b: {  	[tilespmem:s25+$0xFFFFFFE0] =	vst v0  }
0x3c: {  	v0 =	vld [tilespmem:s24+$0xFFFFFBF0]  }
0x3d: {  	v1 =	vld [tilespmem:s24+$0xFFFFFFF0];
	_ =	sdelay $0x1  }
0x3e: {  	v2 =	vld [tilespmem:s24+$0x3F0];
	_ =	sdelay $0x2  }
0x3f: {  	v0 =	vshll.u32 v0, $0xC;
	v3 =	vshll.u32 v1, $0x6  }
0x40: {  	v0 =	vadd.s32 v0, v3  }
0x41: {  	v2 =	vshll.u32 v2, $0x2;
	v0 =	vand.u32 $0xFFFFFF00, v0  }
0x42: {  	v1 =	vand.u32 $0x3, v1;
	v0 =	vadd.s32 v2, v0  }
0x43: {  	v0 =	vor.u32 v1, v0  }
0x44: {  	[tilespmem:s25+$0xFFFFFFF0] =	vst v0  }
0x45: {  	v0 =	vld [tilespmem:s24+$0xFFFFFC00]  }
0x46: {  	v1 =	vld [tilespmem:s24+$0x0];
	_ =	sdelay $0x1  }
0x47: {  	v2 =	vld [tilespmem:s24+$0x400];
	_ =	sdelay $0x2  }
0x48: {  	v0 =	vshll.u32 v0, $0xC;
	v3 =	vshll.u32 v1, $0x6  }
0x49: {  	v0 =	vadd.s32 v0, v3  }
0x4a: {  	v2 =	vshll.u32 v2, $0x2;
	v0 =	vand.u32 $0xFFFFFF00, v0  }
0x4b: {  	v1 =	vand.u32 $0x3, v1;
	v0 =	vadd.s32 v2, v0  }
0x4c: {  	v0 =	vor.u32 v1, v0  }
0x4d: {  	[tilespmem:s25+$0x0] =	vst v0  }
0x4e: {  	v2 =	vld [tilespmem:s24+$0xFFFFFC10]  }
0x4f: {  	v0 =	vld [tilespmem:s24+$0x10]  }
0x50: {  	v1 =	vld [tilespmem:s24+$0x410];
	_ =	sdelay $0x2  }
0x51: {  	s28 =	simm.s32 $0x0;
	s26 =	simm.s32 $0x1820;
	v2 =	vshll.u32 v2, $0xC  }
.LBB2_2:
0x52: {  	s28 =	sadd.s32 $0x4, s28;
	v3 =	vshll.u32 v0, $0x6;
	s24 =	sadd.s32 $0x40, s24;
	s25 =	sadd.s32 $0x40, s25  }
0x53: {  	p0 =	slt.u32 s28, $0x3C;
	v2 =	vadd.s32 v2, v3;
	v1 =	vshll.u32 v1, $0x2  }
0x54: {  	v0 =	vand.u32 $0x3, v0;
	v2 =	vand.u32 $0xFFFFFF00, v2  }
0x55: {  	v1 =	vadd.s32 v1, v2  }
0x56: {  	v0 =	vor.u32 v0, v1  }
0x57: {  	[tilespmem:s26+$0x10] =	vst v0;
	s26 =	smov.u32 s25  }
0x58: {  	v0 =	vld [tilespmem:s24+$0xFFFFFFE0]  }
0x59: {  	v1 =	vld [tilespmem:s24+$0xFFFFFBE0]  }
0x5a: {  	v2 =	vld [tilespmem:s24+$0x3E0];
	_ =	sdelay $0x3  }
0x5b: {  	v3 =	vshll.u32 v0, $0x6;
	v1 =	vshll.u32 v1, $0xC  }
0x5c: {  	v1 =	vadd.s32 v1, v3  }
0x5d: {  	v2 =	vshll.u32 v2, $0x2;
	v1 =	vand.u32 $0xFFFFFF00, v1  }
0x5e: {  	v0 =	vand.u32 $0x3, v0;
	v1 =	vadd.s32 v2, v1  }
0x5f: {  	v0 =	vor.u32 v0, v1  }
0x60: {  	[tilespmem:s25+$0xFFFFFFE0] =	vst v0  }
0x61: {  	v0 =	vld [tilespmem:s24+$0xFFFFFBF0]  }
0x62: {  	v1 =	vld [tilespmem:s24+$0xFFFFFFF0];
	_ =	sdelay $0x1  }
0x63: {  	v2 =	vld [tilespmem:s24+$0x3F0];
	_ =	sdelay $0x2  }
0x64: {  	v0 =	vshll.u32 v0, $0xC;
	v3 =	vshll.u32 v1, $0x6  }
0x65: {  	v0 =	vadd.s32 v0, v3  }
0x66: {  	v0 =	vand.u32 $0xFFFFFF00, v0;
	v2 =	vshll.u32 v2, $0x2  }
0x67: {  	v1 =	vand.u32 $0x3, v1;
	v0 =	vadd.s32 v2, v0  }
0x68: {  	v0 =	vor.u32 v1, v0  }
0x69: {  	[tilespmem:s25+$0xFFFFFFF0] =	vst v0  }
0x6a: {  	v0 =	vld [tilespmem:s24+$0xFFFFFC00]  }
0x6b: {  	v1 =	vld [tilespmem:s24+$0x0];
	_ =	sdelay $0x1  }
0x6c: {  	v2 =	vld [tilespmem:s24+$0x400];
	_ =	sdelay $0x1  }
0x6d: {  	v0 =	vshll.u32 v0, $0xC  }
0x6e: {  	v3 =	vshll.u32 v1, $0x6  }
0x6f: {  	v0 =	vadd.s32 v0, v3  }
0x70: {  	v0 =	vand.u32 $0xFFFFFF00, v0;
	v2 =	vshll.u32 v2, $0x2  }
0x71: {  	v1 =	vand.u32 $0x3, v1;
	v0 =	vadd.s32 v2, v0  }
0x72: {  	v0 =	vor.u32 v1, v0  }
0x73: {  	[tilespmem:s25+$0x0] =	vst v0  }
0x74: {  	v2 =	vld [tilespmem:s24+$0xFFFFFC10]  }
.Ltmp0:
0x75: {  	v0 =	vld [tilespmem:s24+$0x10];
	(pc) =	sbr.rel @p0 .LBB2_2-.Ltmp0, $2  }
0x76: {  	v1 =	vld [tilespmem:s24+$0x410];
	_ =	sdelay $0x2  }
0x77: {  	v2 =	vshll.u32 v2, $0xC  }
0x78: {  	v3 =	vshll.u32 v0, $0x6  }
0x79: {  	v2 =	vadd.s32 v2, v3  }
0x7a: {  	v1 =	vshll.u32 v1, $0x2;
	v2 =	vand.u32 $0xFFFFFF00, v2  }
0x7b: {  	v0 =	vand.u32 $0x3, v0;
	v1 =	vadd.s32 v1, v2  }
0x7c: {  	v0 =	vor.u32 v0, v1  }
0x7d: {  	[tilespmem:s26+$0x10] =	vst v0  }
0x7e: {  	[tilespmem:s13], [sflag:$0x1] =	stream.indirect.gather [hbm4b:s1+s10], $0x20, s12, s10, $0xb8;
	[tilespmem:$0x12000] =	vst v63  }
0x7f: {  	s24 =	rddreg [dreg:$0x5]  }
0x80: {  	[tilespmem:s14], [sflag:$0x5] =	stream.linear.gather [hbm4b:s24+s3], $0x400, $0x38;
	[tilespmem:$0x12000] =	vst v63  }
0x81: {  	_ =	swait.ge [sflag:s9], $0x400  }
0x82: {  	[sflag:s9] =	ssyncset.done $0x0  }
0x83: {  	s25 =	rddreg [dreg:$0x6];
	[sflag:s9] =	ssyncadd.s32 $0xFFFFFC00  }
0x84: {  	[tilespmem:s15], [sflag:$0x5] =	stream.linear.gather [hbm4b:s25+s3], $0x400, $0x38;
	[tilespmem:$0x12000] =	vst v63  }
0x85: {  	_ =	swait.ge [sflag:s9], $0x400  }
0x86: {  	[sflag:s9] =	ssyncset.done $0x0  }
0x87: {  	s26 =	rddreg [dreg:$0xd];
	[sflag:s9] =	ssyncadd.s32 $0xFFFFFC00  }
0x88: {  	[tilespmem:s16], [sflag:$0x5] =	stream.linear.gather [hbm4b:s26+s3], $0x400, $0x38;
	[tilespmem:$0x12000] =	vst v63  }
0x89: {  	_ =	swait.ge [sflag:s9], $0x400  }
0x8a: {  	[sflag:s9] =	ssyncset.done $0x0  }
0x8b: {  	s24 =	simm.s32 $0x1430;
	[sflag:s9] =	ssyncadd.s32 $0xFFFFFC00  }
0x8c: {  	v0 =	vld [tilespmem:s24+$0xFFFFFBD0]  }
0x8d: {  	v1 =	vld [tilespmem:s24+$0xFFFFF7D0];
	_ =	sdelay $0x1  }
0x8e: {  	v2 =	vld [tilespmem:s24+$0xFFFFFFD0];
	_ =	sdelay $0x2  }
0x8f: {  	v1 =	vshll.u32 v1, $0xC;
	v3 =	vshll.u32 v0, $0x6  }
0x90: {  	v1 =	vadd.s32 v1, v3  }
0x91: {  	v2 =	vshll.u32 v2, $0x2;
	v1 =	vand.u32 $0xFFFFFF00, v1  }
0x92: {  	v0 =	vand.u32 $0x3, v0;
	v1 =	vadd.s32 v2, v1  }
0x93: {  	s25 =	simm.s32 $0x1C30;
	v0 =	vor.u32 v0, v1  }
0x94: {  	[tilespmem:s25+$0xFFFFFFD0] =	vst v0  }
0x95: {  	v0 =	vld [tilespmem:s24+$0xFFFFF7E0]  }
0x96: {  	v1 =	vld [tilespmem:s24+$0xFFFFFBE0];
	_ =	sdelay $0x1  }
0x97: {  	v2 =	vld [tilespmem:s24+$0xFFFFFFE0];
	_ =	sdelay $0x2  }
0x98: {  	v0 =	vshll.u32 v0, $0xC;
	v3 =	vshll.u32 v1, $0x6  }
0x99: {  	v0 =	vadd.s32 v0, v3  }
0x9a: {  	v2 =	vshll.u32 v2, $0x2;
	v0 =	vand.u32 $0xFFFFFF00, v0  }
0x9b: {  	v1 =	vand.u32 $0x3, v1;
	v0 =	vadd.s32 v2, v0  }
0x9c: {  	v0 =	vor.u32 v1, v0  }
0x9d: {  	[tilespmem:s25+$0xFFFFFFE0] =	vst v0  }
0x9e: {  	v0 =	vld [tilespmem:s24+$0xFFFFF7F0]  }
0x9f: {  	v1 =	vld [tilespmem:s24+$0xFFFFFBF0];
	_ =	sdelay $0x1  }
0xa0: {  	v2 =	vld [tilespmem:s24+$0xFFFFFFF0];
	_ =	sdelay $0x2  }
0xa1: {  	v0 =	vshll.u32 v0, $0xC;
	v3 =	vshll.u32 v1, $0x6  }
0xa2: {  	v0 =	vadd.s32 v0, v3  }
0xa3: {  	v2 =	vshll.u32 v2, $0x2;
	v0 =	vand.u32 $0xFFFFFF00, v0  }
0xa4: {  	v1 =	vand.u32 $0x3, v1;
	v0 =	vadd.s32 v2, v0  }
0xa5: {  	v0 =	vor.u32 v1, v0  }
0xa6: {  	[tilespmem:s25+$0xFFFFFFF0] =	vst v0  }
0xa7: {  	v2 =	vld [tilespmem:s24+$0xFFFFF800]  }
0xa8: {  	v0 =	vld [tilespmem:s24+$0xFFFFFC00]  }
0xa9: {  	v1 =	vld [tilespmem:s24+$0x0];
	_ =	sdelay $0x2  }
0xaa: {  	s28 =	simm.s32 $0x0;
	s26 =	simm.s32 $0x1C30;
	v2 =	vshll.u32 v2, $0xC  }
.LBB2_4:
0xab: {  	s28 =	sadd.s32 $0x4, s28;
	v3 =	vshll.u32 v0, $0x6;
	s24 =	sadd.s32 $0x40, s24;
	s25 =	sadd.s32 $0x40, s25  }
0xac: {  	p0 =	slt.u32 s28, $0x3C;
	v2 =	vadd.s32 v2, v3;
	v1 =	vshll.u32 v1, $0x2  }
0xad: {  	v0 =	vand.u32 $0x3, v0;
	v2 =	vand.u32 $0xFFFFFF00, v2  }
0xae: {  	v1 =	vadd.s32 v1, v2  }
0xaf: {  	v0 =	vor.u32 v0, v1  }
0xb0: {  	[tilespmem:s26+$0x0] =	vst v0;
	s26 =	smov.u32 s25  }
0xb1: {  	v0 =	vld [tilespmem:s24+$0xFFFFFBD0]  }
0xb2: {  	v1 =	vld [tilespmem:s24+$0xFFFFF7D0]  }
0xb3: {  	v2 =	vld [tilespmem:s24+$0xFFFFFFD0];
	_ =	sdelay $0x3  }
0xb4: {  	v3 =	vshll.u32 v0, $0x6;
	v1 =	vshll.u32 v1, $0xC  }
0xb5: {  	v1 =	vadd.s32 v1, v3  }
0xb6: {  	v2 =	vshll.u32 v2, $0x2;
	v1 =	vand.u32 $0xFFFFFF00, v1  }
0xb7: {  	v0 =	vand.u32 $0x3, v0;
	v1 =	vadd.s32 v2, v1  }
0xb8: {  	v0 =	vor.u32 v0, v1  }
0xb9: {  	[tilespmem:s25+$0xFFFFFFD0] =	vst v0  }
0xba: {  	v0 =	vld [tilespmem:s24+$0xFFFFF7E0]  }
0xbb: {  	v1 =	vld [tilespmem:s24+$0xFFFFFBE0];
	_ =	sdelay $0x1  }
0xbc: {  	v2 =	vld [tilespmem:s24+$0xFFFFFFE0];
	_ =	sdelay $0x2  }
0xbd: {  	v0 =	vshll.u32 v0, $0xC;
	v3 =	vshll.u32 v1, $0x6  }
0xbe: {  	v0 =	vadd.s32 v0, v3  }
0xbf: {  	v0 =	vand.u32 $0xFFFFFF00, v0;
	v2 =	vshll.u32 v2, $0x2  }
0xc0: {  	v1 =	vand.u32 $0x3, v1;
	v0 =	vadd.s32 v2, v0  }
0xc1: {  	v0 =	vor.u32 v1, v0  }
0xc2: {  	[tilespmem:s25+$0xFFFFFFE0] =	vst v0  }
0xc3: {  	v0 =	vld [tilespmem:s24+$0xFFFFF7F0]  }
0xc4: {  	v1 =	vld [tilespmem:s24+$0xFFFFFBF0];
	_ =	sdelay $0x1  }
0xc5: {  	v2 =	vld [tilespmem:s24+$0xFFFFFFF0];
	_ =	sdelay $0x1  }
0xc6: {  	v0 =	vshll.u32 v0, $0xC  }
0xc7: {  	v3 =	vshll.u32 v1, $0x6  }
0xc8: {  	v0 =	vadd.s32 v0, v3  }
0xc9: {  	v0 =	vand.u32 $0xFFFFFF00, v0;
	v2 =	vshll.u32 v2, $0x2  }
0xca: {  	v1 =	vand.u32 $0x3, v1;
	v0 =	vadd.s32 v2, v0  }
0xcb: {  	v0 =	vor.u32 v1, v0  }
0xcc: {  	[tilespmem:s25+$0xFFFFFFF0] =	vst v0  }
0xcd: {  	v2 =	vld [tilespmem:s24+$0xFFFFF800]  }
.Ltmp1:
0xce: {  	v0 =	vld [tilespmem:s24+$0xFFFFFC00];
	(pc) =	sbr.rel @p0 .LBB2_4-.Ltmp1, $2  }
0xcf: {  	v1 =	vld [tilespmem:s24+$0x0];
	_ =	sdelay $0x2  }
0xd0: {  	v2 =	vshll.u32 v2, $0xC  }
0xd1: {  	v3 =	vshll.u32 v0, $0x6  }
0xd2: {  	v2 =	vadd.s32 v2, v3  }
0xd3: {  	v1 =	vshll.u32 v1, $0x2;
	v2 =	vand.u32 $0xFFFFFF00, v2  }
0xd4: {  	v0 =	vand.u32 $0x3, v0;
	v1 =	vadd.s32 v1, v2  }
0xd5: {  	v0 =	vor.u32 v0, v1  }
0xd6: {  	[tilespmem:s26+$0x0] =	vst v0  }
0xd7: {  	_ =	swait.ge [sflag:s17], $0x8000  }
0xd8: {  	[sflag:s17] =	ssyncset.done $0x0  }
0xd9: {  	[sflag:s17] =	ssyncadd.s32 $0xFFFF8000  }
0xda: {  	[tilespmem:s19], [sflag:$0x2] =	stream.indirect.gather [hbm4b:s1+s10], $0x20, s18, s10, $0xb8;
	[tilespmem:$0x12000] =	vst v63  }
0xdb: {  	s24 =	rddreg [dreg:$0xe]  }
0xdc: {  	[hbm4b:s24+s3] =	stream.linear.scatter [tilespmem:s13], [sflag:$0x3], $0x8000, $0x38;
	[tilespmem:$0x12000] =	vst v63  }
0xdd: {  	s26 =	rddreg [dreg:$0x7]  }
0xde: {  	[tilespmem:s3], [sflag:$0x5] =	stream.linear.gather [hbm4b:s26+s3], $0x400, $0x38;
	[tilespmem:$0x12000] =	vst v63  }
0xdf: {  	_ =	swait.ge [sflag:s9], $0x400  }
0xe0: {  	[sflag:s9] =	ssyncset.done $0x0  }
0xe1: {  	s25 =	rddreg [dreg:$0x16];
	[sflag:s9] =	ssyncadd.s32 $0xFFFFFC00  }
0xe2: {  	[tilespmem:s10], [sflag:$0x5] =	stream.linear.gather [hbm4b:s25+s3], $0x400, $0x38;
	[tilespmem:$0x12000] =	vst v63  }
0xe3: {  	_ =	swait.ge [sflag:s9], $0x400  }
0xe4: {  	[sflag:s9] =	ssyncset.done $0x0  }
0xe5: {  	s26 =	rddreg [dreg:$0x18];
	[sflag:s9] =	ssyncadd.s32 $0xFFFFFC00  }
0xe6: {  	[tilespmem:s11], [sflag:$0x5] =	stream.linear.gather [hbm4b:s26+s3], $0x400, $0x38;
	[tilespmem:$0x12000] =	vst v63  }
0xe7: {  	_ =	swait.ge [sflag:s9], $0x400  }
0xe8: {  	[sflag:s9] =	ssyncset.done $0x0  }
0xe9: {  	s24 =	simm.s32 $0x420;
	[sflag:s9] =	ssyncadd.s32 $0xFFFFFC00  }
0xea: {  	v0 =	vld [tilespmem:s24+$0xFFFFFFE0]  }
0xeb: {  	v1 =	vld [tilespmem:s24+$0xFFFFFBE0];
	_ =	sdelay $0x1  }
0xec: {  	v2 =	vld [tilespmem:s24+$0x3E0];
	_ =	sdelay $0x2  }
0xed: {  	v1 =	vshll.u32 v1, $0xC;
	v3 =	vshll.u32 v0, $0x6  }
0xee: {  	v1 =	vadd.s32 v1, v3  }
0xef: {  	v2 =	vshll.u32 v2, $0x2;
	v1 =	vand.u32 $0xFFFFFF00, v1  }
0xf0: {  	v0 =	vand.u32 $0x3, v0;
	v1 =	vadd.s32 v2, v1  }
0xf1: {  	s25 =	simm.s32 $0x1820;
	v0 =	vor.u32 v0, v1  }
0xf2: {  	[tilespmem:s25+$0xFFFFFFE0] =	vst v0  }
0xf3: {  	v0 =	vld [tilespmem:s24+$0xFFFFFBF0]  }
0xf4: {  	v1 =	vld [tilespmem:s24+$0xFFFFFFF0];
	_ =	sdelay $0x1  }
0xf5: {  	v2 =	vld [tilespmem:s24+$0x3F0];
	_ =	sdelay $0x2  }
0xf6: {  	v0 =	vshll.u32 v0, $0xC;
	v3 =	vshll.u32 v1, $0x6  }
0xf7: {  	v0 =	vadd.s32 v0, v3  }
0xf8: {  	v2 =	vshll.u32 v2, $0x2;
	v0 =	vand.u32 $0xFFFFFF00, v0  }
0xf9: {  	v1 =	vand.u32 $0x3, v1;
	v0 =	vadd.s32 v2, v0  }
0xfa: {  	v0 =	vor.u32 v1, v0  }
0xfb: {  	[tilespmem:s25+$0xFFFFFFF0] =	vst v0  }
0xfc: {  	v0 =	vld [tilespmem:s24+$0xFFFFFC00]  }
0xfd: {  	v1 =	vld [tilespmem:s24+$0x0];
	_ =	sdelay $0x1  }
0xfe: {  	v2 =	vld [tilespmem:s24+$0x400];
	_ =	sdelay $0x2  }
0xff: {  	v0 =	vshll.u32 v0, $0xC;
	v3 =	vshll.u32 v1, $0x6  }
0x100: {  	v0 =	vadd.s32 v0, v3  }
0x101: {  	v2 =	vshll.u32 v2, $0x2;
	v0 =	vand.u32 $0xFFFFFF00, v0  }
0x102: {  	v1 =	vand.u32 $0x3, v1;
	v0 =	vadd.s32 v2, v0  }
0x103: {  	v0 =	vor.u32 v1, v0  }
0x104: {  	[tilespmem:s25+$0x0] =	vst v0  }
0x105: {  	v2 =	vld [tilespmem:s24+$0xFFFFFC10]  }
0x106: {  	v0 =	vld [tilespmem:s24+$0x10]  }
0x107: {  	v1 =	vld [tilespmem:s24+$0x410];
	_ =	sdelay $0x2  }
0x108: {  	s28 =	simm.s32 $0x0;
	s26 =	simm.s32 $0x1820;
	v2 =	vshll.u32 v2, $0xC  }
.LBB2_6:
0x109: {  	s28 =	sadd.s32 $0x4, s28;
	v3 =	vshll.u32 v0, $0x6;
	s24 =	sadd.s32 $0x40, s24;
	s25 =	sadd.s32 $0x40, s25  }
0x10a: {  	p0 =	slt.u32 s28, $0x3C;
	v2 =	vadd.s32 v2, v3;
	v1 =	vshll.u32 v1, $0x2  }
0x10b: {  	v0 =	vand.u32 $0x3, v0;
	v2 =	vand.u32 $0xFFFFFF00, v2  }
0x10c: {  	v1 =	vadd.s32 v1, v2  }
0x10d: {  	v0 =	vor.u32 v0, v1  }
0x10e: {  	[tilespmem:s26+$0x10] =	vst v0;
	s26 =	smov.u32 s25  }
0x10f: {  	v0 =	vld [tilespmem:s24+$0xFFFFFFE0]  }
0x110: {  	v1 =	vld [tilespmem:s24+$0xFFFFFBE0]  }
0x111: {  	v2 =	vld [tilespmem:s24+$0x3E0];
	_ =	sdelay $0x3  }
0x112: {  	v3 =	vshll.u32 v0, $0x6;
	v1 =	vshll.u32 v1, $0xC  }
0x113: {  	v1 =	vadd.s32 v1, v3  }
0x114: {  	v2 =	vshll.u32 v2, $0x2;
	v1 =	vand.u32 $0xFFFFFF00, v1  }
0x115: {  	v0 =	vand.u32 $0x3, v0;
	v1 =	vadd.s32 v2, v1  }
0x116: {  	v0 =	vor.u32 v0, v1  }
0x117: {  	[tilespmem:s25+$0xFFFFFFE0] =	vst v0  }
0x118: {  	v0 =	vld [tilespmem:s24+$0xFFFFFBF0]  }
0x119: {  	v1 =	vld [tilespmem:s24+$0xFFFFFFF0];
	_ =	sdelay $0x1  }
0x11a: {  	v2 =	vld [tilespmem:s24+$0x3F0];
	_ =	sdelay $0x2  }
0x11b: {  	v0 =	vshll.u32 v0, $0xC;
	v3 =	vshll.u32 v1, $0x6  }
0x11c: {  	v0 =	vadd.s32 v0, v3  }
0x11d: {  	v0 =	vand.u32 $0xFFFFFF00, v0;
	v2 =	vshll.u32 v2, $0x2  }
0x11e: {  	v1 =	vand.u32 $0x3, v1;
	v0 =	vadd.s32 v2, v0  }
0x11f: {  	v0 =	vor.u32 v1, v0  }
0x120: {  	[tilespmem:s25+$0xFFFFFFF0] =	vst v0  }
0x121: {  	v0 =	vld [tilespmem:s24+$0xFFFFFC00]  }
0x122: {  	v1 =	vld [tilespmem:s24+$0x0];
	_ =	sdelay $0x1  }
0x123: {  	v2 =	vld [tilespmem:s24+$0x400];
	_ =	sdelay $0x1  }
0x124: {  	v0 =	vshll.u32 v0, $0xC  }
0x125: {  	v3 =	vshll.u32 v1, $0x6  }
0x126: {  	v0 =	vadd.s32 v0, v3  }
0x127: {  	v0 =	vand.u32 $0xFFFFFF00, v0;
	v2 =	vshll.u32 v2, $0x2  }
0x128: {  	v1 =	vand.u32 $0x3, v1;
	v0 =	vadd.s32 v2, v0  }
0x129: {  	v0 =	vor.u32 v1, v0  }
0x12a: {  	[tilespmem:s25+$0x0] =	vst v0  }
0x12b: {  	v2 =	vld [tilespmem:s24+$0xFFFFFC10]  }
.Ltmp2:
0x12c: {  	v0 =	vld [tilespmem:s24+$0x10];
	(pc) =	sbr.rel @p0 .LBB2_6-.Ltmp2, $2  }
0x12d: {  	v1 =	vld [tilespmem:s24+$0x410];
	_ =	sdelay $0x2  }
0x12e: {  	v2 =	vshll.u32 v2, $0xC  }
0x12f: {  	v3 =	vshll.u32 v0, $0x6  }
0x130: {  	v2 =	vadd.s32 v2, v3  }
0x131: {  	v1 =	vshll.u32 v1, $0x2;
	v2 =	vand.u32 $0xFFFFFF00, v2  }
0x132: {  	v0 =	vand.u32 $0x3, v0;
	v1 =	vadd.s32 v1, v2  }
0x133: {  	v0 =	vor.u32 v0, v1  }
0x134: {  	[tilespmem:s26+$0x10] =	vst v0  }
0x135: {  	_ =	swait.ge [sflag:s20], $0x8000  }
0x136: {  	[sflag:s20] =	ssyncset.done $0x0  }
0x137: {  	[sflag:s20] =	ssyncadd.s32 $0xFFFF8000  }
0x138: {  	_ =	swait.ge [sflag:s21], $0x8000  }
0x139: {  	[sflag:s21] =	ssyncset.done $0x0  }
0x13a: {  	[sflag:s21] =	ssyncadd.s32 $0xFFFF8000  }
0x13b: {  	[tilespmem:s13], [sflag:$0x1] =	stream.indirect.gather [hbm4b:s1+s10], $0x20, s12, s10, $0xb8;
	[tilespmem:$0x12000] =	vst v63  }
0x13c: {  	s24 =	rddreg [dreg:$0xf]  }
0x13d: {  	[hbm4b:s24+s3] =	stream.linear.scatter [tilespmem:s19], [sflag:$0x4], $0x8000, $0x38;
	[tilespmem:$0x12000] =	vst v63  }
0x13e: {  	s25 =	rddreg [dreg:$0x8]  }
0x13f: {  	[tilespmem:s14], [sflag:$0x5] =	stream.linear.gather [hbm4b:s25+s3], $0x400, $0x38;
	[tilespmem:$0x12000] =	vst v63  }
0x140: {  	_ =	swait.ge [sflag:s9], $0x400  }
0x141: {  	[sflag:s9] =	ssyncset.done $0x0  }
0x142: {  	s26 =	rddreg [dreg:$0x19];
	[sflag:s9] =	ssyncadd.s32 $0xFFFFFC00  }
0x143: {  	[tilespmem:s15], [sflag:$0x5] =	stream.linear.gather [hbm4b:s26+s3], $0x400, $0x38;
	[tilespmem:$0x12000] =	vst v63  }
0x144: {  	_ =	swait.ge [sflag:s9], $0x400  }
0x145: {  	[sflag:s9] =	ssyncset.done $0x0  }
0x146: {  	[sflag:s9] =	ssyncadd.s32 $0xFFFFFC00  }
0x147: {  	[tilespmem:s16], [sflag:$0x5] =	stream.linear.gather [hbm4b:s29+s3], $0x400, $0x38;
	[tilespmem:$0x12000] =	vst v63  }
0x148: {  	_ =	swait.ge [sflag:s9], $0x400  }
0x149: {  	[sflag:s9] =	ssyncset.done $0x0  }
0x14a: {  	s24 =	simm.s32 $0x1430;
	[sflag:s9] =	ssyncadd.s32 $0xFFFFFC00  }
0x14b: {  	v0 =	vld [tilespmem:s24+$0xFFFFFBD0]  }
0x14c: {  	v1 =	vld [tilespmem:s24+$0xFFFFF7D0];
	_ =	sdelay $0x1  }
0x14d: {  	v2 =	vld [tilespmem:s24+$0xFFFFFFD0];
	_ =	sdelay $0x2  }
0x14e: {  	v1 =	vshll.u32 v1, $0xC;
	v3 =	vshll.u32 v0, $0x6  }
0x14f: {  	v1 =	vadd.s32 v1, v3  }
0x150: {  	v2 =	vshll.u32 v2, $0x2;
	v1 =	vand.u32 $0xFFFFFF00, v1  }
0x151: {  	v0 =	vand.u32 $0x3, v0;
	v1 =	vadd.s32 v2, v1  }
0x152: {  	s25 =	simm.s32 $0x1C30;
	v0 =	vor.u32 v0, v1  }
0x153: {  	[tilespmem:s25+$0xFFFFFFD0] =	vst v0  }
0x154: {  	v0 =	vld [tilespmem:s24+$0xFFFFF7E0]  }
0x155: {  	v1 =	vld [tilespmem:s24+$0xFFFFFBE0];
	_ =	sdelay $0x1  }
0x156: {  	v2 =	vld [tilespmem:s24+$0xFFFFFFE0];
	_ =	sdelay $0x2  }
0x157: {  	v0 =	vshll.u32 v0, $0xC;
	v3 =	vshll.u32 v1, $0x6  }
0x158: {  	v0 =	vadd.s32 v0, v3  }
0x159: {  	v2 =	vshll.u32 v2, $0x2;
	v0 =	vand.u32 $0xFFFFFF00, v0  }
0x15a: {  	v1 =	vand.u32 $0x3, v1;
	v0 =	vadd.s32 v2, v0  }
0x15b: {  	v0 =	vor.u32 v1, v0  }
0x15c: {  	[tilespmem:s25+$0xFFFFFFE0] =	vst v0  }
0x15d: {  	v0 =	vld [tilespmem:s24+$0xFFFFF7F0]  }
0x15e: {  	v1 =	vld [tilespmem:s24+$0xFFFFFBF0];
	_ =	sdelay $0x1  }
0x15f: {  	v2 =	vld [tilespmem:s24+$0xFFFFFFF0];
	_ =	sdelay $0x2  }
0x160: {  	v0 =	vshll.u32 v0, $0xC;
	v3 =	vshll.u32 v1, $0x6  }
0x161: {  	v0 =	vadd.s32 v0, v3  }
0x162: {  	v2 =	vshll.u32 v2, $0x2;
	v0 =	vand.u32 $0xFFFFFF00, v0  }
0x163: {  	v1 =	vand.u32 $0x3, v1;
	v0 =	vadd.s32 v2, v0  }
0x164: {  	v0 =	vor.u32 v1, v0  }
0x165: {  	[tilespmem:s25+$0xFFFFFFF0] =	vst v0  }
0x166: {  	v2 =	vld [tilespmem:s24+$0xFFFFF800]  }
0x167: {  	v0 =	vld [tilespmem:s24+$0xFFFFFC00]  }
0x168: {  	v1 =	vld [tilespmem:s24+$0x0];
	_ =	sdelay $0x2  }
0x169: {  	s28 =	simm.s32 $0x0;
	s26 =	simm.s32 $0x1C30;
	v2 =	vshll.u32 v2, $0xC  }
.LBB2_8:
0x16a: {  	s28 =	sadd.s32 $0x4, s28;
	v3 =	vshll.u32 v0, $0x6;
	s24 =	sadd.s32 $0x40, s24;
	s25 =	sadd.s32 $0x40, s25  }
0x16b: {  	p0 =	slt.u32 s28, $0x3C;
	v2 =	vadd.s32 v2, v3;
	v1 =	vshll.u32 v1, $0x2  }
0x16c: {  	v0 =	vand.u32 $0x3, v0;
	v2 =	vand.u32 $0xFFFFFF00, v2  }
0x16d: {  	v1 =	vadd.s32 v1, v2  }
0x16e: {  	v0 =	vor.u32 v0, v1  }
0x16f: {  	[tilespmem:s26+$0x0] =	vst v0;
	s26 =	smov.u32 s25  }
0x170: {  	v0 =	vld [tilespmem:s24+$0xFFFFFBD0]  }
0x171: {  	v1 =	vld [tilespmem:s24+$0xFFFFF7D0]  }
0x172: {  	v2 =	vld [tilespmem:s24+$0xFFFFFFD0];
	_ =	sdelay $0x3  }
0x173: {  	v3 =	vshll.u32 v0, $0x6;
	v1 =	vshll.u32 v1, $0xC  }
0x174: {  	v1 =	vadd.s32 v1, v3  }
0x175: {  	v2 =	vshll.u32 v2, $0x2;
	v1 =	vand.u32 $0xFFFFFF00, v1  }
0x176: {  	v0 =	vand.u32 $0x3, v0;
	v1 =	vadd.s32 v2, v1  }
0x177: {  	v0 =	vor.u32 v0, v1  }
0x178: {  	[tilespmem:s25+$0xFFFFFFD0] =	vst v0  }
0x179: {  	v0 =	vld [tilespmem:s24+$0xFFFFF7E0]  }
0x17a: {  	v1 =	vld [tilespmem:s24+$0xFFFFFBE0];
	_ =	sdelay $0x1  }
0x17b: {  	v2 =	vld [tilespmem:s24+$0xFFFFFFE0];
	_ =	sdelay $0x2  }
0x17c: {  	v0 =	vshll.u32 v0, $0xC;
	v3 =	vshll.u32 v1, $0x6  }
0x17d: {  	v0 =	vadd.s32 v0, v3  }
0x17e: {  	v0 =	vand.u32 $0xFFFFFF00, v0;
	v2 =	vshll.u32 v2, $0x2  }
0x17f: {  	v1 =	vand.u32 $0x3, v1;
	v0 =	vadd.s32 v2, v0  }
0x180: {  	v0 =	vor.u32 v1, v0  }
0x181: {  	[tilespmem:s25+$0xFFFFFFE0] =	vst v0  }
0x182: {  	v0 =	vld [tilespmem:s24+$0xFFFFF7F0]  }
0x183: {  	v1 =	vld [tilespmem:s24+$0xFFFFFBF0];
	_ =	sdelay $0x1  }
0x184: {  	v2 =	vld [tilespmem:s24+$0xFFFFFFF0];
	_ =	sdelay $0x1  }
0x185: {  	v0 =	vshll.u32 v0, $0xC  }
0x186: {  	v3 =	vshll.u32 v1, $0x6  }
0x187: {  	v0 =	vadd.s32 v0, v3  }
0x188: {  	v0 =	vand.u32 $0xFFFFFF00, v0;
	v2 =	vshll.u32 v2, $0x2  }
0x189: {  	v1 =	vand.u32 $0x3, v1;
	v0 =	vadd.s32 v2, v0  }
0x18a: {  	v0 =	vor.u32 v1, v0  }
0x18b: {  	[tilespmem:s25+$0xFFFFFFF0] =	vst v0  }
0x18c: {  	v2 =	vld [tilespmem:s24+$0xFFFFF800]  }
.Ltmp3:
0x18d: {  	v0 =	vld [tilespmem:s24+$0xFFFFFC00];
	(pc) =	sbr.rel @p0 .LBB2_8-.Ltmp3, $2  }
0x18e: {  	v1 =	vld [tilespmem:s24+$0x0];
	_ =	sdelay $0x2  }
0x18f: {  	v2 =	vshll.u32 v2, $0xC  }
0x190: {  	v3 =	vshll.u32 v0, $0x6  }
0x191: {  	v2 =	vadd.s32 v2, v3  }
0x192: {  	v1 =	vshll.u32 v1, $0x2;
	v2 =	vand.u32 $0xFFFFFF00, v2  }
0x193: {  	v0 =	vand.u32 $0x3, v0;
	v1 =	vadd.s32 v1, v2  }
0x194: {  	v0 =	vor.u32 v0, v1  }
0x195: {  	[tilespmem:s26+$0x0] =	vst v0  }
0x196: {  	_ =	swait.ge [sflag:s22], $0x8000  }
0x197: {  	[sflag:s22] =	ssyncset.done $0x0  }
0x198: {  	[sflag:s22] =	ssyncadd.s32 $0xFFFF8000  }
0x199: {  	_ =	swait.ge [sflag:s17], $0x8000  }
0x19a: {  	[sflag:s17] =	ssyncset.done $0x0  }
0x19b: {  	[sflag:s17] =	ssyncadd.s32 $0xFFFF8000  }
0x19c: {  	[tilespmem:s19], [sflag:$0x2] =	stream.indirect.gather [hbm4b:s1+s10], $0x20, s18, s10, $0xb8;
	[tilespmem:$0x12000] =	vst v63  }
0x19d: {  	s24 =	rddreg [dreg:$0x10]  }
0x19e: {  	[hbm4b:s24+s3] =	stream.linear.scatter [tilespmem:s13], [sflag:$0x3], $0x8000, $0x38;
	[tilespmem:$0x12000] =	vst v63  }
0x19f: {  	s26 =	rddreg [dreg:$0x9]  }
0x1a0: {  	[tilespmem:s3], [sflag:$0x5] =	stream.linear.gather [hbm4b:s26+s3], $0x400, $0x38;
	[tilespmem:$0x12000] =	vst v63  }
0x1a1: {  	_ =	swait.ge [sflag:s9], $0x400  }
0x1a2: {  	[sflag:s9] =	ssyncset.done $0x0  }
0x1a3: {  	[sflag:s9] =	ssyncadd.s32 $0xFFFFFC00  }
0x1a4: {  	[tilespmem:s10], [sflag:$0x5] =	stream.linear.gather [hbm4b:s30+s3], $0x400, $0x38;
	[tilespmem:$0x12000] =	vst v63  }
0x1a5: {  	_ =	swait.ge [sflag:s9], $0x400  }
0x1a6: {  	[sflag:s9] =	ssyncset.done $0x0  }
0x1a7: {  	[sflag:s9] =	ssyncadd.s32 $0xFFFFFC00  }
0x1a8: {  	[tilespmem:s11], [sflag:$0x5] =	stream.linear.gather [hbm4b:s31+s3], $0x400, $0x38;
	[tilespmem:$0x12000] =	vst v63  }
0x1a9: {  	_ =	swait.ge [sflag:s9], $0x400  }
0x1aa: {  	[sflag:s9] =	ssyncset.done $0x0  }
0x1ab: {  	s24 =	simm.s32 $0x420;
	[sflag:s9] =	ssyncadd.s32 $0xFFFFFC00  }
0x1ac: {  	v0 =	vld [tilespmem:s24+$0xFFFFFFE0]  }
0x1ad: {  	v1 =	vld [tilespmem:s24+$0xFFFFFBE0];
	_ =	sdelay $0x1  }
0x1ae: {  	v2 =	vld [tilespmem:s24+$0x3E0];
	_ =	sdelay $0x2  }
0x1af: {  	v1 =	vshll.u32 v1, $0xC;
	v3 =	vshll.u32 v0, $0x6  }
0x1b0: {  	v1 =	vadd.s32 v1, v3  }
0x1b1: {  	v2 =	vshll.u32 v2, $0x2;
	v1 =	vand.u32 $0xFFFFFF00, v1  }
0x1b2: {  	v0 =	vand.u32 $0x3, v0;
	v1 =	vadd.s32 v2, v1  }
0x1b3: {  	s25 =	simm.s32 $0x1820;
	v0 =	vor.u32 v0, v1  }
0x1b4: {  	[tilespmem:s25+$0xFFFFFFE0] =	vst v0  }
0x1b5: {  	v0 =	vld [tilespmem:s24+$0xFFFFFBF0]  }
0x1b6: {  	v1 =	vld [tilespmem:s24+$0xFFFFFFF0];
	_ =	sdelay $0x1  }
0x1b7: {  	v2 =	vld [tilespmem:s24+$0x3F0];
	_ =	sdelay $0x2  }
0x1b8: {  	v0 =	vshll.u32 v0, $0xC;
	v3 =	vshll.u32 v1, $0x6  }
0x1b9: {  	v0 =	vadd.s32 v0, v3  }
0x1ba: {  	v2 =	vshll.u32 v2, $0x2;
	v0 =	vand.u32 $0xFFFFFF00, v0  }
0x1bb: {  	v1 =	vand.u32 $0x3, v1;
	v0 =	vadd.s32 v2, v0  }
0x1bc: {  	v0 =	vor.u32 v1, v0  }
0x1bd: {  	[tilespmem:s25+$0xFFFFFFF0] =	vst v0  }
0x1be: {  	v0 =	vld [tilespmem:s24+$0xFFFFFC00]  }
0x1bf: {  	v1 =	vld [tilespmem:s24+$0x0];
	_ =	sdelay $0x1  }
0x1c0: {  	v2 =	vld [tilespmem:s24+$0x400];
	_ =	sdelay $0x2  }
0x1c1: {  	v0 =	vshll.u32 v0, $0xC;
	v3 =	vshll.u32 v1, $0x6  }
0x1c2: {  	v0 =	vadd.s32 v0, v3  }
0x1c3: {  	v2 =	vshll.u32 v2, $0x2;
	v0 =	vand.u32 $0xFFFFFF00, v0  }
0x1c4: {  	v1 =	vand.u32 $0x3, v1;
	v0 =	vadd.s32 v2, v0  }
0x1c5: {  	v0 =	vor.u32 v1, v0  }
0x1c6: {  	[tilespmem:s25+$0x0] =	vst v0  }
0x1c7: {  	v2 =	vld [tilespmem:s24+$0xFFFFFC10]  }
0x1c8: {  	v0 =	vld [tilespmem:s24+$0x10]  }
0x1c9: {  	v1 =	vld [tilespmem:s24+$0x410];
	_ =	sdelay $0x2  }
0x1ca: {  	s28 =	simm.s32 $0x0;
	s26 =	simm.s32 $0x1820;
	v2 =	vshll.u32 v2, $0xC  }
.LBB2_10:
0x1cb: {  	s28 =	sadd.s32 $0x4, s28;
	v3 =	vshll.u32 v0, $0x6;
	s24 =	sadd.s32 $0x40, s24;
	s25 =	sadd.s32 $0x40, s25  }
0x1cc: {  	p0 =	slt.u32 s28, $0x3C;
	v2 =	vadd.s32 v2, v3;
	v1 =	vshll.u32 v1, $0x2  }
0x1cd: {  	v0 =	vand.u32 $0x3, v0;
	v2 =	vand.u32 $0xFFFFFF00, v2  }
0x1ce: {  	v1 =	vadd.s32 v1, v2  }
0x1cf: {  	v0 =	vor.u32 v0, v1  }
0x1d0: {  	[tilespmem:s26+$0x10] =	vst v0;
	s26 =	smov.u32 s25  }
0x1d1: {  	v0 =	vld [tilespmem:s24+$0xFFFFFFE0]  }
0x1d2: {  	v1 =	vld [tilespmem:s24+$0xFFFFFBE0]  }
0x1d3: {  	v2 =	vld [tilespmem:s24+$0x3E0];
	_ =	sdelay $0x3  }
0x1d4: {  	v3 =	vshll.u32 v0, $0x6;
	v1 =	vshll.u32 v1, $0xC  }
0x1d5: {  	v1 =	vadd.s32 v1, v3  }
0x1d6: {  	v2 =	vshll.u32 v2, $0x2;
	v1 =	vand.u32 $0xFFFFFF00, v1  }
0x1d7: {  	v0 =	vand.u32 $0x3, v0;
	v1 =	vadd.s32 v2, v1  }
0x1d8: {  	v0 =	vor.u32 v0, v1  }
0x1d9: {  	[tilespmem:s25+$0xFFFFFFE0] =	vst v0  }
0x1da: {  	v0 =	vld [tilespmem:s24+$0xFFFFFBF0]  }
0x1db: {  	v1 =	vld [tilespmem:s24+$0xFFFFFFF0];
	_ =	sdelay $0x1  }
0x1dc: {  	v2 =	vld [tilespmem:s24+$0x3F0];
	_ =	sdelay $0x2  }
0x1dd: {  	v0 =	vshll.u32 v0, $0xC;
	v3 =	vshll.u32 v1, $0x6  }
0x1de: {  	v0 =	vadd.s32 v0, v3  }
0x1df: {  	v0 =	vand.u32 $0xFFFFFF00, v0;
	v2 =	vshll.u32 v2, $0x2  }
0x1e0: {  	v1 =	vand.u32 $0x3, v1;
	v0 =	vadd.s32 v2, v0  }
0x1e1: {  	v0 =	vor.u32 v1, v0  }
0x1e2: {  	[tilespmem:s25+$0xFFFFFFF0] =	vst v0  }
0x1e3: {  	v0 =	vld [tilespmem:s24+$0xFFFFFC00]  }
0x1e4: {  	v1 =	vld [tilespmem:s24+$0x0];
	_ =	sdelay $0x1  }
0x1e5: {  	v2 =	vld [tilespmem:s24+$0x400];
	_ =	sdelay $0x1  }
0x1e6: {  	v0 =	vshll.u32 v0, $0xC  }
0x1e7: {  	v3 =	vshll.u32 v1, $0x6  }
0x1e8: {  	v0 =	vadd.s32 v0, v3  }
0x1e9: {  	v0 =	vand.u32 $0xFFFFFF00, v0;
	v2 =	vshll.u32 v2, $0x2  }
0x1ea: {  	v1 =	vand.u32 $0x3, v1;
	v0 =	vadd.s32 v2, v0  }
0x1eb: {  	v0 =	vor.u32 v1, v0  }
0x1ec: {  	[tilespmem:s25+$0x0] =	vst v0  }
0x1ed: {  	v2 =	vld [tilespmem:s24+$0xFFFFFC10]  }
.Ltmp4:
0x1ee: {  	v0 =	vld [tilespmem:s24+$0x10];
	(pc) =	sbr.rel @p0 .LBB2_10-.Ltmp4, $2  }
0x1ef: {  	v1 =	vld [tilespmem:s24+$0x410];
	_ =	sdelay $0x2  }
0x1f0: {  	v2 =	vshll.u32 v2, $0xC  }
0x1f1: {  	v3 =	vshll.u32 v0, $0x6  }
0x1f2: {  	v2 =	vadd.s32 v2, v3  }
0x1f3: {  	v1 =	vshll.u32 v1, $0x2;
	v2 =	vand.u32 $0xFFFFFF00, v2  }
0x1f4: {  	v0 =	vand.u32 $0x3, v0;
	v1 =	vadd.s32 v1, v2  }
0x1f5: {  	v0 =	vor.u32 v0, v1  }
0x1f6: {  	[tilespmem:s26+$0x10] =	vst v0  }
0x1f7: {  	_ =	swait.ge [sflag:s20], $0x8000  }
0x1f8: {  	[sflag:s20] =	ssyncset.done $0x0  }
0x1f9: {  	[sflag:s20] =	ssyncadd.s32 $0xFFFF8000  }
0x1fa: {  	_ =	swait.ge [sflag:s21], $0x8000  }
0x1fb: {  	[sflag:s21] =	ssyncset.done $0x0  }
0x1fc: {  	[sflag:s21] =	ssyncadd.s32 $0xFFFF8000  }
0x1fd: {  	[tilespmem:s13], [sflag:$0x1] =	stream.indirect.gather [hbm4b:s1+s10], $0x20, s12, s10, $0xb8;
	[tilespmem:$0x12000] =	vst v63  }
0x1fe: {  	s24 =	rddreg [dreg:$0x11]  }
0x1ff: {  	[hbm4b:s24+s3] =	stream.linear.scatter [tilespmem:s19], [sflag:$0x4], $0x8000, $0x38;
	[tilespmem:$0x12000] =	vst v63  }
0x200: {  	s26 =	rddreg [dreg:$0xa]  }
0x201: {  	[tilespmem:s14], [sflag:$0x5] =	stream.linear.gather [hbm4b:s26+s3], $0x400, $0x38;
	[tilespmem:$0x12000] =	vst v63  }
0x202: {  	_ =	swait.ge [sflag:s9], $0x400  }
0x203: {  	[sflag:s9] =	ssyncset.done $0x0  }
0x204: {  	[sflag:s9] =	ssyncadd.s32 $0xFFFFFC00  }
0x205: {  	[tilespmem:s15], [sflag:$0x5] =	stream.linear.gather [hbm4b:s0+s3], $0x400, $0x38;
	[tilespmem:$0x12000] =	vst v63  }
0x206: {  	_ =	swait.ge [sflag:s9], $0x400  }
0x207: {  	[sflag:s9] =	ssyncset.done $0x0  }
0x208: {  	[sflag:s9] =	ssyncadd.s32 $0xFFFFFC00  }
0x209: {  	[tilespmem:s16], [sflag:$0x5] =	stream.linear.gather [hbm4b:s2+s3], $0x400, $0x38;
	[tilespmem:$0x12000] =	vst v63  }
0x20a: {  	_ =	swait.ge [sflag:s9], $0x400  }
0x20b: {  	[sflag:s9] =	ssyncset.done $0x0  }
0x20c: {  	s24 =	simm.s32 $0x1430;
	[sflag:s9] =	ssyncadd.s32 $0xFFFFFC00  }
0x20d: {  	v0 =	vld [tilespmem:s24+$0xFFFFFBD0]  }
0x20e: {  	v1 =	vld [tilespmem:s24+$0xFFFFF7D0];
	_ =	sdelay $0x1  }
0x20f: {  	v2 =	vld [tilespmem:s24+$0xFFFFFFD0];
	_ =	sdelay $0x2  }
0x210: {  	v1 =	vshll.u32 v1, $0xC;
	v3 =	vshll.u32 v0, $0x6  }
0x211: {  	v1 =	vadd.s32 v1, v3  }
0x212: {  	v2 =	vshll.u32 v2, $0x2;
	v1 =	vand.u32 $0xFFFFFF00, v1  }
0x213: {  	v0 =	vand.u32 $0x3, v0;
	v1 =	vadd.s32 v2, v1  }
0x214: {  	s25 =	simm.s32 $0x1C30;
	v0 =	vor.u32 v0, v1  }
0x215: {  	[tilespmem:s25+$0xFFFFFFD0] =	vst v0  }
0x216: {  	v0 =	vld [tilespmem:s24+$0xFFFFF7E0]  }
0x217: {  	v1 =	vld [tilespmem:s24+$0xFFFFFBE0];
	_ =	sdelay $0x1  }
0x218: {  	v2 =	vld [tilespmem:s24+$0xFFFFFFE0];
	_ =	sdelay $0x2  }
0x219: {  	v0 =	vshll.u32 v0, $0xC;
	v3 =	vshll.u32 v1, $0x6  }
0x21a: {  	v0 =	vadd.s32 v0, v3  }
0x21b: {  	v2 =	vshll.u32 v2, $0x2;
	v0 =	vand.u32 $0xFFFFFF00, v0  }
0x21c: {  	v1 =	vand.u32 $0x3, v1;
	v0 =	vadd.s32 v2, v0  }
0x21d: {  	v0 =	vor.u32 v1, v0  }
0x21e: {  	[tilespmem:s25+$0xFFFFFFE0] =	vst v0  }
0x21f: {  	v0 =	vld [tilespmem:s24+$0xFFFFF7F0]  }
0x220: {  	v1 =	vld [tilespmem:s24+$0xFFFFFBF0];
	_ =	sdelay $0x1  }
0x221: {  	v2 =	vld [tilespmem:s24+$0xFFFFFFF0];
	_ =	sdelay $0x2  }
0x222: {  	v0 =	vshll.u32 v0, $0xC;
	v3 =	vshll.u32 v1, $0x6  }
0x223: {  	v0 =	vadd.s32 v0, v3  }
0x224: {  	v2 =	vshll.u32 v2, $0x2;
	v0 =	vand.u32 $0xFFFFFF00, v0  }
0x225: {  	v1 =	vand.u32 $0x3, v1;
	v0 =	vadd.s32 v2, v0  }
0x226: {  	v0 =	vor.u32 v1, v0  }
0x227: {  	[tilespmem:s25+$0xFFFFFFF0] =	vst v0  }
0x228: {  	v2 =	vld [tilespmem:s24+$0xFFFFF800]  }
0x229: {  	v0 =	vld [tilespmem:s24+$0xFFFFFC00]  }
0x22a: {  	v1 =	vld [tilespmem:s24+$0x0];
	_ =	sdelay $0x2  }
0x22b: {  	s28 =	simm.s32 $0x0;
	s26 =	simm.s32 $0x1C30;
	v2 =	vshll.u32 v2, $0xC  }
.LBB2_12:
0x22c: {  	s28 =	sadd.s32 $0x4, s28;
	v3 =	vshll.u32 v0, $0x6;
	s24 =	sadd.s32 $0x40, s24;
	s25 =	sadd.s32 $0x40, s25  }
0x22d: {  	p0 =	slt.u32 s28, $0x3C;
	v2 =	vadd.s32 v2, v3;
	v1 =	vshll.u32 v1, $0x2  }
0x22e: {  	v0 =	vand.u32 $0x3, v0;
	v2 =	vand.u32 $0xFFFFFF00, v2  }
0x22f: {  	v1 =	vadd.s32 v1, v2  }
0x230: {  	v0 =	vor.u32 v0, v1  }
0x231: {  	[tilespmem:s26+$0x0] =	vst v0;
	s26 =	smov.u32 s25  }
0x232: {  	v0 =	vld [tilespmem:s24+$0xFFFFFBD0]  }
0x233: {  	v1 =	vld [tilespmem:s24+$0xFFFFF7D0]  }
0x234: {  	v2 =	vld [tilespmem:s24+$0xFFFFFFD0];
	_ =	sdelay $0x3  }
0x235: {  	v3 =	vshll.u32 v0, $0x6;
	v1 =	vshll.u32 v1, $0xC  }
0x236: {  	v1 =	vadd.s32 v1, v3  }
0x237: {  	v2 =	vshll.u32 v2, $0x2;
	v1 =	vand.u32 $0xFFFFFF00, v1  }
0x238: {  	v0 =	vand.u32 $0x3, v0;
	v1 =	vadd.s32 v2, v1  }
0x239: {  	v0 =	vor.u32 v0, v1  }
0x23a: {  	[tilespmem:s25+$0xFFFFFFD0] =	vst v0  }
0x23b: {  	v0 =	vld [tilespmem:s24+$0xFFFFF7E0]  }
0x23c: {  	v1 =	vld [tilespmem:s24+$0xFFFFFBE0];
	_ =	sdelay $0x1  }
0x23d: {  	v2 =	vld [tilespmem:s24+$0xFFFFFFE0];
	_ =	sdelay $0x2  }
0x23e: {  	v0 =	vshll.u32 v0, $0xC;
	v3 =	vshll.u32 v1, $0x6  }
0x23f: {  	v0 =	vadd.s32 v0, v3  }
0x240: {  	v0 =	vand.u32 $0xFFFFFF00, v0;
	v2 =	vshll.u32 v2, $0x2  }
0x241: {  	v1 =	vand.u32 $0x3, v1;
	v0 =	vadd.s32 v2, v0  }
0x242: {  	v0 =	vor.u32 v1, v0  }
0x243: {  	[tilespmem:s25+$0xFFFFFFE0] =	vst v0  }
0x244: {  	v0 =	vld [tilespmem:s24+$0xFFFFF7F0]  }
0x245: {  	v1 =	vld [tilespmem:s24+$0xFFFFFBF0];
	_ =	sdelay $0x1  }
0x246: {  	v2 =	vld [tilespmem:s24+$0xFFFFFFF0];
	_ =	sdelay $0x1  }
0x247: {  	v0 =	vshll.u32 v0, $0xC  }
0x248: {  	v3 =	vshll.u32 v1, $0x6  }
0x249: {  	v0 =	vadd.s32 v0, v3  }
0x24a: {  	v0 =	vand.u32 $0xFFFFFF00, v0;
	v2 =	vshll.u32 v2, $0x2  }
0x24b: {  	v1 =	vand.u32 $0x3, v1;
	v0 =	vadd.s32 v2, v0  }
0x24c: {  	v0 =	vor.u32 v1, v0  }
0x24d: {  	[tilespmem:s25+$0xFFFFFFF0] =	vst v0  }
0x24e: {  	v2 =	vld [tilespmem:s24+$0xFFFFF800]  }
.Ltmp5:
0x24f: {  	v0 =	vld [tilespmem:s24+$0xFFFFFC00];
	(pc) =	sbr.rel @p0 .LBB2_12-.Ltmp5, $2  }
0x250: {  	v1 =	vld [tilespmem:s24+$0x0];
	_ =	sdelay $0x2  }
0x251: {  	v2 =	vshll.u32 v2, $0xC  }
0x252: {  	v3 =	vshll.u32 v0, $0x6  }
0x253: {  	v2 =	vadd.s32 v2, v3  }
0x254: {  	v1 =	vshll.u32 v1, $0x2;
	v2 =	vand.u32 $0xFFFFFF00, v2  }
0x255: {  	v0 =	vand.u32 $0x3, v0;
	v1 =	vadd.s32 v1, v2  }
0x256: {  	v0 =	vor.u32 v0, v1  }
0x257: {  	[tilespmem:s26+$0x0] =	vst v0  }
0x258: {  	_ =	swait.ge [sflag:s22], $0x8000  }
0x259: {  	[sflag:s22] =	ssyncset.done $0x0  }
0x25a: {  	[sflag:s22] =	ssyncadd.s32 $0xFFFF8000  }
0x25b: {  	_ =	swait.ge [sflag:s17], $0x8000  }
0x25c: {  	[sflag:s17] =	ssyncset.done $0x0  }
0x25d: {  	[sflag:s17] =	ssyncadd.s32 $0xFFFF8000  }
0x25e: {  	[tilespmem:s19], [sflag:$0x2] =	stream.indirect.gather [hbm4b:s1+s10], $0x20, s18, s10, $0xb8;
	[tilespmem:$0x12000] =	vst v63  }
0x25f: {  	s24 =	rddreg [dreg:$0x12]  }
0x260: {  	[hbm4b:s24+s3] =	stream.linear.scatter [tilespmem:s13], [sflag:$0x3], $0x8000, $0x38;
	[tilespmem:$0x12000] =	vst v63  }
0x261: {  	s26 =	rddreg [dreg:$0xb]  }
0x262: {  	[tilespmem:s3], [sflag:$0x5] =	stream.linear.gather [hbm4b:s26+s3], $0x400, $0x38;
	[tilespmem:$0x12000] =	vst v63  }
0x263: {  	_ =	swait.ge [sflag:s9], $0x400  }
0x264: {  	[sflag:s9] =	ssyncset.done $0x0  }
0x265: {  	[sflag:s9] =	ssyncadd.s32 $0xFFFFFC00  }
0x266: {  	[tilespmem:s10], [sflag:$0x5] =	stream.linear.gather [hbm4b:s5+s3], $0x400, $0x38;
	[tilespmem:$0x12000] =	vst v63  }
0x267: {  	_ =	swait.ge [sflag:s9], $0x400  }
0x268: {  	[sflag:s9] =	ssyncset.done $0x0  }
0x269: {  	[sflag:s9] =	ssyncadd.s32 $0xFFFFFC00  }
0x26a: {  	[tilespmem:s11], [sflag:$0x5] =	stream.linear.gather [hbm4b:s6+s3], $0x400, $0x38;
	[tilespmem:$0x12000] =	vst v63  }
0x26b: {  	_ =	swait.ge [sflag:s9], $0x400  }
0x26c: {  	[sflag:s9] =	ssyncset.done $0x0  }
0x26d: {  	s24 =	simm.s32 $0x420;
	[sflag:s9] =	ssyncadd.s32 $0xFFFFFC00  }
0x26e: {  	v0 =	vld [tilespmem:s24+$0xFFFFFFE0]  }
0x26f: {  	v1 =	vld [tilespmem:s24+$0xFFFFFBE0];
	_ =	sdelay $0x1  }
0x270: {  	v2 =	vld [tilespmem:s24+$0x3E0];
	_ =	sdelay $0x2  }
0x271: {  	v1 =	vshll.u32 v1, $0xC;
	v3 =	vshll.u32 v0, $0x6  }
0x272: {  	v1 =	vadd.s32 v1, v3  }
0x273: {  	v2 =	vshll.u32 v2, $0x2;
	v1 =	vand.u32 $0xFFFFFF00, v1  }
0x274: {  	v0 =	vand.u32 $0x3, v0;
	v1 =	vadd.s32 v2, v1  }
0x275: {  	s25 =	simm.s32 $0x1820;
	v0 =	vor.u32 v0, v1  }
0x276: {  	[tilespmem:s25+$0xFFFFFFE0] =	vst v0  }
0x277: {  	v0 =	vld [tilespmem:s24+$0xFFFFFBF0]  }
0x278: {  	v1 =	vld [tilespmem:s24+$0xFFFFFFF0];
	_ =	sdelay $0x1  }
0x279: {  	v2 =	vld [tilespmem:s24+$0x3F0];
	_ =	sdelay $0x2  }
0x27a: {  	v0 =	vshll.u32 v0, $0xC;
	v3 =	vshll.u32 v1, $0x6  }
0x27b: {  	v0 =	vadd.s32 v0, v3  }
0x27c: {  	v2 =	vshll.u32 v2, $0x2;
	v0 =	vand.u32 $0xFFFFFF00, v0  }
0x27d: {  	v1 =	vand.u32 $0x3, v1;
	v0 =	vadd.s32 v2, v0  }
0x27e: {  	v0 =	vor.u32 v1, v0  }
0x27f: {  	[tilespmem:s25+$0xFFFFFFF0] =	vst v0  }
0x280: {  	v0 =	vld [tilespmem:s24+$0xFFFFFC00]  }
0x281: {  	v1 =	vld [tilespmem:s24+$0x0];
	_ =	sdelay $0x1  }
0x282: {  	v2 =	vld [tilespmem:s24+$0x400];
	_ =	sdelay $0x2  }
0x283: {  	v0 =	vshll.u32 v0, $0xC;
	v3 =	vshll.u32 v1, $0x6  }
0x284: {  	v0 =	vadd.s32 v0, v3  }
0x285: {  	v2 =	vshll.u32 v2, $0x2;
	v0 =	vand.u32 $0xFFFFFF00, v0  }
0x286: {  	v1 =	vand.u32 $0x3, v1;
	v0 =	vadd.s32 v2, v0  }
0x287: {  	v0 =	vor.u32 v1, v0  }
0x288: {  	[tilespmem:s25+$0x0] =	vst v0  }
0x289: {  	v2 =	vld [tilespmem:s24+$0xFFFFFC10]  }
0x28a: {  	v0 =	vld [tilespmem:s24+$0x10]  }
0x28b: {  	v1 =	vld [tilespmem:s24+$0x410];
	_ =	sdelay $0x2  }
0x28c: {  	s28 =	simm.s32 $0x0;
	s26 =	simm.s32 $0x1820;
	v2 =	vshll.u32 v2, $0xC  }
.LBB2_14:
0x28d: {  	s28 =	sadd.s32 $0x4, s28;
	v3 =	vshll.u32 v0, $0x6;
	s24 =	sadd.s32 $0x40, s24;
	s25 =	sadd.s32 $0x40, s25  }
0x28e: {  	p0 =	slt.u32 s28, $0x3C;
	v2 =	vadd.s32 v2, v3;
	v1 =	vshll.u32 v1, $0x2  }
0x28f: {  	v0 =	vand.u32 $0x3, v0;
	v2 =	vand.u32 $0xFFFFFF00, v2  }
0x290: {  	v1 =	vadd.s32 v1, v2  }
0x291: {  	v0 =	vor.u32 v0, v1  }
0x292: {  	[tilespmem:s26+$0x10] =	vst v0;
	s26 =	smov.u32 s25  }
0x293: {  	v0 =	vld [tilespmem:s24+$0xFFFFFFE0]  }
0x294: {  	v1 =	vld [tilespmem:s24+$0xFFFFFBE0]  }
0x295: {  	v2 =	vld [tilespmem:s24+$0x3E0];
	_ =	sdelay $0x3  }
0x296: {  	v3 =	vshll.u32 v0, $0x6;
	v1 =	vshll.u32 v1, $0xC  }
0x297: {  	v1 =	vadd.s32 v1, v3  }
0x298: {  	v2 =	vshll.u32 v2, $0x2;
	v1 =	vand.u32 $0xFFFFFF00, v1  }
0x299: {  	v0 =	vand.u32 $0x3, v0;
	v1 =	vadd.s32 v2, v1  }
0x29a: {  	v0 =	vor.u32 v0, v1  }
0x29b: {  	[tilespmem:s25+$0xFFFFFFE0] =	vst v0  }
0x29c: {  	v0 =	vld [tilespmem:s24+$0xFFFFFBF0]  }
0x29d: {  	v1 =	vld [tilespmem:s24+$0xFFFFFFF0];
	_ =	sdelay $0x1  }
0x29e: {  	v2 =	vld [tilespmem:s24+$0x3F0];
	_ =	sdelay $0x2  }
0x29f: {  	v0 =	vshll.u32 v0, $0xC;
	v3 =	vshll.u32 v1, $0x6  }
0x2a0: {  	v0 =	vadd.s32 v0, v3  }
0x2a1: {  	v0 =	vand.u32 $0xFFFFFF00, v0;
	v2 =	vshll.u32 v2, $0x2  }
0x2a2: {  	v1 =	vand.u32 $0x3, v1;
	v0 =	vadd.s32 v2, v0  }
0x2a3: {  	v0 =	vor.u32 v1, v0  }
0x2a4: {  	[tilespmem:s25+$0xFFFFFFF0] =	vst v0  }
0x2a5: {  	v0 =	vld [tilespmem:s24+$0xFFFFFC00]  }
0x2a6: {  	v1 =	vld [tilespmem:s24+$0x0];
	_ =	sdelay $0x1  }
0x2a7: {  	v2 =	vld [tilespmem:s24+$0x400];
	_ =	sdelay $0x1  }
0x2a8: {  	v0 =	vshll.u32 v0, $0xC  }
0x2a9: {  	v3 =	vshll.u32 v1, $0x6  }
0x2aa: {  	v0 =	vadd.s32 v0, v3  }
0x2ab: {  	v0 =	vand.u32 $0xFFFFFF00, v0;
	v2 =	vshll.u32 v2, $0x2  }
0x2ac: {  	v1 =	vand.u32 $0x3, v1;
	v0 =	vadd.s32 v2, v0  }
0x2ad: {  	v0 =	vor.u32 v1, v0  }
0x2ae: {  	[tilespmem:s25+$0x0] =	vst v0  }
0x2af: {  	v2 =	vld [tilespmem:s24+$0xFFFFFC10]  }
.Ltmp6:
0x2b0: {  	v0 =	vld [tilespmem:s24+$0x10];
	(pc) =	sbr.rel @p0 .LBB2_14-.Ltmp6, $2  }
0x2b1: {  	v1 =	vld [tilespmem:s24+$0x410];
	_ =	sdelay $0x2  }
0x2b2: {  	v2 =	vshll.u32 v2, $0xC  }
0x2b3: {  	v3 =	vshll.u32 v0, $0x6  }
0x2b4: {  	v2 =	vadd.s32 v2, v3  }
0x2b5: {  	v1 =	vshll.u32 v1, $0x2;
	v2 =	vand.u32 $0xFFFFFF00, v2  }
0x2b6: {  	v0 =	vand.u32 $0x3, v0;
	v1 =	vadd.s32 v1, v2  }
0x2b7: {  	v0 =	vor.u32 v0, v1  }
0x2b8: {  	[tilespmem:s26+$0x10] =	vst v0  }
0x2b9: {  	_ =	swait.ge [sflag:s20], $0x8000  }
0x2ba: {  	[sflag:s20] =	ssyncset.done $0x0  }
0x2bb: {  	[sflag:s20] =	ssyncadd.s32 $0xFFFF8000  }
0x2bc: {  	_ =	swait.ge [sflag:s21], $0x8000  }
0x2bd: {  	[sflag:s21] =	ssyncset.done $0x0  }
0x2be: {  	[sflag:s21] =	ssyncadd.s32 $0xFFFF8000  }
0x2bf: {  	[tilespmem:s13], [sflag:$0x1] =	stream.indirect.gather [hbm4b:s1+s10], $0x20, s12, s10, $0xb8;
	[tilespmem:$0x12000] =	vst v63  }
0x2c0: {  	s24 =	rddreg [dreg:$0x13]  }
0x2c1: {  	[hbm4b:s24+s3] =	stream.linear.scatter [tilespmem:s19], [sflag:$0x4], $0x8000, $0x38;
	[tilespmem:$0x12000] =	vst v63  }
0x2c2: {  	s26 =	rddreg [dreg:$0xc]  }
0x2c3: {  	[tilespmem:s14], [sflag:$0x5] =	stream.linear.gather [hbm4b:s26+s3], $0x400, $0x38;
	[tilespmem:$0x12000] =	vst v63  }
0x2c4: {  	_ =	swait.ge [sflag:s9], $0x400  }
0x2c5: {  	[sflag:s9] =	ssyncset.done $0x0  }
0x2c6: {  	[sflag:s9] =	ssyncadd.s32 $0xFFFFFC00  }
0x2c7: {  	[tilespmem:s15], [sflag:$0x5] =	stream.linear.gather [hbm4b:s7+s3], $0x400, $0x38;
	[tilespmem:$0x12000] =	vst v63  }
0x2c8: {  	_ =	swait.ge [sflag:s9], $0x400  }
0x2c9: {  	[sflag:s9] =	ssyncset.done $0x0  }
0x2ca: {  	[sflag:s9] =	ssyncadd.s32 $0xFFFFFC00  }
0x2cb: {  	[tilespmem:s16], [sflag:$0x5] =	stream.linear.gather [hbm4b:s8+s3], $0x400, $0x38;
	[tilespmem:$0x12000] =	vst v63  }
0x2cc: {  	_ =	swait.ge [sflag:s9], $0x400  }
0x2cd: {  	[sflag:s9] =	ssyncset.done $0x0  }
0x2ce: {  	s24 =	simm.s32 $0x1430;
	[sflag:s9] =	ssyncadd.s32 $0xFFFFFC00  }
0x2cf: {  	v0 =	vld [tilespmem:s24+$0xFFFFFBD0]  }
0x2d0: {  	v1 =	vld [tilespmem:s24+$0xFFFFF7D0];
	_ =	sdelay $0x1  }
0x2d1: {  	v2 =	vld [tilespmem:s24+$0xFFFFFFD0];
	_ =	sdelay $0x2  }
0x2d2: {  	v1 =	vshll.u32 v1, $0xC;
	v3 =	vshll.u32 v0, $0x6  }
0x2d3: {  	v1 =	vadd.s32 v1, v3  }
0x2d4: {  	v2 =	vshll.u32 v2, $0x2;
	v1 =	vand.u32 $0xFFFFFF00, v1  }
0x2d5: {  	v0 =	vand.u32 $0x3, v0;
	v1 =	vadd.s32 v2, v1  }
0x2d6: {  	s25 =	simm.s32 $0x1C30;
	v0 =	vor.u32 v0, v1  }
0x2d7: {  	[tilespmem:s25+$0xFFFFFFD0] =	vst v0  }
0x2d8: {  	v0 =	vld [tilespmem:s24+$0xFFFFF7E0]  }
0x2d9: {  	v1 =	vld [tilespmem:s24+$0xFFFFFBE0];
	_ =	sdelay $0x1  }
0x2da: {  	v2 =	vld [tilespmem:s24+$0xFFFFFFE0];
	_ =	sdelay $0x2  }
0x2db: {  	v0 =	vshll.u32 v0, $0xC;
	v3 =	vshll.u32 v1, $0x6  }
0x2dc: {  	v0 =	vadd.s32 v0, v3  }
0x2dd: {  	v2 =	vshll.u32 v2, $0x2;
	v0 =	vand.u32 $0xFFFFFF00, v0  }
0x2de: {  	v1 =	vand.u32 $0x3, v1;
	v0 =	vadd.s32 v2, v0  }
0x2df: {  	v0 =	vor.u32 v1, v0  }
0x2e0: {  	[tilespmem:s25+$0xFFFFFFE0] =	vst v0  }
0x2e1: {  	v0 =	vld [tilespmem:s24+$0xFFFFF7F0]  }
0x2e2: {  	v1 =	vld [tilespmem:s24+$0xFFFFFBF0];
	_ =	sdelay $0x1  }
0x2e3: {  	v2 =	vld [tilespmem:s24+$0xFFFFFFF0];
	_ =	sdelay $0x2  }
0x2e4: {  	v0 =	vshll.u32 v0, $0xC;
	v3 =	vshll.u32 v1, $0x6  }
0x2e5: {  	v0 =	vadd.s32 v0, v3  }
0x2e6: {  	v2 =	vshll.u32 v2, $0x2;
	v0 =	vand.u32 $0xFFFFFF00, v0  }
0x2e7: {  	v1 =	vand.u32 $0x3, v1;
	v0 =	vadd.s32 v2, v0  }
0x2e8: {  	v0 =	vor.u32 v1, v0  }
0x2e9: {  	[tilespmem:s25+$0xFFFFFFF0] =	vst v0  }
0x2ea: {  	v2 =	vld [tilespmem:s24+$0xFFFFF800]  }
0x2eb: {  	v0 =	vld [tilespmem:s24+$0xFFFFFC00]  }
0x2ec: {  	v1 =	vld [tilespmem:s24+$0x0];
	_ =	sdelay $0x2  }
0x2ed: {  	s28 =	simm.s32 $0x0;
	s26 =	simm.s32 $0x1C30;
	v2 =	vshll.u32 v2, $0xC  }
.LBB2_16:
0x2ee: {  	s28 =	sadd.s32 $0x4, s28;
	v3 =	vshll.u32 v0, $0x6;
	s24 =	sadd.s32 $0x40, s24;
	s25 =	sadd.s32 $0x40, s25  }
0x2ef: {  	p0 =	slt.u32 s28, $0x3C;
	v2 =	vadd.s32 v2, v3;
	v1 =	vshll.u32 v1, $0x2  }
0x2f0: {  	v0 =	vand.u32 $0x3, v0;
	v2 =	vand.u32 $0xFFFFFF00, v2  }
0x2f1: {  	v1 =	vadd.s32 v1, v2  }
0x2f2: {  	v0 =	vor.u32 v0, v1  }
0x2f3: {  	[tilespmem:s26+$0x0] =	vst v0;
	s26 =	smov.u32 s25  }
0x2f4: {  	v0 =	vld [tilespmem:s24+$0xFFFFFBD0]  }
0x2f5: {  	v1 =	vld [tilespmem:s24+$0xFFFFF7D0]  }
0x2f6: {  	v2 =	vld [tilespmem:s24+$0xFFFFFFD0];
	_ =	sdelay $0x3  }
0x2f7: {  	v3 =	vshll.u32 v0, $0x6;
	v1 =	vshll.u32 v1, $0xC  }
0x2f8: {  	v1 =	vadd.s32 v1, v3  }
0x2f9: {  	v2 =	vshll.u32 v2, $0x2;
	v1 =	vand.u32 $0xFFFFFF00, v1  }
0x2fa: {  	v0 =	vand.u32 $0x3, v0;
	v1 =	vadd.s32 v2, v1  }
0x2fb: {  	v0 =	vor.u32 v0, v1  }
0x2fc: {  	[tilespmem:s25+$0xFFFFFFD0] =	vst v0  }
0x2fd: {  	v0 =	vld [tilespmem:s24+$0xFFFFF7E0]  }
0x2fe: {  	v1 =	vld [tilespmem:s24+$0xFFFFFBE0];
	_ =	sdelay $0x1  }
0x2ff: {  	v2 =	vld [tilespmem:s24+$0xFFFFFFE0];
	_ =	sdelay $0x2  }
0x300: {  	v0 =	vshll.u32 v0, $0xC;
	v3 =	vshll.u32 v1, $0x6  }
0x301: {  	v0 =	vadd.s32 v0, v3  }
0x302: {  	v0 =	vand.u32 $0xFFFFFF00, v0;
	v2 =	vshll.u32 v2, $0x2  }
0x303: {  	v1 =	vand.u32 $0x3, v1;
	v0 =	vadd.s32 v2, v0  }
0x304: {  	v0 =	vor.u32 v1, v0  }
0x305: {  	[tilespmem:s25+$0xFFFFFFE0] =	vst v0  }
0x306: {  	v0 =	vld [tilespmem:s24+$0xFFFFF7F0]  }
0x307: {  	v1 =	vld [tilespmem:s24+$0xFFFFFBF0];
	_ =	sdelay $0x1  }
0x308: {  	v2 =	vld [tilespmem:s24+$0xFFFFFFF0];
	_ =	sdelay $0x1  }
0x309: {  	v0 =	vshll.u32 v0, $0xC  }
0x30a: {  	v3 =	vshll.u32 v1, $0x6  }
0x30b: {  	v0 =	vadd.s32 v0, v3  }
0x30c: {  	v0 =	vand.u32 $0xFFFFFF00, v0;
	v2 =	vshll.u32 v2, $0x2  }
0x30d: {  	v1 =	vand.u32 $0x3, v1;
	v0 =	vadd.s32 v2, v0  }
0x30e: {  	v0 =	vor.u32 v1, v0  }
0x30f: {  	[tilespmem:s25+$0xFFFFFFF0] =	vst v0  }
0x310: {  	v2 =	vld [tilespmem:s24+$0xFFFFF800]  }
.Ltmp7:
0x311: {  	v0 =	vld [tilespmem:s24+$0xFFFFFC00];
	(pc) =	sbr.rel @p0 .LBB2_16-.Ltmp7, $2  }
0x312: {  	v1 =	vld [tilespmem:s24+$0x0];
	_ =	sdelay $0x2  }
0x313: {  	v2 =	vshll.u32 v2, $0xC  }
0x314: {  	v3 =	vshll.u32 v0, $0x6  }
0x315: {  	v2 =	vadd.s32 v2, v3  }
0x316: {  	v1 =	vshll.u32 v1, $0x2;
	v2 =	vand.u32 $0xFFFFFF00, v2  }
0x317: {  	v63 =	vand.u32 $0x3, v0;
	v1 =	vadd.s32 v1, v2  }
0x318: {  	v0 =	vor.u32 v63, v1  }
0x319: {  	[tilespmem:s26+$0x0] =	vst v0  }
0x31a: {  	_ =	swait.ge [sflag:s22], $0x8000  }
0x31b: {  	[sflag:s22] =	ssyncset.done $0x0  }
0x31c: {  	[sflag:s22] =	ssyncadd.s32 $0xFFFF8000  }
0x31d: {  	_ =	swait.ge [sflag:s17], $0x8000  }
0x31e: {  	[sflag:s17] =	ssyncset.done $0x0  }
0x31f: {  	[sflag:s17] =	ssyncadd.s32 $0xFFFF8000  }
0x320: {  	[tilespmem:s19], [sflag:$0x2] =	stream.indirect.gather [hbm4b:s1+s10], $0x20, s18, s10, $0xb8;
	[tilespmem:$0x12000] =	vst v63  }
0x321: {  	s24 =	rddreg [dreg:$0x14]  }
0x322: {  	[hbm4b:s24+s3] =	stream.linear.scatter [tilespmem:s13], [sflag:$0x3], $0x8000, $0x38;
	[tilespmem:$0x12000] =	vst v63  }
0x323: {  	_ =	swait.ge [sflag:s21], $0x8000  }
0x324: {  	[sflag:s21] =	ssyncset.done $0x0  }
0x325: {  	s26 =	rddreg [dreg:$0x15];
	[sflag:s21] =	ssyncadd.s32 $0xFFFF8000  }
0x326: {  	[hbm4b:s26+s3] =	stream.linear.scatter [tilespmem:s19], [sflag:$0x4], $0x8000, $0x38;
	[tilespmem:$0x12000] =	vst v63  }
0x327: {  	_ =	swait.ge [sflag:s20], $0x8000  }
0x328: {  	[sflag:s20] =	ssyncset.done $0x0  }
0x329: {  	[sflag:s20] =	ssyncadd.s32 $0xFFFF8000  }
0x32a: {  	_ =	swait.ge [sflag:s22], $0x8000  }
0x32b: {  	s23 =	sadd.s32 $0x1, s23;
	s28 =	rddreg [dreg:$0x17]  }
0x32c: {  	p0 =	sne.s32 s23, s28  }
.Ltmp8:
0x32d: {  	_ = 	snop;
	(pc) =	sbr.rel @p0 .LBB2_1-.Ltmp8, $3  }
0x32e: {  	_ =	sdelay $0x1  }
0x32f: {  	[sflag:s22] =	ssyncset.done $0x0  }
0x330: {  	[sflag:s22] =	ssyncadd.s32 $0xFFFF8000  }
0x331: {  	_ =	sfence.sel $0x180000  }
0x332: {  	[bflag:$0x0] =	sbarrier.arrive $0xFFFF  }
0x333: {  	_ =	strace $0x90000047  }
0x334: {  	s0 =	stileid.u32;
	[bflag:$0x2] =	sbarrier.arrive $0xFFFF  }
0x335: {  	p0 =	sne.s32 s0, $0x0;
	s0 =	rddreg [dreg:$0x2]  }
0x336: {  	s0 =	sadd.s32 @!p0 $0x100000, s0  }
0x337: {  	[sflag:s0] =	ssyncadd.tile.s32 @!p0 $0x1;
	_ =	shalt  }
.Lfunc_end2:
_tile_overlayer_lowered:
.L_overlay_start_2:
0x338: {  	(tag) =	ssettag $0x2  }
0x339: {  	s0 =	rddreg [dreg:$0x0];
	s2 =	stileid.u32  }
0x33a: {  	s1 =	rddreg [dreg:$0x1];
	p0 =	sne.s32 s2, $0x0  }
0x33b: {  	s3 =	rddreg [dreg:$0x2];
	[bflag:$0x3] =	sbarrier.arrive $0xFFFF;
	s2 =	simm.s32 @!p0 $0x1C05  }
0x33c: {  	[timem:s3], [sflag:s2] =	dma.local @!p0 [hbm:s0], s1  }
0x33d: {  	s0 =	simm.s32 @!p0 $0x5  }
0x33e: {  	_ =	swait.ge @!p0 [sflag:s0], s1  }
0x33f: {  	s1 =	ssub.s32 @!p0 $0x0, s1;
	[sflag:s0] =	ssyncset.done @!p0 $0x0  }
0x340: {  	[sflag:s0] =	ssyncadd.s32 @!p0 s1  }
0x341: {  	[bflag:$0x3] =	sbarrier.arrive $0xFFFF  }
0x342: {  	_ =	shalt  }

// kernel: sparse-core-data-format-call.cloned.1.call-start
scs
called_computation_lowered:
.L_overlay_start_0:
0x0: {  	s2 =	sld [smem:$0x3FD9]  }
0x1: {  	s3 =	sld [smem:$0x3FFE];
	_ =	sdelay $0x1  }
0x2: {  	s1 =	srdreg.scid  }
0x3: {  	s0 =	sand.u32 $0x1, s1  }
0x4: {  	s18 =	sshll.u32 s0, $0xA;
	s2 =	sadd.s32 s3, s2  }
0x5: {  	s2 =	sadd.s32 s2, s18  }
0x6: {  	[smem:$0x3FC6] =	sst s2  }
0x7: {  	_ = 	snop  }
0x8: {  	s2 =	sld [smem:$0x3FD0];
	(tm) =	ssettm $0x1  }
0x9: {  	s19 =	sld [smem:$0x3FFB];
	_ =	sdelay $0x3  }
0xa: {  	_ =	strace s19  }
0xb: {  	s3 =	sld [smem:$0x3FFC];
	_ =	sdelay $0x3  }
0xc: {  	_ =	strace s3  }
0xd: {  	s3 =	sld [smem:$0x3FFD];
	_ =	sdelay $0x3  }
0xe: {  	_ =	strace s3  }
0xf: {  	_ =	strace $0x8FFFFFFF  }
0x10: {  	s20 =	sld [smem:$0x3FDB];
	_ =	sdelay $0x1  }
0x11: {  	s4 =	simm.s32 $_scs_section_size  }
0x12: {  	s5 =	simm.s32 $_size__tile_overlayer_lowered;
	s6 =	simm.s32 $_tile_overlayer_lowered  }
0x13: {  	s23 =	simm.s32 $0x1BFF;
	s22 =	sshll.u32 s6, $0x1;
	s3 =	sadd.s32 s4, s20  }
0x14: {  	s7 =	simm.s32 $0x0;
	s21 =	sshll.u32 s5, $0x1;
	s5 =	sadd.s32 s22, s3  }
0x15: {  	[timem:s7], [sflag:s23] =	dma.local [hbm:s5], s21  }
0x16: {  	_ =	swait.ge [sflag:s23], s21  }
0x17: {  	s4 =	ssub.s32 $0x0, s21;
	[sflag:s23] =	ssyncset.done $0x0  }
0x18: {  	[sflag:s23] =	ssyncadd.s32 s4;
	_ =	sdelay $0x1  }
0x19: {  	s24 =	simm.s32 $0x1B8B  }
0x1a: {  	_ =	swait.ge [sflag:s24], $0x1  }
0x1b: {  	[sflag:s24] =	ssyncset.done $0x0  }
0x1c: {  	s26 =	simm.s32 $0x1B8E;
	s25 =	sld [smem:$0x3FFE];
	[sflag:s24] =	ssyncadd.s32 $0xFFFFFFFF  }
0x1d: {  	s27 =	simm.s32 $execute0_lowered;
	[smem:$0x3FD2] =	sst s26  }
0x1e: {  	s5 =	sshll.u32 s27, $0x1;
	_ =	strace $0x80000049;
	[dreg:$0x1] =	wrdreg $0xFFFFFFFF  }
0x1f: {  	s28 =	simm.s32 $_size_execute0_lowered;
	s3 =	sadd.s32 s3, s5;
	[dreg:$0x0] =	wrdreg $0x0  }
0x20: {  	s5 =	sshll.u32 s28, $0x1;
	[dreg:$0x2] =	wrdreg s3  }
0x21: {  	[dreg:$0x3] =	wrdreg s5  }
0x22: {  	[dreg:$0x4] =	wrdreg $0xC0  }
0x23: {  	_ =	task [dreg:s7], $0x5FFFF  }
0x24: {  	[dreg:$0x1] =	wrdreg $0xFFFFFFFF  }
0x25: {  	[dreg:$0x0] =	wrdreg $0x60  }
0x26: {  	[dreg:$0x2] =	wrdreg s25  }
0x27: {  	[dreg:$0x3] =	wrdreg s2  }
0x28: {  	[dreg:$0x4] =	wrdreg $0x9  }
0x29: {  	_ =	task.clear_ibuf [dreg:s7], $0x5FFFF;
	_ =	strace $0x90000049  }
0x2a: {  	s29 =	simm.s32 $0x9;
	_ =	strace $0x8000004B  }
0x2b: {  	_ =	swait.ge [sflag:s29], $0x1  }
0x2c: {  	[sflag:s29] =	ssyncadd.s32 $0xFFFFFFFF  }
0x2d: {  	_ =	strace $0x9000004B  }
0x2e: {  	_ =	sfence  }
0x2f: {  	s30 =	sld [smem:$0x0];
	_ =	sdelay $0x2  }
0x30: {  	s31 =	sshll.u32 s1, $0xD;
	s1 =	sshrl.u32 s1, $0x2  }
0x31: {  	s3 =	sand.u32 $0x4000, s31;
	s1 =	sadd.s32 s1, s30  }
0x32: {  	s0 =	sor.u32 s3, s0;
	s1 =	sshll.u32 s1, $0x11  }
0x33: {  	s0 =	sor.u32 s1, s0  }
0x34: {  	s0 =	sadd.s32 $0x8F2B, s0  }
0x35: {  	[sflag:s0] =	ssyncadd.remote.s32 $0x1  }
0x36: {  	_ =	sfence.sel $0xFFFF  }
0x37: {  	[dreg:$0x0] =	wrdreg $0xFFFFFFFF;
	(pc) =	sbr.abs _section_cstart, $3  }
0x38: {  	[dreg:$0x1] =	wrdreg $0xFFFFFFFF  }
0x39: {  	_ =	task.clear_ibuf [dreg:s7], $0x2FFFF;
	_ =	strace $0x9FFFFFFF  }
0x3a: {  	(tm) =	ssettm $0x7FFFFFFF  }
0x3b: {  	_ =	shalt  }
tec
execute0_lowered:
.L_overlay_start_1:
0x0: {  	(tag) =	ssettag $0x1  }
0x1: {  	s0 =	srdreg.scid  }
0x2: {  	s1 =	sshll.u32 s0, $0x4  }
0x3: {  	s4 =	rddreg [dreg:$0x0];
	s0 =	stileid.u32;
	s1 =	sand.u32 $0x10, s1  }
0x4: {  	s2 =	rddreg [dreg:$0x1];
	s7 =	simm.s32 $0x1;
	s1 =	sor.u32 s0, s1  }
0x5: {  	s8 =	simm.s32 $0x2;
	s11 =	simm.s32 $0x0;
	s3 =	sshll.u32 s1, $0x7  }
0x6: {  	s10 =	simm.s32 $0x0;
	s4 =	sadd.s32 $0x118800, s4;
	s6 =	ssub.s32 $0x40000, s3  }
.Ltmp0:
0x7: {  	s1 =	rddreg [dreg:$0x2];
	s5 =	sand.u32 $0xF80, s6;
	(pc) =	sbr.rel .LBB1_1-.Ltmp0, $4  }
0x8: {  	_ =	strace $0x8000004A;
	s9 =	smov.u32 s3;
	p0 =	sne.s32 s5, $0x0  }
0x9: {  	s6 =	sshrl.u32 s6, $0xC;
	s5 =	simm.s32 $0x1;
	s7 =	simm.s32 @!p0 $0x0  }
0xa: {  	[sflag:s5] =	ssyncpa.u1 $0x0;
	p0 =	por $0x0, $0x0;
	s6 =	sadd.s32 s7, s6  }
0xb: {  	[sflag:s8] =	ssyncpa.u1 $0x0;
	s8 =	simm.s32 $0x200000;
	s7 =	sadd.s32 $0x1, s6  }
.LBB1_4:
0xc: {  	s13 =	sshll.u32 s11, $0x3  }
0xd: {  	s15 =	sand.u32 $0x78, s11;
	s13 =	sand.u32 $0x3FC00, s13  }
0xe: {  	s30 =	sand.u32 $0xF8000, s11;
	s31 =	sand.u32 $0x7, s11;
	s13 =	sor.u32 s15, s13  }
0xf: {  	s11 =	sshll.u32 s31, $0x12;
	s15 =	sadd.s32 s2, s30;
	s13 =	sshrl.u32 s13, $0x3  }
0x10: {  	[tilespmem:s14+$0x0 ss:$0x81] =	vst.msk $0xffff, v0;
	s11 =	sor.u32 $0x400, s11;
	s13 =	sadd.s32 s13, s15  }
0x11: {  	[hbm4b:s13+s11] =	stream.strided.scatter [tilespmem:s12], [sflag:$0x2], $0x1000, s8, s11, $0x20;
	[tilespmem:$0x4040] =	vst v63  }
.LBB1_5:
0x12: {  	s13 =	sadd.s32 $0x1000, s9  }
0x13: {  	p2 =	sgt.s32 s13, $0x3FFFF  }
0x14: {  	s13 =	smov.u32 @p2 s3;
	p2 =	sne.s32 s10, s7  }
.Ltmp1:
0x15: {  	p1 =	slt.u32 s10, $0x2;
	(pc) =	sbr.rel @!p2 .LBB1_6-.Ltmp1, $4  }
0x16: {  	s12 =	simm.s32 @!p1 $0x2  }
0x17: {  	s14 =	sadd.s32 $0x1, s10;
	_ =	swait.ge @!p1 [sflag:s12], $0x1000  }
0x18: {  	s11 =	smov.u32 s9;
	p0 =	por !p0, !p0;
	[sflag:s12] =	ssyncset.done @!p1 $0x0  }
0x19: {  	s10 =	smov.u32 s14;
	s9 =	smov.u32 s13;
	[sflag:s12] =	ssyncadd.s32 @!p1 $0xFFFFF000  }
.LBB1_1:
0x1a: {  	p1 =	sge.u32 s10, s6  }
0x1b: {  	s31 =	sadd.s32 $0xFFFFFFFF, s10;
	s12 =	sxor.u32 @!p1 $0xFFFFFFFF, s10;
	s13 =	sshll.u32 @!p1 s9, $0x4  }
0x1c: {  	s14 =	simm.s32 @!p1 $0x20;
	s12 =	sshll.u32 @!p1 s12, $0xC;
	s13 =	sand.u32 @!p1 $0x3FFFF0, s13  }
0x1d: {  	s15 =	simm.s32 @!p1 $0x80;
	s12 =	sand.u32 @!p1 $0x1000, s12;
	s13 =	sadd.s32 @!p1 s4, s13  }
0x1e: {  	[tilespmem:s12], [sflag:$0x1] =	stream.strided.gather @!p1 [hbm4b:s13+s14], $0x1000, s15, s14, $0x38;
	[tilespmem:$0x4040] =	vst v63  }
0x1f: {  	p1 =	sge.u32 s31, s6  }
.Ltmp2:
0x20: {  	_ = 	snop;
	(pc) =	sbr.rel @p1 .LBB1_5-.Ltmp2, $1  }
0x21: {  	_ =	sdelay $0x3  }
0x22: {  	s12 =	simm.s32 $0x1  }
0x23: {  	_ =	swait.ge [sflag:s5], $0x1000;
	s12 =	simm.s32 @!p0 $0x0  }
0x24: {  	[sflag:s5] =	ssyncset.done $0x0;
	s13 =	sshll.u32 s12, $0xC  }
0x25: {  	[sflag:s5] =	ssyncadd.s32 $0xFFFFF000;
	s16 =	sor.u32 $0x10, s13  }
0x26: {  	s12 =	smul.u32 $0x4080, s12;
	v1 =	vld [tilespmem:s16+$0x0]  }
0x27: {  	s30 =	sand.u32 $0x1, s10;
	v0 =	vld [tilespmem:s16+$0xFFFFFFF0]  }
0x28: {  	s14 =	smul.u32 $0x4080, s30;
	s12 =	sshrl.u32 s12, $0x2  }
0x29: {  	s13 =	sor.u32 $0x2000, s12  }
0x2a: {  	s31 =	sshrl.u32 s14, $0x2;
	s14 =	sadd.s32 $0x0, s13  }
0x2b: {  	s15 =	simm.s32 $0x4;
	s16 =	sadd.s32 $0x20, s16;
	s12 =	sor.u32 $0x2000, s31;
	[tilespmem:s14+$0x810 ss:$0x81] =	vst.msk $0xffff, v1  }
.LBB1_3:
0x2c: {  	v1 =	vld [tilespmem:s16+$0x0];
	p1 =	sne.s32 s15, $0x1FC;
	[tilespmem:s14+$0x0 ss:$0x81] =	vst.msk $0xffff, v0;
	s14 =	smov.u32 s15;
	s15 =	sadd.s32 $0x4, s15  }
.Ltmp3:
0x2d: {  	v0 =	vld [tilespmem:s16+$0xFFFFFFF0];
	(pc) =	sbr.rel @p1 .LBB1_3-.Ltmp3, $4  }
0x2e: {  	_ = 	snop  }
0x2f: {  	s14 =	sshra.s32 s14, $0x2  }
0x30: {  	s14 =	sadd.s32 s14, s13  }
0x31: {  	s16 =	sadd.s32 $0x20, s16;
	[tilespmem:s14+$0x810 ss:$0x81] =	vst.msk $0xffff, v1  }
.Ltmp4:
0x32: {  	_ = 	snop;
	(pc) =	sbr.rel .LBB1_4-.Ltmp4, $1  }
0x33: {  	_ =	sdelay $0x3  }
.LBB1_6:
0x34: {  	_ =	sfence.sel $0x180000  }
0x35: {  	s2 =	simm.s32 $0x1;
	[bflag:$0x0] =	sbarrier.arrive $0xFFFF  }
0x36: {  	s31 =	simm.s32 $0x2;
	[sflag:s2] =	ssyncpa.u1 $0x1  }
0x37: {  	[sflag:s31] =	ssyncpa.u1 $0x1  }
0x38: {  	p0 =	sne.s32 s0, $0x0;
	_ =	strace $0x9000004A  }
0x39: {  	s0 =	sadd.s32 @!p0 $0x100000, s1;
	[bflag:$0x2] =	sbarrier.arrive $0xFFFF  }
0x3a: {  	[sflag:s0] =	ssyncadd.tile.s32 @!p0 $0x1;
	_ =	shalt  }
.Lfunc_end1:
_tile_overlayer_lowered:
.L_overlay_start_2:
0x3b: {  	(tag) =	ssettag $0x2  }
0x3c: {  	s0 =	rddreg [dreg:$0x0];
	s2 =	stileid.u32  }
0x3d: {  	s1 =	rddreg [dreg:$0x1];
	p0 =	sne.s32 s2, $0x0  }
0x3e: {  	s3 =	rddreg [dreg:$0x2];
	[bflag:$0x3] =	sbarrier.arrive $0xFFFF;
	s2 =	simm.s32 @!p0 $0x1C01  }
0x3f: {  	[timem:s3], [sflag:s2] =	dma.local @!p0 [hbm:s0], s1  }
0x40: {  	s0 =	simm.s32 @!p0 $0x1  }
0x41: {  	_ =	swait.ge @!p0 [sflag:s0], s1  }
0x42: {  	s1 =	ssub.s32 @!p0 $0x0, s1;
	[sflag:s0] =	ssyncset.done @!p0 $0x0  }
0x43: {  	[sflag:s0] =	ssyncadd.s32 @!p0 s1  }
0x44: {  	[bflag:$0x3] =	sbarrier.arrive $0xFFFF  }
0x45: {  	_ =	shalt  }

</sc_bundles>
